<compile_context>
chip_gen: v7x
topology: tpu7x:2x2x1
jax: 0.10.2.dev20260603
libtpu: 0.0.44.dev20260713+nightly
codegen_flags: <defaults>
</compile_context>

<pallas_src>
import functools

import jax
import jax.numpy as jnp
from jax import lax
from jax.experimental import pallas as pl
from jax.experimental.pallas import tpu as pltpu
from jax.experimental.pallas import tpu_sc as plsc

_NUM_USERS = 500000
_EMB = 64
_B = 16384
_NC = 2
_NS = 16
_NW = _NC * _NS
_BPW = _B // _NW
_L = 16

_NCHUNK = 8
_CS = _BPW // _NCHUNK


def _body(users_hbm, items_hbm, neg_hbm, table_hbm,
          u_out, v_out, n_out,
          idx_u, idx_i, idx_n, rows_u, rows_i, rows_n,
          *sems):
    csems, sem_o = sems[:_NCHUNK], sems[_NCHUNK]
    wid = lax.axis_index("s") * _NC + lax.axis_index("c")
    base = wid * _BPW

    pltpu.sync_copy(users_hbm.at[pl.ds(base, _BPW)], idx_u)
    pltpu.sync_copy(items_hbm.at[pl.ds(base, _BPW)], idx_i)
    pltpu.sync_copy(neg_hbm.at[pl.ds(base, _BPW)], idx_n)
    for j in range(_BPW // _L):
        s = pl.ds(j * _L, _L)
        idx_i[s] = idx_i[s] + _NUM_USERS
        idx_n[s] = idx_n[s] + _NUM_USERS

    cps = []
    for c in range(_NCHUNK):
        s = pl.ds(c * _CS, _CS)
        cps.append((
            pltpu.async_copy(table_hbm.at[idx_u.at[s]], rows_u.at[s], csems[c]),
            pltpu.async_copy(table_hbm.at[idx_i.at[s]], rows_i.at[s], csems[c]),
            pltpu.async_copy(table_hbm.at[idx_n.at[s]], rows_n.at[s], csems[c]),
        ))
    ocps = []
    for c in range(_NCHUNK):
        s = pl.ds(c * _CS, _CS)
        so = pl.ds(base + c * _CS, _CS)
        for cp in cps[c]:
            cp.wait()
        ocps.append(pltpu.async_copy(rows_u.at[s], u_out.at[so], sem_o))
        ocps.append(pltpu.async_copy(rows_i.at[s], v_out.at[so], sem_o))
        ocps.append(pltpu.async_copy(rows_n.at[s], n_out.at[so], sem_o))
    for ocp in ocps:
        ocp.wait()


_gather = functools.partial(
    pl.kernel,
    mesh=plsc.VectorSubcoreMesh(core_axis_name="c", subcore_axis_name="s"),
    compiler_params=pltpu.CompilerParams(use_tc_tiling_on_sc=False),
    out_type=[jax.ShapeDtypeStruct((_B, _EMB), jnp.float32)] * 3,
    scratch_types=[
        pltpu.VMEM((_BPW,), jnp.int32),
        pltpu.VMEM((_BPW,), jnp.int32),
        pltpu.VMEM((_BPW,), jnp.int32),
        pltpu.VMEM((_BPW, _EMB), jnp.float32),
        pltpu.VMEM((_BPW, _EMB), jnp.float32),
        pltpu.VMEM((_BPW, _EMB), jnp.float32),
    ] + [pltpu.SemaphoreType.DMA] * (_NCHUNK + 1),
)(_body)


def kernel(users, items, neg_items, U_and_V):
    u, v, n = _gather(users.astype(jnp.int32), items.astype(jnp.int32),
                      neg_items.astype(jnp.int32), U_and_V)
    return (u, v, n)

# --- scband reference (transcript-rebuilt; emitter-appended) ---
"""Pipeline reference for scband-gnn-6665789243893 (READ-ONLY COPY).

The authoritative reference and input builder live on the scoring server;
editing this copy changes nothing except your own understanding.
"""

import jax, jax.numpy as jnp
import numpy as np

NUM_USERS = 500000
NUM_ITEMS = 500000
EMB = 64
B = 16384


def setup_inputs(seed: int = 0) -> dict:
    key = jax.random.key(seed)
    k1, k2, k3, k4 = jax.random.split(key, 4)
    users = jax.random.randint(k1, (B,), 0, NUM_USERS)
    items = jax.random.randint(k2, (B,), 0, NUM_ITEMS)
    neg_items = jax.random.randint(k3, (B,), 0, NUM_ITEMS)
    # U_and_V is the post-graph-convolution node embedding memory
    # (num_users + num_items, emb_size), produced by graph_convolution();
    # here it is materialized as a learned/stateful parameter.
    U_and_V = jax.random.normal(k4, (NUM_USERS + NUM_ITEMS, EMB), dtype=jnp.float32) * 0.02
    return {"users": users, "items": items, "neg_items": neg_items, "U_and_V": U_and_V}


def my_index_select(memory, index):
    tmp = list(index.shape) + [-1]
    index = index.reshape(-1)
    ans = jnp.take(memory, index, axis=0)
    return ans.reshape(tmp)


def reference(users, items, neg_items, U_and_V):
    # training-mode forward: three row gathers from the node embedding memory
    u = my_index_select(U_and_V, users)
    v = my_index_select(U_and_V, items + NUM_USERS)
    neg_v = my_index_select(U_and_V, neg_items + NUM_USERS)
    return (u, v, neg_v)

if __name__ == "__main__":
    import jax
    _d = setup_inputs()
    print(jax.jit(kernel)(*tuple(_d.values())))

</pallas_src>

<mosaic_0001>
#map = affine_map<(d0, d1) -> (0)>
#map1 = affine_map<(d0, d1) -> (0, 0)>
module attributes {stable_mosaic.version = 14 : i64} {
  func.func @_body(%arg0: i32, %arg1: i32, %arg2: memref<16384xi32, #tpu.memory_space<hbm>>, %arg3: memref<16384xi32, #tpu.memory_space<hbm>>, %arg4: memref<16384xi32, #tpu.memory_space<hbm>>, %arg5: memref<1000000x64xf32, #tpu.memory_space<hbm>>, %arg6: memref<16384x64xf32, #tpu.memory_space<hbm>>, %arg7: memref<16384x64xf32, #tpu.memory_space<hbm>>, %arg8: memref<16384x64xf32, #tpu.memory_space<hbm>>, %arg9: memref<512xi32, #tpu.memory_space<vmem>>, %arg10: memref<512xi32, #tpu.memory_space<vmem>>, %arg11: memref<512xi32, #tpu.memory_space<vmem>>, %arg12: memref<512x64xf32, #tpu.memory_space<vmem>>, %arg13: memref<512x64xf32, #tpu.memory_space<vmem>>, %arg14: memref<512x64xf32, #tpu.memory_space<vmem>>, %arg15: memref<!tpu.dma_semaphore, #tpu.memory_space<semaphore_mem>>, %arg16: memref<!tpu.dma_semaphore, #tpu.memory_space<semaphore_mem>>, %arg17: memref<!tpu.dma_semaphore, #tpu.memory_space<semaphore_mem>>, %arg18: memref<!tpu.dma_semaphore, #tpu.memory_space<semaphore_mem>>, %arg19: memref<!tpu.dma_semaphore, #tpu.memory_space<semaphore_mem>>, %arg20: memref<!tpu.dma_semaphore, #tpu.memory_space<semaphore_mem>>, %arg21: memref<!tpu.dma_semaphore, #tpu.memory_space<semaphore_mem>>, %arg22: memref<!tpu.dma_semaphore, #tpu.memory_space<semaphore_mem>>, %arg23: memref<!tpu.dma_semaphore, #tpu.memory_space<semaphore_mem>>) attributes {dimension_semantics = [#tpu.dimension_semantics<core_parallel>, #tpu.dimension_semantics<subcore_parallel>], iteration_bounds = array<i64: 2, 16>, scalar_prefetch = 0 : i64, scratch_operands = 15 : i64, tpu.core_type = #tpu.core_type<sc_vector_subcore>, window_params = [{transform_indices = #map}, {transform_indices = #map}, {transform_indices = #map}, {transform_indices = #map1}, {transform_indices = #map1}, {transform_indices = #map1}, {transform_indices = #map1}]} {
    %mul3A = arith.constant 2 : i32
    %mul3A_0 = arith.muli %arg1, %mul3A : i32
    %add3A = arith.addi %mul3A_0, %arg0 : i32
    %mul3A_1 = arith.constant 512 : i32
    %mul3A_2 = arith.muli %add3A, %mul3A_1 : i32
    "tpu.region"() ({
      %run_scoped3A = tpu.sem_alloc : memref<!tpu.dma_semaphore, #tpu.memory_space<semaphore_mem>>
      %dma_start3A_1519 = tpu.memref_slice %arg2[%mul3A_2] : memref<16384xi32, #tpu.memory_space<hbm>> -> memref<512xi32, #tpu.memory_space<hbm>>
      %dma_start3A_1520 = tpu.memref_slice %arg2[%mul3A_2] : memref<16384xi32, #tpu.memory_space<hbm>> -> memref<512xi32, #tpu.memory_space<hbm>>
      tpu.enqueue_dma source(%dma_start3A_1520 : memref<512xi32, #tpu.memory_space<hbm>>) target(%arg9 : memref<512xi32, #tpu.memory_space<vmem>>) target_semaphore(%run_scoped3A : memref<!tpu.dma_semaphore, #tpu.memory_space<semaphore_mem>>)
      %dma_wait3A_1521 = tpu.memref_slice %arg2[%mul3A_2] : memref<16384xi32, #tpu.memory_space<hbm>> -> memref<512xi32, #tpu.memory_space<hbm>>
      %dma_wait3A_1522 = tpu.memref_slice %arg2[%mul3A_2] : memref<16384xi32, #tpu.memory_space<hbm>> -> memref<512xi32, #tpu.memory_space<hbm>>
      tpu.wait_dma2 semaphore(%run_scoped3A : memref<!tpu.dma_semaphore, #tpu.memory_space<semaphore_mem>>) src(%dma_wait3A_1522 : memref<512xi32, #tpu.memory_space<hbm>>) dst(%arg9 : memref<512xi32, #tpu.memory_space<vmem>>)
      tpu.yield
    }) : () -> ()
    "tpu.region"() ({
      %run_scoped3A = tpu.sem_alloc : memref<!tpu.dma_semaphore, #tpu.memory_space<semaphore_mem>>
      %dma_start3A_1519 = tpu.memref_slice %arg3[%mul3A_2] : memref<16384xi32, #tpu.memory_space<hbm>> -> memref<512xi32, #tpu.memory_space<hbm>>
      %dma_start3A_1520 = tpu.memref_slice %arg3[%mul3A_2] : memref<16384xi32, #tpu.memory_space<hbm>> -> memref<512xi32, #tpu.memory_space<hbm>>
      tpu.enqueue_dma source(%dma_start3A_1520 : memref<512xi32, #tpu.memory_space<hbm>>) target(%arg10 : memref<512xi32, #tpu.memory_space<vmem>>) target_semaphore(%run_scoped3A : memref<!tpu.dma_semaphore, #tpu.memory_space<semaphore_mem>>)
      %dma_wait3A_1521 = tpu.memref_slice %arg3[%mul3A_2] : memref<16384xi32, #tpu.memory_space<hbm>> -> memref<512xi32, #tpu.memory_space<hbm>>
      %dma_wait3A_1522 = tpu.memref_slice %arg3[%mul3A_2] : memref<16384xi32, #tpu.memory_space<hbm>> -> memref<512xi32, #tpu.memory_space<hbm>>
      tpu.wait_dma2 semaphore(%run_scoped3A : memref<!tpu.dma_semaphore, #tpu.memory_space<semaphore_mem>>) src(%dma_wait3A_1522 : memref<512xi32, #tpu.memory_space<hbm>>) dst(%arg10 : memref<512xi32, #tpu.memory_space<vmem>>)
      tpu.yield
    }) : () -> ()
    "tpu.region"() ({
      %run_scoped3A = tpu.sem_alloc : memref<!tpu.dma_semaphore, #tpu.memory_space<semaphore_mem>>
      %dma_start3A_1519 = tpu.memref_slice %arg4[%mul3A_2] : memref<16384xi32, #tpu.memory_space<hbm>> -> memref<512xi32, #tpu.memory_space<hbm>>
      %dma_start3A_1520 = tpu.memref_slice %arg4[%mul3A_2] : memref<16384xi32, #tpu.memory_space<hbm>> -> memref<512xi32, #tpu.memory_space<hbm>>
      tpu.enqueue_dma source(%dma_start3A_1520 : memref<512xi32, #tpu.memory_space<hbm>>) target(%arg11 : memref<512xi32, #tpu.memory_space<vmem>>) target_semaphore(%run_scoped3A : memref<!tpu.dma_semaphore, #tpu.memory_space<semaphore_mem>>)
      %dma_wait3A_1521 = tpu.memref_slice %arg4[%mul3A_2] : memref<16384xi32, #tpu.memory_space<hbm>> -> memref<512xi32, #tpu.memory_space<hbm>>
      %dma_wait3A_1522 = tpu.memref_slice %arg4[%mul3A_2] : memref<16384xi32, #tpu.memory_space<hbm>> -> memref<512xi32, #tpu.memory_space<hbm>>
      tpu.wait_dma2 semaphore(%run_scoped3A : memref<!tpu.dma_semaphore, #tpu.memory_space<semaphore_mem>>) src(%dma_wait3A_1522 : memref<512xi32, #tpu.memory_space<hbm>>) dst(%arg11 : memref<512xi32, #tpu.memory_space<vmem>>)
      tpu.yield
    }) : () -> ()
    %get3A = arith.constant 0 : index
    %get3A_3 = tpu.vector_load %arg10[%get3A] {strides = array<i32>} : memref<512xi32, #tpu.memory_space<vmem>>, vector<16xi32>,
    %get3A_4 = vector.shape_cast %get3A_3 : vector<16xi32> to vector<16xi32>
    %add3A_5 = arith.constant 500000 : i32
    %add3A_6 = vector.broadcast %add3A_5 : i32 to vector<16xi32>
    %add3A_7 = arith.addi %get3A_4, %add3A_6 : vector<16xi32>
    %swap3A = arith.constant 0 : index
    %swap3A_8 = tpu.vector_load %arg10[%swap3A] {strides = array<i32>} : memref<512xi32, #tpu.memory_space<vmem>>, vector<16xi32>,
    %swap3A_9 = vector.shape_cast %swap3A_8 : vector<16xi32> to vector<16xi32>
    %swap3A_10 = vector.shape_cast %add3A_7 : vector<16xi32> to vector<16xi32>
    tpu.vector_store %arg10[%swap3A], %swap3A_10 {strides = array<i32>} : memref<512xi32, #tpu.memory_space<vmem>>, vector<16xi32>,
    %get3A_11 = arith.constant 0 : index
    %get3A_12 = tpu.vector_load %arg11[%get3A_11] {strides = array<i32>} : memref<512xi32, #tpu.memory_space<vmem>>, vector<16xi32>,
    %get3A_13 = vector.shape_cast %get3A_12 : vector<16xi32> to vector<16xi32>
    %add3A_14 = arith.constant 500000 : i32
    %add3A_15 = vector.broadcast %add3A_14 : i32 to vector<16xi32>
    %add3A_16 = arith.addi %get3A_13, %add3A_15 : vector<16xi32>
    %swap3A_17 = arith.constant 0 : index
    %swap3A_18 = tpu.vector_load %arg11[%swap3A_17] {strides = array<i32>} : memref<512xi32, #tpu.memory_space<vmem>>, vector<16xi32>,
    %swap3A_19 = vector.shape_cast %swap3A_18 : vector<16xi32> to vector<16xi32>
    %swap3A_20 = vector.shape_cast %add3A_16 : vector<16xi32> to vector<16xi32>
    tpu.vector_store %arg11[%swap3A_17], %swap3A_20 {strides = array<i32>} : memref<512xi32, #tpu.memory_space<vmem>>, vector<16xi32>,
    %get3A_21 = arith.constant 16 : index
    %get3A_22 = tpu.vector_load %arg10[%get3A_21] {strides = array<i32>} : memref<512xi32, #tpu.memory_space<vmem>>, vector<16xi32>,
    %get3A_23 = vector.shape_cast %get3A_22 : vector<16xi32> to vector<16xi32>
    %add3A_24 = arith.constant 500000 : i32
    %add3A_25 = vector.broadcast %add3A_24 : i32 to vector<16xi32>
    %add3A_26 = arith.addi %get3A_23, %add3A_25 : vector<16xi32>
    %swap3A_27 = arith.constant 16 : index
    %swap3A_28 = tpu.vector_load %arg10[%swap3A_27] {strides = array<i32>} : memref<512xi32, #tpu.memory_space<vmem>>, vector<16xi32>,
    %swap3A_29 = vector.shape_cast %swap3A_28 : vector<16xi32> to vector<16xi32>
    %swap3A_30 = vector.shape_cast %add3A_26 : vector<16xi32> to vector<16xi32>
    tpu.vector_store %arg10[%swap3A_27], %swap3A_30 {strides = array<i32>} : memref<512xi32, #tpu.memory_space<vmem>>, vector<16xi32>,
    %get3A_31 = arith.constant 16 : index
    %get3A_32 = tpu.vector_load %arg11[%get3A_31] {strides = array<i32>} : memref<512xi32, #tpu.memory_space<vmem>>, vector<16xi32>,
    %get3A_33 = vector.shape_cast %get3A_32 : vector<16xi32> to vector<16xi32>
    %add3A_34 = arith.constant 500000 : i32
    %add3A_35 = vector.broadcast %add3A_34 : i32 to vector<16xi32>
    %add3A_36 = arith.addi %get3A_33, %add3A_35 : vector<16xi32>
    %swap3A_37 = arith.constant 16 : index
    %swap3A_38 = tpu.vector_load %arg11[%swap3A_37] {strides = array<i32>} : memref<512xi32, #tpu.memory_space<vmem>>, vector<16xi32>,
    %swap3A_39 = vector.shape_cast %swap3A_38 : vector<16xi32> to vector<16xi32>
    %swap3A_40 = vector.shape_cast %add3A_36 : vector<16xi32> to vector<16xi32>
    tpu.vector_store %arg11[%swap3A_37], %swap3A_40 {strides = array<i32>} : memref<512xi32, #tpu.memory_space<vmem>>, vector<16xi32>,
    %get3A_41 = arith.constant 32 : index
    %get3A_42 = tpu.vector_load %arg10[%get3A_41] {strides = array<i32>} : memref<512xi32, #tpu.memory_space<vmem>>, vector<16xi32>,
    %get3A_43 = vector.shape_cast %get3A_42 : vector<16xi32> to vector<16xi32>
    %add3A_44 = arith.constant 500000 : i32
    %add3A_45 = vector.broadcast %add3A_44 : i32 to vector<16xi32>
    %add3A_46 = arith.addi %get3A_43, %add3A_45 : vector<16xi32>
    %swap3A_47 = arith.constant 32 : index
    %swap3A_48 = tpu.vector_load %arg10[%swap3A_47] {strides = array<i32>} : memref<512xi32, #tpu.memory_space<vmem>>, vector<16xi32>,
    %swap3A_49 = vector.shape_cast %swap3A_48 : vector<16xi32> to vector<16xi32>
    %swap3A_50 = vector.shape_cast %add3A_46 : vector<16xi32> to vector<16xi32>
    tpu.vector_store %arg10[%swap3A_47], %swap3A_50 {strides = array<i32>} : memref<512xi32, #tpu.memory_space<vmem>>, vector<16xi32>,
    %get3A_51 = arith.constant 32 : index
    %get3A_52 = tpu.vector_load %arg11[%get3A_51] {strides = array<i32>} : memref<512xi32, #tpu.memory_space<vmem>>, vector<16xi32>,
    %get3A_53 = vector.shape_cast %get3A_52 : vector<16xi32> to vector<16xi32>
    %add3A_54 = arith.constant 500000 : i32
    %add3A_55 = vector.broadcast %add3A_54 : i32 to vector<16xi32>
    %add3A_56 = arith.addi %get3A_53, %add3A_55 : vector<16xi32>
    %swap3A_57 = arith.constant 32 : index
    %swap3A_58 = tpu.vector_load %arg11[%swap3A_57] {strides = array<i32>} : memref<512xi32, #tpu.memory_space<vmem>>, vector<16xi32>,
    %swap3A_59 = vector.shape_cast %swap3A_58 : vector<16xi32> to vector<16xi32>
    %swap3A_60 = vector.shape_cast %add3A_56 : vector<16xi32> to vector<16xi32>
    tpu.vector_store %arg11[%swap3A_57], %swap3A_60 {strides = array<i32>} : memref<512xi32, #tpu.memory_space<vmem>>, vector<16xi32>,
    %get3A_61 = arith.constant 48 : index
    %get3A_62 = tpu.vector_load %arg10[%get3A_61] {strides = array<i32>} : memref<512xi32, #tpu.memory_space<vmem>>, vector<16xi32>,
    %get3A_63 = vector.shape_cast %get3A_62 : vector<16xi32> to vector<16xi32>
    %add3A_64 = arith.constant 500000 : i32
    %add3A_65 = vector.broadcast %add3A_64 : i32 to vector<16xi32>
    %add3A_66 = arith.addi %get3A_63, %add3A_65 : vector<16xi32>
    %swap3A_67 = arith.constant 48 : index
    %swap3A_68 = tpu.vector_load %arg10[%swap3A_67] {strides = array<i32>} : memref<512xi32, #tpu.memory_space<vmem>>, vector<16xi32>,
    %swap3A_69 = vector.shape_cast %swap3A_68 : vector<16xi32> to vector<16xi32>
    %swap3A_70 = vector.shape_cast %add3A_66 : vector<16xi32> to vector<16xi32>
    tpu.vector_store %arg10[%swap3A_67], %swap3A_70 {strides = array<i32>} : memref<512xi32, #tpu.memory_space<vmem>>, vector<16xi32>,
    %get3A_71 = arith.constant 48 : index
    %get3A_72 = tpu.vector_load %arg11[%get3A_71] {strides = array<i32>} : memref<512xi32, #tpu.memory_space<vmem>>, vector<16xi32>,
    %get3A_73 = vector.shape_cast %get3A_72 : vector<16xi32> to vector<16xi32>
    %add3A_74 = arith.constant 500000 : i32
    %add3A_75 = vector.broadcast %add3A_74 : i32 to vector<16xi32>
    %add3A_76 = arith.addi %get3A_73, %add3A_75 : vector<16xi32>
    %swap3A_77 = arith.constant 48 : index
    %swap3A_78 = tpu.vector_load %arg11[%swap3A_77] {strides = array<i32>} : memref<512xi32, #tpu.memory_space<vmem>>, vector<16xi32>,
    %swap3A_79 = vector.shape_cast %swap3A_78 : vector<16xi32> to vector<16xi32>
    %swap3A_80 = vector.shape_cast %add3A_76 : vector<16xi32> to vector<16xi32>
    tpu.vector_store %arg11[%swap3A_77], %swap3A_80 {strides = array<i32>} : memref<512xi32, #tpu.memory_space<vmem>>, vector<16xi32>,
    %get3A_81 = arith.constant 64 : index
    %get3A_82 = tpu.vector_load %arg10[%get3A_81] {strides = array<i32>} : memref<512xi32, #tpu.memory_space<vmem>>, vector<16xi32>,
    %get3A_83 = vector.shape_cast %get3A_82 : vector<16xi32> to vector<16xi32>
    %add3A_84 = arith.constant 500000 : i32
    %add3A_85 = vector.broadcast %add3A_84 : i32 to vector<16xi32>
    %add3A_86 = arith.addi %get3A_83, %add3A_85 : vector<16xi32>
    %swap3A_87 = arith.constant 64 : index
    %swap3A_88 = tpu.vector_load %arg10[%swap3A_87] {strides = array<i32>} : memref<512xi32, #tpu.memory_space<vmem>>, vector<16xi32>,
    %swap3A_89 = vector.shape_cast %swap3A_88 : vector<16xi32> to vector<16xi32>
    %swap3A_90 = vector.shape_cast %add3A_86 : vector<16xi32> to vector<16xi32>
    tpu.vector_store %arg10[%swap3A_87], %swap3A_90 {strides = array<i32>} : memref<512xi32, #tpu.memory_space<vmem>>, vector<16xi32>,
    %get3A_91 = arith.constant 64 : index
    %get3A_92 = tpu.vector_load %arg11[%get3A_91] {strides = array<i32>} : memref<512xi32, #tpu.memory_space<vmem>>, vector<16xi32>,
    %get3A_93 = vector.shape_cast %get3A_92 : vector<16xi32> to vector<16xi32>
    %add3A_94 = arith.constant 500000 : i32
    %add3A_95 = vector.broadcast %add3A_94 : i32 to vector<16xi32>
    %add3A_96 = arith.addi %get3A_93, %add3A_95 : vector<16xi32>
    %swap3A_97 = arith.constant 64 : index
    %swap3A_98 = tpu.vector_load %arg11[%swap3A_97] {strides = array<i32>} : memref<512xi32, #tpu.memory_space<vmem>>, vector<16xi32>,
    %swap3A_99 = vector.shape_cast %swap3A_98 : vector<16xi32> to vector<16xi32>
    %swap3A_100 = vector.shape_cast %add3A_96 : vector<16xi32> to vector<16xi32>
    tpu.vector_store %arg11[%swap3A_97], %swap3A_100 {strides = array<i32>} : memref<512xi32, #tpu.memory_space<vmem>>, vector<16xi32>,
    %get3A_101 = arith.constant 80 : index
    %get3A_102 = tpu.vector_load %arg10[%get3A_101] {strides = array<i32>} : memref<512xi32, #tpu.memory_space<vmem>>, vector<16xi32>,
    %get3A_103 = vector.shape_cast %get3A_102 : vector<16xi32> to vector<16xi32>
    %add3A_104 = arith.constant 500000 : i32
    %add3A_105 = vector.broadcast %add3A_104 : i32 to vector<16xi32>
    %add3A_106 = arith.addi %get3A_103, %add3A_105 : vector<16xi32>
    %swap3A_107 = arith.constant 80 : index
    %swap3A_108 = tpu.vector_load %arg10[%swap3A_107] {strides = array<i32>} : memref<512xi32, #tpu.memory_space<vmem>>, vector<16xi32>,
    %swap3A_109 = vector.shape_cast %swap3A_108 : vector<16xi32> to vector<16xi32>
    %swap3A_110 = vector.shape_cast %add3A_106 : vector<16xi32> to vector<16xi32>
    tpu.vector_store %arg10[%swap3A_107], %swap3A_110 {strides = array<i32>} : memref<512xi32, #tpu.memory_space<vmem>>, vector<16xi32>,
    %get3A_111 = arith.constant 80 : index
    %get3A_112 = tpu.vector_load %arg11[%get3A_111] {strides = array<i32>} : memref<512xi32, #tpu.memory_space<vmem>>, vector<16xi32>,
    %get3A_113 = vector.shape_cast %get3A_112 : vector<16xi32> to vector<16xi32>
    %add3A_114 = arith.constant 500000 : i32
    %add3A_115 = vector.broadcast %add3A_114 : i32 to vector<16xi32>
    %add3A_116 = arith.addi %get3A_113, %add3A_115 : vector<16xi32>
    %swap3A_117 = arith.constant 80 : index
    %swap3A_118 = tpu.vector_load %arg11[%swap3A_117] {strides = array<i32>} : memref<512xi32, #tpu.memory_space<vmem>>, vector<16xi32>,
    %swap3A_119 = vector.shape_cast %swap3A_118 : vector<16xi32> to vector<16xi32>
    %swap3A_120 = vector.shape_cast %add3A_116 : vector<16xi32> to vector<16xi32>
    tpu.vector_store %arg11[%swap3A_117], %swap3A_120 {strides = array<i32>} : memref<512xi32, #tpu.memory_space<vmem>>, vector<16xi32>,
    %get3A_121 = arith.constant 96 : index
    %get3A_122 = tpu.vector_load %arg10[%get3A_121] {strides = array<i32>} : memref<512xi32, #tpu.memory_space<vmem>>, vector<16xi32>,
    %get3A_123 = vector.shape_cast %get3A_122 : vector<16xi32> to vector<16xi32>
    %add3A_124 = arith.constant 500000 : i32
    %add3A_125 = vector.broadcast %add3A_124 : i32 to vector<16xi32>
    %add3A_126 = arith.addi %get3A_123, %add3A_125 : vector<16xi32>
    %swap3A_127 = arith.constant 96 : index
    %swap3A_128 = tpu.vector_load %arg10[%swap3A_127] {strides = array<i32>} : memref<512xi32, #tpu.memory_space<vmem>>, vector<16xi32>,
    %swap3A_129 = vector.shape_cast %swap3A_128 : vector<16xi32> to vector<16xi32>
    %swap3A_130 = vector.shape_cast %add3A_126 : vector<16xi32> to vector<16xi32>
    tpu.vector_store %arg10[%swap3A_127], %swap3A_130 {strides = array<i32>} : memref<512xi32, #tpu.memory_space<vmem>>, vector<16xi32>,
    %get3A_131 = arith.constant 96 : index
    %get3A_132 = tpu.vector_load %arg11[%get3A_131] {strides = array<i32>} : memref<512xi32, #tpu.memory_space<vmem>>, vector<16xi32>,
    %get3A_133 = vector.shape_cast %get3A_132 : vector<16xi32> to vector<16xi32>
    %add3A_134 = arith.constant 500000 : i32
    %add3A_135 = vector.broadcast %add3A_134 : i32 to vector<16xi32>
    %add3A_136 = arith.addi %get3A_133, %add3A_135 : vector<16xi32>
    %swap3A_137 = arith.constant 96 : index
    %swap3A_138 = tpu.vector_load %arg11[%swap3A_137] {strides = array<i32>} : memref<512xi32, #tpu.memory_space<vmem>>, vector<16xi32>,
    %swap3A_139 = vector.shape_cast %swap3A_138 : vector<16xi32> to vector<16xi32>
    %swap3A_140 = vector.shape_cast %add3A_136 : vector<16xi32> to vector<16xi32>
    tpu.vector_store %arg11[%swap3A_137], %swap3A_140 {strides = array<i32>} : memref<512xi32, #tpu.memory_space<vmem>>, vector<16xi32>,
    %get3A_141 = arith.constant 112 : index
    %get3A_142 = tpu.vector_load %arg10[%get3A_141] {strides = array<i32>} : memref<512xi32, #tpu.memory_space<vmem>>, vector<16xi32>,
    %get3A_143 = vector.shape_cast %get3A_142 : vector<16xi32> to vector<16xi32>
    %add3A_144 = arith.constant 500000 : i32
    %add3A_145 = vector.broadcast %add3A_144 : i32 to vector<16xi32>
    %add3A_146 = arith.addi %get3A_143, %add3A_145 : vector<16xi32>
    %swap3A_147 = arith.constant 112 : index
    %swap3A_148 = tpu.vector_load %arg10[%swap3A_147] {strides = array<i32>} : memref<512xi32, #tpu.memory_space<vmem>>, vector<16xi32>,
    %swap3A_149 = vector.shape_cast %swap3A_148 : vector<16xi32> to vector<16xi32>
    %swap3A_150 = vector.shape_cast %add3A_146 : vector<16xi32> to vector<16xi32>
    tpu.vector_store %arg10[%swap3A_147], %swap3A_150 {strides = array<i32>} : memref<512xi32, #tpu.memory_space<vmem>>, vector<16xi32>,
    %get3A_151 = arith.constant 112 : index
    %get3A_152 = tpu.vector_load %arg11[%get3A_151] {strides = array<i32>} : memref<512xi32, #tpu.memory_space<vmem>>, vector<16xi32>,
    %get3A_153 = vector.shape_cast %get3A_152 : vector<16xi32> to vector<16xi32>
    %add3A_154 = arith.constant 500000 : i32
    %add3A_155 = vector.broadcast %add3A_154 : i32 to vector<16xi32>
    %add3A_156 = arith.addi %get3A_153, %add3A_155 : vector<16xi32>
    %swap3A_157 = arith.constant 112 : index
    %swap3A_158 = tpu.vector_load %arg11[%swap3A_157] {strides = array<i32>} : memref<512xi32, #tpu.memory_space<vmem>>, vector<16xi32>,
    %swap3A_159 = vector.shape_cast %swap3A_158 : vector<16xi32> to vector<16xi32>
    %swap3A_160 = vector.shape_cast %add3A_156 : vector<16xi32> to vector<16xi32>
    tpu.vector_store %arg11[%swap3A_157], %swap3A_160 {strides = array<i32>} : memref<512xi32, #tpu.memory_space<vmem>>, vector<16xi32>,
    %get3A_161 = arith.constant 128 : index
    %get3A_162 = tpu.vector_load %arg10[%get3A_161] {strides = array<i32>} : memref<512xi32, #tpu.memory_space<vmem>>, vector<16xi32>,
    %get3A_163 = vector.shape_cast %get3A_162 : vector<16xi32> to vector<16xi32>
    %add3A_164 = arith.constant 500000 : i32
    %add3A_165 = vector.broadcast %add3A_164 : i32 to vector<16xi32>
    %add3A_166 = arith.addi %get3A_163, %add3A_165 : vector<16xi32>
    %swap3A_167 = arith.constant 128 : index
    %swap3A_168 = tpu.vector_load %arg10[%swap3A_167] {strides = array<i32>} : memref<512xi32, #tpu.memory_space<vmem>>, vector<16xi32>,
    %swap3A_169 = vector.shape_cast %swap3A_168 : vector<16xi32> to vector<16xi32>
    %swap3A_170 = vector.shape_cast %add3A_166 : vector<16xi32> to vector<16xi32>
    tpu.vector_store %arg10[%swap3A_167], %swap3A_170 {strides = array<i32>} : memref<512xi32, #tpu.memory_space<vmem>>, vector<16xi32>,
    %get3A_171 = arith.constant 128 : index
    %get3A_172 = tpu.vector_load %arg11[%get3A_171] {strides = array<i32>} : memref<512xi32, #tpu.memory_space<vmem>>, vector<16xi32>,
    %get3A_173 = vector.shape_cast %get3A_172 : vector<16xi32> to vector<16xi32>
    %add3A_174 = arith.constant 500000 : i32
    %add3A_175 = vector.broadcast %add3A_174 : i32 to vector<16xi32>
    %add3A_176 = arith.addi %get3A_173, %add3A_175 : vector<16xi32>
    %swap3A_177 = arith.constant 128 : index
    %swap3A_178 = tpu.vector_load %arg11[%swap3A_177] {strides = array<i32>} : memref<512xi32, #tpu.memory_space<vmem>>, vector<16xi32>,
    %swap3A_179 = vector.shape_cast %swap3A_178 : vector<16xi32> to vector<16xi32>
    %swap3A_180 = vector.shape_cast %add3A_176 : vector<16xi32> to vector<16xi32>
    tpu.vector_store %arg11[%swap3A_177], %swap3A_180 {strides = array<i32>} : memref<512xi32, #tpu.memory_space<vmem>>, vector<16xi32>,
    %get3A_181 = arith.constant 144 : index
    %get3A_182 = tpu.vector_load %arg10[%get3A_181] {strides = array<i32>} : memref<512xi32, #tpu.memory_space<vmem>>, vector<16xi32>,
    %get3A_183 = vector.shape_cast %get3A_182 : vector<16xi32> to vector<16xi32>
    %add3A_184 = arith.constant 500000 : i32
    %add3A_185 = vector.broadcast %add3A_184 : i32 to vector<16xi32>
    %add3A_186 = arith.addi %get3A_183, %add3A_185 : vector<16xi32>
    %swap3A_187 = arith.constant 144 : index
    %swap3A_188 = tpu.vector_load %arg10[%swap3A_187] {strides = array<i32>} : memref<512xi32, #tpu.memory_space<vmem>>, vector<16xi32>,
    %swap3A_189 = vector.shape_cast %swap3A_188 : vector<16xi32> to vector<16xi32>
    %swap3A_190 = vector.shape_cast %add3A_186 : vector<16xi32> to vector<16xi32>
    tpu.vector_store %arg10[%swap3A_187], %swap3A_190 {strides = array<i32>} : memref<512xi32, #tpu.memory_space<vmem>>, vector<16xi32>,
    %get3A_191 = arith.constant 144 : index
    %get3A_192 = tpu.vector_load %arg11[%get3A_191] {strides = array<i32>} : memref<512xi32, #tpu.memory_space<vmem>>, vector<16xi32>,
    %get3A_193 = vector.shape_cast %get3A_192 : vector<16xi32> to vector<16xi32>
    %add3A_194 = arith.constant 500000 : i32
    %add3A_195 = vector.broadcast %add3A_194 : i32 to vector<16xi32>
    %add3A_196 = arith.addi %get3A_193, %add3A_195 : vector<16xi32>
    %swap3A_197 = arith.constant 144 : index
    %swap3A_198 = tpu.vector_load %arg11[%swap3A_197] {strides = array<i32>} : memref<512xi32, #tpu.memory_space<vmem>>, vector<16xi32>,
    %swap3A_199 = vector.shape_cast %swap3A_198 : vector<16xi32> to vector<16xi32>
    %swap3A_200 = vector.shape_cast %add3A_196 : vector<16xi32> to vector<16xi32>
    tpu.vector_store %arg11[%swap3A_197], %swap3A_200 {strides = array<i32>} : memref<512xi32, #tpu.memory_space<vmem>>, vector<16xi32>,
    %get3A_201 = arith.constant 160 : index
    %get3A_202 = tpu.vector_load %arg10[%get3A_201] {strides = array<i32>} : memref<512xi32, #tpu.memory_space<vmem>>, vector<16xi32>,
    %get3A_203 = vector.shape_cast %get3A_202 : vector<16xi32> to vector<16xi32>
    %add3A_204 = arith.constant 500000 : i32
    %add3A_205 = vector.broadcast %add3A_204 : i32 to vector<16xi32>
    %add3A_206 = arith.addi %get3A_203, %add3A_205 : vector<16xi32>
    %swap3A_207 = arith.constant 160 : index
    %swap3A_208 = tpu.vector_load %arg10[%swap3A_207] {strides = array<i32>} : memref<512xi32, #tpu.memory_space<vmem>>, vector<16xi32>,
    %swap3A_209 = vector.shape_cast %swap3A_208 : vector<16xi32> to vector<16xi32>
    %swap3A_210 = vector.shape_cast %add3A_206 : vector<16xi32> to vector<16xi32>
    tpu.vector_store %arg10[%swap3A_207], %swap3A_210 {strides = array<i32>} : memref<512xi32, #tpu.memory_space<vmem>>, vector<16xi32>,
    %get3A_211 = arith.constant 160 : index
    %get3A_212 = tpu.vector_load %arg11[%get3A_211] {strides = array<i32>} : memref<512xi32, #tpu.memory_space<vmem>>, vector<16xi32>,
    %get3A_213 = vector.shape_cast %get3A_212 : vector<16xi32> to vector<16xi32>
    %add3A_214 = arith.constant 500000 : i32
    %add3A_215 = vector.broadcast %add3A_214 : i32 to vector<16xi32>
    %add3A_216 = arith.addi %get3A_213, %add3A_215 : vector<16xi32>
    %swap3A_217 = arith.constant 160 : index
    %swap3A_218 = tpu.vector_load %arg11[%swap3A_217] {strides = array<i32>} : memref<512xi32, #tpu.memory_space<vmem>>, vector<16xi32>,
    %swap3A_219 = vector.shape_cast %swap3A_218 : vector<16xi32> to vector<16xi32>
    %swap3A_220 = vector.shape_cast %add3A_216 : vector<16xi32> to vector<16xi32>
    tpu.vector_store %arg11[%swap3A_217], %swap3A_220 {strides = array<i32>} : memref<512xi32, #tpu.memory_space<vmem>>, vector<16xi32>,
    %get3A_221 = arith.constant 176 : index
    %get3A_222 = tpu.vector_load %arg10[%get3A_221] {strides = array<i32>} : memref<512xi32, #tpu.memory_space<vmem>>, vector<16xi32>,
    %get3A_223 = vector.shape_cast %get3A_222 : vector<16xi32> to vector<16xi32>
    %add3A_224 = arith.constant 500000 : i32
    %add3A_225 = vector.broadcast %add3A_224 : i32 to vector<16xi32>
    %add3A_226 = arith.addi %get3A_223, %add3A_225 : vector<16xi32>
    %swap3A_227 = arith.constant 176 : index
    %swap3A_228 = tpu.vector_load %arg10[%swap3A_227] {strides = array<i32>} : memref<512xi32, #tpu.memory_space<vmem>>, vector<16xi32>,
    %swap3A_229 = vector.shape_cast %swap3A_228 : vector<16xi32> to vector<16xi32>
    %swap3A_230 = vector.shape_cast %add3A_226 : vector<16xi32> to vector<16xi32>
    tpu.vector_store %arg10[%swap3A_227], %swap3A_230 {strides = array<i32>} : memref<512xi32, #tpu.memory_space<vmem>>, vector<16xi32>,
    %get3A_231 = arith.constant 176 : index
    %get3A_232 = tpu.vector_load %arg11[%get3A_231] {strides = array<i32>} : memref<512xi32, #tpu.memory_space<vmem>>, vector<16xi32>,
    %get3A_233 = vector.shape_cast %get3A_232 : vector<16xi32> to vector<16xi32>
    %add3A_234 = arith.constant 500000 : i32
    %add3A_235 = vector.broadcast %add3A_234 : i32 to vector<16xi32>
    %add3A_236 = arith.addi %get3A_233, %add3A_235 : vector<16xi32>
    %swap3A_237 = arith.constant 176 : index
    %swap3A_238 = tpu.vector_load %arg11[%swap3A_237] {strides = array<i32>} : memref<512xi32, #tpu.memory_space<vmem>>, vector<16xi32>,
    %swap3A_239 = vector.shape_cast %swap3A_238 : vector<16xi32> to vector<16xi32>
    %swap3A_240 = vector.shape_cast %add3A_236 : vector<16xi32> to vector<16xi32>
    tpu.vector_store %arg11[%swap3A_237], %swap3A_240 {strides = array<i32>} : memref<512xi32, #tpu.memory_space<vmem>>, vector<16xi32>,
    %get3A_241 = arith.constant 192 : index
    %get3A_242 = tpu.vector_load %arg10[%get3A_241] {strides = array<i32>} : memref<512xi32, #tpu.memory_space<vmem>>, vector<16xi32>,
    %get3A_243 = vector.shape_cast %get3A_242 : vector<16xi32> to vector<16xi32>
    %add3A_244 = arith.constant 500000 : i32
    %add3A_245 = vector.broadcast %add3A_244 : i32 to vector<16xi32>
    %add3A_246 = arith.addi %get3A_243, %add3A_245 : vector<16xi32>
    %swap3A_247 = arith.constant 192 : index
    %swap3A_248 = tpu.vector_load %arg10[%swap3A_247] {strides = array<i32>} : memref<512xi32, #tpu.memory_space<vmem>>, vector<16xi32>,
    %swap3A_249 = vector.shape_cast %swap3A_248 : vector<16xi32> to vector<16xi32>
    %swap3A_250 = vector.shape_cast %add3A_246 : vector<16xi32> to vector<16xi32>
    tpu.vector_store %arg10[%swap3A_247], %swap3A_250 {strides = array<i32>} : memref<512xi32, #tpu.memory_space<vmem>>, vector<16xi32>,
    %get3A_251 = arith.constant 192 : index
    %get3A_252 = tpu.vector_load %arg11[%get3A_251] {strides = array<i32>} : memref<512xi32, #tpu.memory_space<vmem>>, vector<16xi32>,
    %get3A_253 = vector.shape_cast %get3A_252 : vector<16xi32> to vector<16xi32>
    %add3A_254 = arith.constant 500000 : i32
    %add3A_255 = vector.broadcast %add3A_254 : i32 to vector<16xi32>
    %add3A_256 = arith.addi %get3A_253, %add3A_255 : vector<16xi32>
    %swap3A_257 = arith.constant 192 : index
    %swap3A_258 = tpu.vector_load %arg11[%swap3A_257] {strides = array<i32>} : memref<512xi32, #tpu.memory_space<vmem>>, vector<16xi32>,
    %swap3A_259 = vector.shape_cast %swap3A_258 : vector<16xi32> to vector<16xi32>
    %swap3A_260 = vector.shape_cast %add3A_256 : vector<16xi32> to vector<16xi32>
    tpu.vector_store %arg11[%swap3A_257], %swap3A_260 {strides = array<i32>} : memref<512xi32, #tpu.memory_space<vmem>>, vector<16xi32>,
    %get3A_261 = arith.constant 208 : index
    %get3A_262 = tpu.vector_load %arg10[%get3A_261] {strides = array<i32>} : memref<512xi32, #tpu.memory_space<vmem>>, vector<16xi32>,
    %get3A_263 = vector.shape_cast %get3A_262 : vector<16xi32> to vector<16xi32>
    %add3A_264 = arith.constant 500000 : i32
    %add3A_265 = vector.broadcast %add3A_264 : i32 to vector<16xi32>
    %add3A_266 = arith.addi %get3A_263, %add3A_265 : vector<16xi32>
    %swap3A_267 = arith.constant 208 : index
    %swap3A_268 = tpu.vector_load %arg10[%swap3A_267] {strides = array<i32>} : memref<512xi32, #tpu.memory_space<vmem>>, vector<16xi32>,
    %swap3A_269 = vector.shape_cast %swap3A_268 : vector<16xi32> to vector<16xi32>
    %swap3A_270 = vector.shape_cast %add3A_266 : vector<16xi32> to vector<16xi32>
    tpu.vector_store %arg10[%swap3A_267], %swap3A_270 {strides = array<i32>} : memref<512xi32, #tpu.memory_space<vmem>>, vector<16xi32>,
    %get3A_271 = arith.constant 208 : index
    %get3A_272 = tpu.vector_load %arg11[%get3A_271] {strides = array<i32>} : memref<512xi32, #tpu.memory_space<vmem>>, vector<16xi32>,
    %get3A_273 = vector.shape_cast %get3A_272 : vector<16xi32> to vector<16xi32>
    %add3A_274 = arith.constant 500000 : i32
    %add3A_275 = vector.broadcast %add3A_274 : i32 to vector<16xi32>
    %add3A_276 = arith.addi %get3A_273, %add3A_275 : vector<16xi32>
    %swap3A_277 = arith.constant 208 : index
    %swap3A_278 = tpu.vector_load %arg11[%swap3A_277] {strides = array<i32>} : memref<512xi32, #tpu.memory_space<vmem>>, vector<16xi32>,
    %swap3A_279 = vector.shape_cast %swap3A_278 : vector<16xi32> to vector<16xi32>
    %swap3A_280 = vector.shape_cast %add3A_276 : vector<16xi32> to vector<16xi32>
    tpu.vector_store %arg11[%swap3A_277], %swap3A_280 {strides = array<i32>} : memref<512xi32, #tpu.memory_space<vmem>>, vector<16xi32>,
    %get3A_281 = arith.constant 224 : index
    %get3A_282 = tpu.vector_load %arg10[%get3A_281] {strides = array<i32>} : memref<512xi32, #tpu.memory_space<vmem>>, vector<16xi32>,
    %get3A_283 = vector.shape_cast %get3A_282 : vector<16xi32> to vector<16xi32>
    %add3A_284 = arith.constant 500000 : i32
    %add3A_285 = vector.broadcast %add3A_284 : i32 to vector<16xi32>
    %add3A_286 = arith.addi %get3A_283, %add3A_285 : vector<16xi32>
    %swap3A_287 = arith.constant 224 : index
    %swap3A_288 = tpu.vector_load %arg10[%swap3A_287] {strides = array<i32>} : memref<512xi32, #tpu.memory_space<vmem>>, vector<16xi32>,
    %swap3A_289 = vector.shape_cast %swap3A_288 : vector<16xi32> to vector<16xi32>
    %swap3A_290 = vector.shape_cast %add3A_286 : vector<16xi32> to vector<16xi32>
    tpu.vector_store %arg10[%swap3A_287], %swap3A_290 {strides = array<i32>} : memref<512xi32, #tpu.memory_space<vmem>>, vector<16xi32>,
    %get3A_291 = arith.constant 224 : index
    %get3A_292 = tpu.vector_load %arg11[%get3A_291] {strides = array<i32>} : memref<512xi32, #tpu.memory_space<vmem>>, vector<16xi32>,
    %get3A_293 = vector.shape_cast %get3A_292 : vector<16xi32> to vector<16xi32>
    %add3A_294 = arith.constant 500000 : i32
    %add3A_295 = vector.broadcast %add3A_294 : i32 to vector<16xi32>
    %add3A_296 = arith.addi %get3A_293, %add3A_295 : vector<16xi32>
    %swap3A_297 = arith.constant 224 : index
    %swap3A_298 = tpu.vector_load %arg11[%swap3A_297] {strides = array<i32>} : memref<512xi32, #tpu.memory_space<vmem>>, vector<16xi32>,
    %swap3A_299 = vector.shape_cast %swap3A_298 : vector<16xi32> to vector<16xi32>
    %swap3A_300 = vector.shape_cast %add3A_296 : vector<16xi32> to vector<16xi32>
    tpu.vector_store %arg11[%swap3A_297], %swap3A_300 {strides = array<i32>} : memref<512xi32, #tpu.memory_space<vmem>>, vector<16xi32>,
    %get3A_301 = arith.constant 240 : index
    %get3A_302 = tpu.vector_load %arg10[%get3A_301] {strides = array<i32>} : memref<512xi32, #tpu.memory_space<vmem>>, vector<16xi32>,
    %get3A_303 = vector.shape_cast %get3A_302 : vector<16xi32> to vector<16xi32>
    %add3A_304 = arith.constant 500000 : i32
    %add3A_305 = vector.broadcast %add3A_304 : i32 to vector<16xi32>
    %add3A_306 = arith.addi %get3A_303, %add3A_305 : vector<16xi32>
    %swap3A_307 = arith.constant 240 : index
    %swap3A_308 = tpu.vector_load %arg10[%swap3A_307] {strides = array<i32>} : memref<512xi32, #tpu.memory_space<vmem>>, vector<16xi32>,
    %swap3A_309 = vector.shape_cast %swap3A_308 : vector<16xi32> to vector<16xi32>
    %swap3A_310 = vector.shape_cast %add3A_306 : vector<16xi32> to vector<16xi32>
    tpu.vector_store %arg10[%swap3A_307], %swap3A_310 {strides = array<i32>} : memref<512xi32, #tpu.memory_space<vmem>>, vector<16xi32>,
    %get3A_311 = arith.constant 240 : index
    %get3A_312 = tpu.vector_load %arg11[%get3A_311] {strides = array<i32>} : memref<512xi32, #tpu.memory_space<vmem>>, vector<16xi32>,
    %get3A_313 = vector.shape_cast %get3A_312 : vector<16xi32> to vector<16xi32>
    %add3A_314 = arith.constant 500000 : i32
    %add3A_315 = vector.broadcast %add3A_314 : i32 to vector<16xi32>
    %add3A_316 = arith.addi %get3A_313, %add3A_315 : vector<16xi32>
    %swap3A_317 = arith.constant 240 : index
    %swap3A_318 = tpu.vector_load %arg11[%swap3A_317] {strides = array<i32>} : memref<512xi32, #tpu.memory_space<vmem>>, vector<16xi32>,
    %swap3A_319 = vector.shape_cast %swap3A_318 : vector<16xi32> to vector<16xi32>
    %swap3A_320 = vector.shape_cast %add3A_316 : vector<16xi32> to vector<16xi32>
    tpu.vector_store %arg11[%swap3A_317], %swap3A_320 {strides = array<i32>} : memref<512xi32, #tpu.memory_space<vmem>>, vector<16xi32>,
    %get3A_321 = arith.constant 256 : index
    %get3A_322 = tpu.vector_load %arg10[%get3A_321] {strides = array<i32>} : memref<512xi32, #tpu.memory_space<vmem>>, vector<16xi32>,
    %get3A_323 = vector.shape_cast %get3A_322 : vector<16xi32> to vector<16xi32>
    %add3A_324 = arith.constant 500000 : i32
    %add3A_325 = vector.broadcast %add3A_324 : i32 to vector<16xi32>
    %add3A_326 = arith.addi %get3A_323, %add3A_325 : vector<16xi32>
    %swap3A_327 = arith.constant 256 : index
    %swap3A_328 = tpu.vector_load %arg10[%swap3A_327] {strides = array<i32>} : memref<512xi32, #tpu.memory_space<vmem>>, vector<16xi32>,
    %swap3A_329 = vector.shape_cast %swap3A_328 : vector<16xi32> to vector<16xi32>
    %swap3A_330 = vector.shape_cast %add3A_326 : vector<16xi32> to vector<16xi32>
    tpu.vector_store %arg10[%swap3A_327], %swap3A_330 {strides = array<i32>} : memref<512xi32, #tpu.memory_space<vmem>>, vector<16xi32>,
    %get3A_331 = arith.constant 256 : index
    %get3A_332 = tpu.vector_load %arg11[%get3A_331] {strides = array<i32>} : memref<512xi32, #tpu.memory_space<vmem>>, vector<16xi32>,
    %get3A_333 = vector.shape_cast %get3A_332 : vector<16xi32> to vector<16xi32>
    %add3A_334 = arith.constant 500000 : i32
    %add3A_335 = vector.broadcast %add3A_334 : i32 to vector<16xi32>
    %add3A_336 = arith.addi %get3A_333, %add3A_335 : vector<16xi32>
    %swap3A_337 = arith.constant 256 : index
    %swap3A_338 = tpu.vector_load %arg11[%swap3A_337] {strides = array<i32>} : memref<512xi32, #tpu.memory_space<vmem>>, vector<16xi32>,
    %swap3A_339 = vector.shape_cast %swap3A_338 : vector<16xi32> to vector<16xi32>
    %swap3A_340 = vector.shape_cast %add3A_336 : vector<16xi32> to vector<16xi32>
    tpu.vector_store %arg11[%swap3A_337], %swap3A_340 {strides = array<i32>} : memref<512xi32, #tpu.memory_space<vmem>>, vector<16xi32>,
    %get3A_341 = arith.constant 272 : index
    %get3A_342 = tpu.vector_load %arg10[%get3A_341] {strides = array<i32>} : memref<512xi32, #tpu.memory_space<vmem>>, vector<16xi32>,
    %get3A_343 = vector.shape_cast %get3A_342 : vector<16xi32> to vector<16xi32>
    %add3A_344 = arith.constant 500000 : i32
    %add3A_345 = vector.broadcast %add3A_344 : i32 to vector<16xi32>
    %add3A_346 = arith.addi %get3A_343, %add3A_345 : vector<16xi32>
    %swap3A_347 = arith.constant 272 : index
    %swap3A_348 = tpu.vector_load %arg10[%swap3A_347] {strides = array<i32>} : memref<512xi32, #tpu.memory_space<vmem>>, vector<16xi32>,
    %swap3A_349 = vector.shape_cast %swap3A_348 : vector<16xi32> to vector<16xi32>
    %swap3A_350 = vector.shape_cast %add3A_346 : vector<16xi32> to vector<16xi32>
    tpu.vector_store %arg10[%swap3A_347], %swap3A_350 {strides = array<i32>} : memref<512xi32, #tpu.memory_space<vmem>>, vector<16xi32>,
    %get3A_351 = arith.constant 272 : index
    %get3A_352 = tpu.vector_load %arg11[%get3A_351] {strides = array<i32>} : memref<512xi32, #tpu.memory_space<vmem>>, vector<16xi32>,
    %get3A_353 = vector.shape_cast %get3A_352 : vector<16xi32> to vector<16xi32>
    %add3A_354 = arith.constant 500000 : i32
    %add3A_355 = vector.broadcast %add3A_354 : i32 to vector<16xi32>
    %add3A_356 = arith.addi %get3A_353, %add3A_355 : vector<16xi32>
    %swap3A_357 = arith.constant 272 : index
    %swap3A_358 = tpu.vector_load %arg11[%swap3A_357] {strides = array<i32>} : memref<512xi32, #tpu.memory_space<vmem>>, vector<16xi32>,
    %swap3A_359 = vector.shape_cast %swap3A_358 : vector<16xi32> to vector<16xi32>
    %swap3A_360 = vector.shape_cast %add3A_356 : vector<16xi32> to vector<16xi32>
    tpu.vector_store %arg11[%swap3A_357], %swap3A_360 {strides = array<i32>} : memref<512xi32, #tpu.memory_space<vmem>>, vector<16xi32>,
    %get3A_361 = arith.constant 288 : index
    %get3A_362 = tpu.vector_load %arg10[%get3A_361] {strides = array<i32>} : memref<512xi32, #tpu.memory_space<vmem>>, vector<16xi32>,
    %get3A_363 = vector.shape_cast %get3A_362 : vector<16xi32> to vector<16xi32>
    %add3A_364 = arith.constant 500000 : i32
    %add3A_365 = vector.broadcast %add3A_364 : i32 to vector<16xi32>
    %add3A_366 = arith.addi %get3A_363, %add3A_365 : vector<16xi32>
    %swap3A_367 = arith.constant 288 : index
    %swap3A_368 = tpu.vector_load %arg10[%swap3A_367] {strides = array<i32>} : memref<512xi32, #tpu.memory_space<vmem>>, vector<16xi32>,
    %swap3A_369 = vector.shape_cast %swap3A_368 : vector<16xi32> to vector<16xi32>
    %swap3A_370 = vector.shape_cast %add3A_366 : vector<16xi32> to vector<16xi32>
    tpu.vector_store %arg10[%swap3A_367], %swap3A_370 {strides = array<i32>} : memref<512xi32, #tpu.memory_space<vmem>>, vector<16xi32>,
    %get3A_371 = arith.constant 288 : index
    %get3A_372 = tpu.vector_load %arg11[%get3A_371] {strides = array<i32>} : memref<512xi32, #tpu.memory_space<vmem>>, vector<16xi32>,
    %get3A_373 = vector.shape_cast %get3A_372 : vector<16xi32> to vector<16xi32>
    %add3A_374 = arith.constant 500000 : i32
    %add3A_375 = vector.broadcast %add3A_374 : i32 to vector<16xi32>
    %add3A_376 = arith.addi %get3A_373, %add3A_375 : vector<16xi32>
    %swap3A_377 = arith.constant 288 : index
    %swap3A_378 = tpu.vector_load %arg11[%swap3A_377] {strides = array<i32>} : memref<512xi32, #tpu.memory_space<vmem>>, vector<16xi32>,
    %swap3A_379 = vector.shape_cast %swap3A_378 : vector<16xi32> to vector<16xi32>
    %swap3A_380 = vector.shape_cast %add3A_376 : vector<16xi32> to vector<16xi32>
    tpu.vector_store %arg11[%swap3A_377], %swap3A_380 {strides = array<i32>} : memref<512xi32, #tpu.memory_space<vmem>>, vector<16xi32>,
    %get3A_381 = arith.constant 304 : index
    %get3A_382 = tpu.vector_load %arg10[%get3A_381] {strides = array<i32>} : memref<512xi32, #tpu.memory_space<vmem>>, vector<16xi32>,
    %get3A_383 = vector.shape_cast %get3A_382 : vector<16xi32> to vector<16xi32>
    %add3A_384 = arith.constant 500000 : i32
    %add3A_385 = vector.broadcast %add3A_384 : i32 to vector<16xi32>
    %add3A_386 = arith.addi %get3A_383, %add3A_385 : vector<16xi32>
    %swap3A_387 = arith.constant 304 : index
    %swap3A_388 = tpu.vector_load %arg10[%swap3A_387] {strides = array<i32>} : memref<512xi32, #tpu.memory_space<vmem>>, vector<16xi32>,
    %swap3A_389 = vector.shape_cast %swap3A_388 : vector<16xi32> to vector<16xi32>
    %swap3A_390 = vector.shape_cast %add3A_386 : vector<16xi32> to vector<16xi32>
    tpu.vector_store %arg10[%swap3A_387], %swap3A_390 {strides = array<i32>} : memref<512xi32, #tpu.memory_space<vmem>>, vector<16xi32>,
    %get3A_391 = arith.constant 304 : index
    %get3A_392 = tpu.vector_load %arg11[%get3A_391] {strides = array<i32>} : memref<512xi32, #tpu.memory_space<vmem>>, vector<16xi32>,
    %get3A_393 = vector.shape_cast %get3A_392 : vector<16xi32> to vector<16xi32>
    %add3A_394 = arith.constant 500000 : i32
    %add3A_395 = vector.broadcast %add3A_394 : i32 to vector<16xi32>
    %add3A_396 = arith.addi %get3A_393, %add3A_395 : vector<16xi32>
    %swap3A_397 = arith.constant 304 : index
    %swap3A_398 = tpu.vector_load %arg11[%swap3A_397] {strides = array<i32>} : memref<512xi32, #tpu.memory_space<vmem>>, vector<16xi32>,
    %swap3A_399 = vector.shape_cast %swap3A_398 : vector<16xi32> to vector<16xi32>
    %swap3A_400 = vector.shape_cast %add3A_396 : vector<16xi32> to vector<16xi32>
    tpu.vector_store %arg11[%swap3A_397], %swap3A_400 {strides = array<i32>} : memref<512xi32, #tpu.memory_space<vmem>>, vector<16xi32>,
    %get3A_401 = arith.constant 320 : index
    %get3A_402 = tpu.vector_load %arg10[%get3A_401] {strides = array<i32>} : memref<512xi32, #tpu.memory_space<vmem>>, vector<16xi32>,
    %get3A_403 = vector.shape_cast %get3A_402 : vector<16xi32> to vector<16xi32>
    %add3A_404 = arith.constant 500000 : i32
    %add3A_405 = vector.broadcast %add3A_404 : i32 to vector<16xi32>
    %add3A_406 = arith.addi %get3A_403, %add3A_405 : vector<16xi32>
    %swap3A_407 = arith.constant 320 : index
    %swap3A_408 = tpu.vector_load %arg10[%swap3A_407] {strides = array<i32>} : memref<512xi32, #tpu.memory_space<vmem>>, vector<16xi32>,
    %swap3A_409 = vector.shape_cast %swap3A_408 : vector<16xi32> to vector<16xi32>
    %swap3A_410 = vector.shape_cast %add3A_406 : vector<16xi32> to vector<16xi32>
    tpu.vector_store %arg10[%swap3A_407], %swap3A_410 {strides = array<i32>} : memref<512xi32, #tpu.memory_space<vmem>>, vector<16xi32>,
    %get3A_411 = arith.constant 320 : index
    %get3A_412 = tpu.vector_load %arg11[%get3A_411] {strides = array<i32>} : memref<512xi32, #tpu.memory_space<vmem>>, vector<16xi32>,
    %get3A_413 = vector.shape_cast %get3A_412 : vector<16xi32> to vector<16xi32>
    %add3A_414 = arith.constant 500000 : i32
    %add3A_415 = vector.broadcast %add3A_414 : i32 to vector<16xi32>
    %add3A_416 = arith.addi %get3A_413, %add3A_415 : vector<16xi32>
    %swap3A_417 = arith.constant 320 : index
    %swap3A_418 = tpu.vector_load %arg11[%swap3A_417] {strides = array<i32>} : memref<512xi32, #tpu.memory_space<vmem>>, vector<16xi32>,
    %swap3A_419 = vector.shape_cast %swap3A_418 : vector<16xi32> to vector<16xi32>
    %swap3A_420 = vector.shape_cast %add3A_416 : vector<16xi32> to vector<16xi32>
    tpu.vector_store %arg11[%swap3A_417], %swap3A_420 {strides = array<i32>} : memref<512xi32, #tpu.memory_space<vmem>>, vector<16xi32>,
    %get3A_421 = arith.constant 336 : index
    %get3A_422 = tpu.vector_load %arg10[%get3A_421] {strides = array<i32>} : memref<512xi32, #tpu.memory_space<vmem>>, vector<16xi32>,
    %get3A_423 = vector.shape_cast %get3A_422 : vector<16xi32> to vector<16xi32>
    %add3A_424 = arith.constant 500000 : i32
    %add3A_425 = vector.broadcast %add3A_424 : i32 to vector<16xi32>
    %add3A_426 = arith.addi %get3A_423, %add3A_425 : vector<16xi32>
    %swap3A_427 = arith.constant 336 : index
    %swap3A_428 = tpu.vector_load %arg10[%swap3A_427] {strides = array<i32>} : memref<512xi32, #tpu.memory_space<vmem>>, vector<16xi32>,
    %swap3A_429 = vector.shape_cast %swap3A_428 : vector<16xi32> to vector<16xi32>
    %swap3A_430 = vector.shape_cast %add3A_426 : vector<16xi32> to vector<16xi32>
    tpu.vector_store %arg10[%swap3A_427], %swap3A_430 {strides = array<i32>} : memref<512xi32, #tpu.memory_space<vmem>>, vector<16xi32>,
    %get3A_431 = arith.constant 336 : index
    %get3A_432 = tpu.vector_load %arg11[%get3A_431] {strides = array<i32>} : memref<512xi32, #tpu.memory_space<vmem>>, vector<16xi32>,
    %get3A_433 = vector.shape_cast %get3A_432 : vector<16xi32> to vector<16xi32>
    %add3A_434 = arith.constant 500000 : i32
    %add3A_435 = vector.broadcast %add3A_434 : i32 to vector<16xi32>
    %add3A_436 = arith.addi %get3A_433, %add3A_435 : vector<16xi32>
    %swap3A_437 = arith.constant 336 : index
    %swap3A_438 = tpu.vector_load %arg11[%swap3A_437] {strides = array<i32>} : memref<512xi32, #tpu.memory_space<vmem>>, vector<16xi32>,
    %swap3A_439 = vector.shape_cast %swap3A_438 : vector<16xi32> to vector<16xi32>
    %swap3A_440 = vector.shape_cast %add3A_436 : vector<16xi32> to vector<16xi32>
    tpu.vector_store %arg11[%swap3A_437], %swap3A_440 {strides = array<i32>} : memref<512xi32, #tpu.memory_space<vmem>>, vector<16xi32>,
    %get3A_441 = arith.constant 352 : index
    %get3A_442 = tpu.vector_load %arg10[%get3A_441] {strides = array<i32>} : memref<512xi32, #tpu.memory_space<vmem>>, vector<16xi32>,
    %get3A_443 = vector.shape_cast %get3A_442 : vector<16xi32> to vector<16xi32>
    %add3A_444 = arith.constant 500000 : i32
    %add3A_445 = vector.broadcast %add3A_444 : i32 to vector<16xi32>
    %add3A_446 = arith.addi %get3A_443, %add3A_445 : vector<16xi32>
    %swap3A_447 = arith.constant 352 : index
    %swap3A_448 = tpu.vector_load %arg10[%swap3A_447] {strides = array<i32>} : memref<512xi32, #tpu.memory_space<vmem>>, vector<16xi32>,
    %swap3A_449 = vector.shape_cast %swap3A_448 : vector<16xi32> to vector<16xi32>
    %swap3A_450 = vector.shape_cast %add3A_446 : vector<16xi32> to vector<16xi32>
    tpu.vector_store %arg10[%swap3A_447], %swap3A_450 {strides = array<i32>} : memref<512xi32, #tpu.memory_space<vmem>>, vector<16xi32>,
    %get3A_451 = arith.constant 352 : index
    %get3A_452 = tpu.vector_load %arg11[%get3A_451] {strides = array<i32>} : memref<512xi32, #tpu.memory_space<vmem>>, vector<16xi32>,
    %get3A_453 = vector.shape_cast %get3A_452 : vector<16xi32> to vector<16xi32>
    %add3A_454 = arith.constant 500000 : i32
    %add3A_455 = vector.broadcast %add3A_454 : i32 to vector<16xi32>
    %add3A_456 = arith.addi %get3A_453, %add3A_455 : vector<16xi32>
    %swap3A_457 = arith.constant 352 : index
    %swap3A_458 = tpu.vector_load %arg11[%swap3A_457] {strides = array<i32>} : memref<512xi32, #tpu.memory_space<vmem>>, vector<16xi32>,
    %swap3A_459 = vector.shape_cast %swap3A_458 : vector<16xi32> to vector<16xi32>
    %swap3A_460 = vector.shape_cast %add3A_456 : vector<16xi32> to vector<16xi32>
    tpu.vector_store %arg11[%swap3A_457], %swap3A_460 {strides = array<i32>} : memref<512xi32, #tpu.memory_space<vmem>>, vector<16xi32>,
    %get3A_461 = arith.constant 368 : index
    %get3A_462 = tpu.vector_load %arg10[%get3A_461] {strides = array<i32>} : memref<512xi32, #tpu.memory_space<vmem>>, vector<16xi32>,
    %get3A_463 = vector.shape_cast %get3A_462 : vector<16xi32> to vector<16xi32>
    %add3A_464 = arith.constant 500000 : i32
    %add3A_465 = vector.broadcast %add3A_464 : i32 to vector<16xi32>
    %add3A_466 = arith.addi %get3A_463, %add3A_465 : vector<16xi32>
    %swap3A_467 = arith.constant 368 : index
    %swap3A_468 = tpu.vector_load %arg10[%swap3A_467] {strides = array<i32>} : memref<512xi32, #tpu.memory_space<vmem>>, vector<16xi32>,
    %swap3A_469 = vector.shape_cast %swap3A_468 : vector<16xi32> to vector<16xi32>
    %swap3A_470 = vector.shape_cast %add3A_466 : vector<16xi32> to vector<16xi32>
    tpu.vector_store %arg10[%swap3A_467], %swap3A_470 {strides = array<i32>} : memref<512xi32, #tpu.memory_space<vmem>>, vector<16xi32>,
    %get3A_471 = arith.constant 368 : index
    %get3A_472 = tpu.vector_load %arg11[%get3A_471] {strides = array<i32>} : memref<512xi32, #tpu.memory_space<vmem>>, vector<16xi32>,
    %get3A_473 = vector.shape_cast %get3A_472 : vector<16xi32> to vector<16xi32>
    %add3A_474 = arith.constant 500000 : i32
    %add3A_475 = vector.broadcast %add3A_474 : i32 to vector<16xi32>
    %add3A_476 = arith.addi %get3A_473, %add3A_475 : vector<16xi32>
    %swap3A_477 = arith.constant 368 : index
    %swap3A_478 = tpu.vector_load %arg11[%swap3A_477] {strides = array<i32>} : memref<512xi32, #tpu.memory_space<vmem>>, vector<16xi32>,
    %swap3A_479 = vector.shape_cast %swap3A_478 : vector<16xi32> to vector<16xi32>
    %swap3A_480 = vector.shape_cast %add3A_476 : vector<16xi32> to vector<16xi32>
    tpu.vector_store %arg11[%swap3A_477], %swap3A_480 {strides = array<i32>} : memref<512xi32, #tpu.memory_space<vmem>>, vector<16xi32>,
    %get3A_481 = arith.constant 384 : index
    %get3A_482 = tpu.vector_load %arg10[%get3A_481] {strides = array<i32>} : memref<512xi32, #tpu.memory_space<vmem>>, vector<16xi32>,
    %get3A_483 = vector.shape_cast %get3A_482 : vector<16xi32> to vector<16xi32>
    %add3A_484 = arith.constant 500000 : i32
    %add3A_485 = vector.broadcast %add3A_484 : i32 to vector<16xi32>
    %add3A_486 = arith.addi %get3A_483, %add3A_485 : vector<16xi32>
    %swap3A_487 = arith.constant 384 : index
    %swap3A_488 = tpu.vector_load %arg10[%swap3A_487] {strides = array<i32>} : memref<512xi32, #tpu.memory_space<vmem>>, vector<16xi32>,
    %swap3A_489 = vector.shape_cast %swap3A_488 : vector<16xi32> to vector<16xi32>
    %swap3A_490 = vector.shape_cast %add3A_486 : vector<16xi32> to vector<16xi32>
    tpu.vector_store %arg10[%swap3A_487], %swap3A_490 {strides = array<i32>} : memref<512xi32, #tpu.memory_space<vmem>>, vector<16xi32>,
    %get3A_491 = arith.constant 384 : index
    %get3A_492 = tpu.vector_load %arg11[%get3A_491] {strides = array<i32>} : memref<512xi32, #tpu.memory_space<vmem>>, vector<16xi32>,
    %get3A_493 = vector.shape_cast %get3A_492 : vector<16xi32> to vector<16xi32>
    %add3A_494 = arith.constant 500000 : i32
    %add3A_495 = vector.broadcast %add3A_494 : i32 to vector<16xi32>
    %add3A_496 = arith.addi %get3A_493, %add3A_495 : vector<16xi32>
    %swap3A_497 = arith.constant 384 : index
    %swap3A_498 = tpu.vector_load %arg11[%swap3A_497] {strides = array<i32>} : memref<512xi32, #tpu.memory_space<vmem>>, vector<16xi32>,
    %swap3A_499 = vector.shape_cast %swap3A_498 : vector<16xi32> to vector<16xi32>
    %swap3A_500 = vector.shape_cast %add3A_496 : vector<16xi32> to vector<16xi32>
    tpu.vector_store %arg11[%swap3A_497], %swap3A_500 {strides = array<i32>} : memref<512xi32, #tpu.memory_space<vmem>>, vector<16xi32>,
    %get3A_501 = arith.constant 400 : index
    %get3A_502 = tpu.vector_load %arg10[%get3A_501] {strides = array<i32>} : memref<512xi32, #tpu.memory_space<vmem>>, vector<16xi32>,
    %get3A_503 = vector.shape_cast %get3A_502 : vector<16xi32> to vector<16xi32>
    %add3A_504 = arith.constant 500000 : i32
    %add3A_505 = vector.broadcast %add3A_504 : i32 to vector<16xi32>
    %add3A_506 = arith.addi %get3A_503, %add3A_505 : vector<16xi32>
    %swap3A_507 = arith.constant 400 : index
    %swap3A_508 = tpu.vector_load %arg10[%swap3A_507] {strides = array<i32>} : memref<512xi32, #tpu.memory_space<vmem>>, vector<16xi32>,
    %swap3A_509 = vector.shape_cast %swap3A_508 : vector<16xi32> to vector<16xi32>
    %swap3A_510 = vector.shape_cast %add3A_506 : vector<16xi32> to vector<16xi32>
    tpu.vector_store %arg10[%swap3A_507], %swap3A_510 {strides = array<i32>} : memref<512xi32, #tpu.memory_space<vmem>>, vector<16xi32>,
    %get3A_511 = arith.constant 400 : index
    %get3A_512 = tpu.vector_load %arg11[%get3A_511] {strides = array<i32>} : memref<512xi32, #tpu.memory_space<vmem>>, vector<16xi32>,
    %get3A_513 = vector.shape_cast %get3A_512 : vector<16xi32> to vector<16xi32>
    %add3A_514 = arith.constant 500000 : i32
    %add3A_515 = vector.broadcast %add3A_514 : i32 to vector<16xi32>
    %add3A_516 = arith.addi %get3A_513, %add3A_515 : vector<16xi32>
    %swap3A_517 = arith.constant 400 : index
    %swap3A_518 = tpu.vector_load %arg11[%swap3A_517] {strides = array<i32>} : memref<512xi32, #tpu.memory_space<vmem>>, vector<16xi32>,
    %swap3A_519 = vector.shape_cast %swap3A_518 : vector<16xi32> to vector<16xi32>
    %swap3A_520 = vector.shape_cast %add3A_516 : vector<16xi32> to vector<16xi32>
    tpu.vector_store %arg11[%swap3A_517], %swap3A_520 {strides = array<i32>} : memref<512xi32, #tpu.memory_space<vmem>>, vector<16xi32>,
    %get3A_521 = arith.constant 416 : index
    %get3A_522 = tpu.vector_load %arg10[%get3A_521] {strides = array<i32>} : memref<512xi32, #tpu.memory_space<vmem>>, vector<16xi32>,
    %get3A_523 = vector.shape_cast %get3A_522 : vector<16xi32> to vector<16xi32>
    %add3A_524 = arith.constant 500000 : i32
    %add3A_525 = vector.broadcast %add3A_524 : i32 to vector<16xi32>
    %add3A_526 = arith.addi %get3A_523, %add3A_525 : vector<16xi32>
    %swap3A_527 = arith.constant 416 : index
    %swap3A_528 = tpu.vector_load %arg10[%swap3A_527] {strides = array<i32>} : memref<512xi32, #tpu.memory_space<vmem>>, vector<16xi32>,
    %swap3A_529 = vector.shape_cast %swap3A_528 : vector<16xi32> to vector<16xi32>
    %swap3A_530 = vector.shape_cast %add3A_526 : vector<16xi32> to vector<16xi32>
    tpu.vector_store %arg10[%swap3A_527], %swap3A_530 {strides = array<i32>} : memref<512xi32, #tpu.memory_space<vmem>>, vector<16xi32>,
    %get3A_531 = arith.constant 416 : index
    %get3A_532 = tpu.vector_load %arg11[%get3A_531] {strides = array<i32>} : memref<512xi32, #tpu.memory_space<vmem>>, vector<16xi32>,
    %get3A_533 = vector.shape_cast %get3A_532 : vector<16xi32> to vector<16xi32>
    %add3A_534 = arith.constant 500000 : i32
    %add3A_535 = vector.broadcast %add3A_534 : i32 to vector<16xi32>
    %add3A_536 = arith.addi %get3A_533, %add3A_535 : vector<16xi32>
    %swap3A_537 = arith.constant 416 : index
    %swap3A_538 = tpu.vector_load %arg11[%swap3A_537] {strides = array<i32>} : memref<512xi32, #tpu.memory_space<vmem>>, vector<16xi32>,
    %swap3A_539 = vector.shape_cast %swap3A_538 : vector<16xi32> to vector<16xi32>
    %swap3A_540 = vector.shape_cast %add3A_536 : vector<16xi32> to vector<16xi32>
    tpu.vector_store %arg11[%swap3A_537], %swap3A_540 {strides = array<i32>} : memref<512xi32, #tpu.memory_space<vmem>>, vector<16xi32>,
    %get3A_541 = arith.constant 432 : index
    %get3A_542 = tpu.vector_load %arg10[%get3A_541] {strides = array<i32>} : memref<512xi32, #tpu.memory_space<vmem>>, vector<16xi32>,
    %get3A_543 = vector.shape_cast %get3A_542 : vector<16xi32> to vector<16xi32>
    %add3A_544 = arith.constant 500000 : i32
    %add3A_545 = vector.broadcast %add3A_544 : i32 to vector<16xi32>
    %add3A_546 = arith.addi %get3A_543, %add3A_545 : vector<16xi32>
    %swap3A_547 = arith.constant 432 : index
    %swap3A_548 = tpu.vector_load %arg10[%swap3A_547] {strides = array<i32>} : memref<512xi32, #tpu.memory_space<vmem>>, vector<16xi32>,
    %swap3A_549 = vector.shape_cast %swap3A_548 : vector<16xi32> to vector<16xi32>
    %swap3A_550 = vector.shape_cast %add3A_546 : vector<16xi32> to vector<16xi32>
    tpu.vector_store %arg10[%swap3A_547], %swap3A_550 {strides = array<i32>} : memref<512xi32, #tpu.memory_space<vmem>>, vector<16xi32>,
    %get3A_551 = arith.constant 432 : index
    %get3A_552 = tpu.vector_load %arg11[%get3A_551] {strides = array<i32>} : memref<512xi32, #tpu.memory_space<vmem>>, vector<16xi32>,
    %get3A_553 = vector.shape_cast %get3A_552 : vector<16xi32> to vector<16xi32>
    %add3A_554 = arith.constant 500000 : i32
    %add3A_555 = vector.broadcast %add3A_554 : i32 to vector<16xi32>
    %add3A_556 = arith.addi %get3A_553, %add3A_555 : vector<16xi32>
    %swap3A_557 = arith.constant 432 : index
    %swap3A_558 = tpu.vector_load %arg11[%swap3A_557] {strides = array<i32>} : memref<512xi32, #tpu.memory_space<vmem>>, vector<16xi32>,
    %swap3A_559 = vector.shape_cast %swap3A_558 : vector<16xi32> to vector<16xi32>
    %swap3A_560 = vector.shape_cast %add3A_556 : vector<16xi32> to vector<16xi32>
    tpu.vector_store %arg11[%swap3A_557], %swap3A_560 {strides = array<i32>} : memref<512xi32, #tpu.memory_space<vmem>>, vector<16xi32>,
    %get3A_561 = arith.constant 448 : index
    %get3A_562 = tpu.vector_load %arg10[%get3A_561] {strides = array<i32>} : memref<512xi32, #tpu.memory_space<vmem>>, vector<16xi32>,
    %get3A_563 = vector.shape_cast %get3A_562 : vector<16xi32> to vector<16xi32>
    %add3A_564 = arith.constant 500000 : i32
    %add3A_565 = vector.broadcast %add3A_564 : i32 to vector<16xi32>
    %add3A_566 = arith.addi %get3A_563, %add3A_565 : vector<16xi32>
    %swap3A_567 = arith.constant 448 : index
    %swap3A_568 = tpu.vector_load %arg10[%swap3A_567] {strides = array<i32>} : memref<512xi32, #tpu.memory_space<vmem>>, vector<16xi32>,
    %swap3A_569 = vector.shape_cast %swap3A_568 : vector<16xi32> to vector<16xi32>
    %swap3A_570 = vector.shape_cast %add3A_566 : vector<16xi32> to vector<16xi32>
    tpu.vector_store %arg10[%swap3A_567], %swap3A_570 {strides = array<i32>} : memref<512xi32, #tpu.memory_space<vmem>>, vector<16xi32>,
    %get3A_571 = arith.constant 448 : index
    %get3A_572 = tpu.vector_load %arg11[%get3A_571] {strides = array<i32>} : memref<512xi32, #tpu.memory_space<vmem>>, vector<16xi32>,
    %get3A_573 = vector.shape_cast %get3A_572 : vector<16xi32> to vector<16xi32>
    %add3A_574 = arith.constant 500000 : i32
    %add3A_575 = vector.broadcast %add3A_574 : i32 to vector<16xi32>
    %add3A_576 = arith.addi %get3A_573, %add3A_575 : vector<16xi32>
    %swap3A_577 = arith.constant 448 : index
    %swap3A_578 = tpu.vector_load %arg11[%swap3A_577] {strides = array<i32>} : memref<512xi32, #tpu.memory_space<vmem>>, vector<16xi32>,
    %swap3A_579 = vector.shape_cast %swap3A_578 : vector<16xi32> to vector<16xi32>
    %swap3A_580 = vector.shape_cast %add3A_576 : vector<16xi32> to vector<16xi32>
    tpu.vector_store %arg11[%swap3A_577], %swap3A_580 {strides = array<i32>} : memref<512xi32, #tpu.memory_space<vmem>>, vector<16xi32>,
    %get3A_581 = arith.constant 464 : index
    %get3A_582 = tpu.vector_load %arg10[%get3A_581] {strides = array<i32>} : memref<512xi32, #tpu.memory_space<vmem>>, vector<16xi32>,
    %get3A_583 = vector.shape_cast %get3A_582 : vector<16xi32> to vector<16xi32>
    %add3A_584 = arith.constant 500000 : i32
    %add3A_585 = vector.broadcast %add3A_584 : i32 to vector<16xi32>
    %add3A_586 = arith.addi %get3A_583, %add3A_585 : vector<16xi32>
    %swap3A_587 = arith.constant 464 : index
    %swap3A_588 = tpu.vector_load %arg10[%swap3A_587] {strides = array<i32>} : memref<512xi32, #tpu.memory_space<vmem>>, vector<16xi32>,
    %swap3A_589 = vector.shape_cast %swap3A_588 : vector<16xi32> to vector<16xi32>
    %swap3A_590 = vector.shape_cast %add3A_586 : vector<16xi32> to vector<16xi32>
    tpu.vector_store %arg10[%swap3A_587], %swap3A_590 {strides = array<i32>} : memref<512xi32, #tpu.memory_space<vmem>>, vector<16xi32>,
    %get3A_591 = arith.constant 464 : index
    %get3A_592 = tpu.vector_load %arg11[%get3A_591] {strides = array<i32>} : memref<512xi32, #tpu.memory_space<vmem>>, vector<16xi32>,
    %get3A_593 = vector.shape_cast %get3A_592 : vector<16xi32> to vector<16xi32>
    %add3A_594 = arith.constant 500000 : i32
    %add3A_595 = vector.broadcast %add3A_594 : i32 to vector<16xi32>
    %add3A_596 = arith.addi %get3A_593, %add3A_595 : vector<16xi32>
    %swap3A_597 = arith.constant 464 : index
    %swap3A_598 = tpu.vector_load %arg11[%swap3A_597] {strides = array<i32>} : memref<512xi32, #tpu.memory_space<vmem>>, vector<16xi32>,
    %swap3A_599 = vector.shape_cast %swap3A_598 : vector<16xi32> to vector<16xi32>
    %swap3A_600 = vector.shape_cast %add3A_596 : vector<16xi32> to vector<16xi32>
    tpu.vector_store %arg11[%swap3A_597], %swap3A_600 {strides = array<i32>} : memref<512xi32, #tpu.memory_space<vmem>>, vector<16xi32>,
    %get3A_601 = arith.constant 480 : index
    %get3A_602 = tpu.vector_load %arg10[%get3A_601] {strides = array<i32>} : memref<512xi32, #tpu.memory_space<vmem>>, vector<16xi32>,
    %get3A_603 = vector.shape_cast %get3A_602 : vector<16xi32> to vector<16xi32>
    %add3A_604 = arith.constant 500000 : i32
    %add3A_605 = vector.broadcast %add3A_604 : i32 to vector<16xi32>
    %add3A_606 = arith.addi %get3A_603, %add3A_605 : vector<16xi32>
    %swap3A_607 = arith.constant 480 : index
    %swap3A_608 = tpu.vector_load %arg10[%swap3A_607] {strides = array<i32>} : memref<512xi32, #tpu.memory_space<vmem>>, vector<16xi32>,
    %swap3A_609 = vector.shape_cast %swap3A_608 : vector<16xi32> to vector<16xi32>
    %swap3A_610 = vector.shape_cast %add3A_606 : vector<16xi32> to vector<16xi32>
    tpu.vector_store %arg10[%swap3A_607], %swap3A_610 {strides = array<i32>} : memref<512xi32, #tpu.memory_space<vmem>>, vector<16xi32>,
    %get3A_611 = arith.constant 480 : index
    %get3A_612 = tpu.vector_load %arg11[%get3A_611] {strides = array<i32>} : memref<512xi32, #tpu.memory_space<vmem>>, vector<16xi32>,
    %get3A_613 = vector.shape_cast %get3A_612 : vector<16xi32> to vector<16xi32>
    %add3A_614 = arith.constant 500000 : i32
    %add3A_615 = vector.broadcast %add3A_614 : i32 to vector<16xi32>
    %add3A_616 = arith.addi %get3A_613, %add3A_615 : vector<16xi32>
    %swap3A_617 = arith.constant 480 : index
    %swap3A_618 = tpu.vector_load %arg11[%swap3A_617] {strides = array<i32>} : memref<512xi32, #tpu.memory_space<vmem>>, vector<16xi32>,
    %swap3A_619 = vector.shape_cast %swap3A_618 : vector<16xi32> to vector<16xi32>
    %swap3A_620 = vector.shape_cast %add3A_616 : vector<16xi32> to vector<16xi32>
    tpu.vector_store %arg11[%swap3A_617], %swap3A_620 {strides = array<i32>} : memref<512xi32, #tpu.memory_space<vmem>>, vector<16xi32>,
    %get3A_621 = arith.constant 496 : index
    %get3A_622 = tpu.vector_load %arg10[%get3A_621] {strides = array<i32>} : memref<512xi32, #tpu.memory_space<vmem>>, vector<16xi32>,
    %get3A_623 = vector.shape_cast %get3A_622 : vector<16xi32> to vector<16xi32>
    %add3A_624 = arith.constant 500000 : i32
    %add3A_625 = vector.broadcast %add3A_624 : i32 to vector<16xi32>
    %add3A_626 = arith.addi %get3A_623, %add3A_625 : vector<16xi32>
    %swap3A_627 = arith.constant 496 : index
    %swap3A_628 = tpu.vector_load %arg10[%swap3A_627] {strides = array<i32>} : memref<512xi32, #tpu.memory_space<vmem>>, vector<16xi32>,
    %swap3A_629 = vector.shape_cast %swap3A_628 : vector<16xi32> to vector<16xi32>
    %swap3A_630 = vector.shape_cast %add3A_626 : vector<16xi32> to vector<16xi32>
    tpu.vector_store %arg10[%swap3A_627], %swap3A_630 {strides = array<i32>} : memref<512xi32, #tpu.memory_space<vmem>>, vector<16xi32>,
    %get3A_631 = arith.constant 496 : index
    %get3A_632 = tpu.vector_load %arg11[%get3A_631] {strides = array<i32>} : memref<512xi32, #tpu.memory_space<vmem>>, vector<16xi32>,
    %get3A_633 = vector.shape_cast %get3A_632 : vector<16xi32> to vector<16xi32>
    %add3A_634 = arith.constant 500000 : i32
    %add3A_635 = vector.broadcast %add3A_634 : i32 to vector<16xi32>
    %add3A_636 = arith.addi %get3A_633, %add3A_635 : vector<16xi32>
    %swap3A_637 = arith.constant 496 : index
    %swap3A_638 = tpu.vector_load %arg11[%swap3A_637] {strides = array<i32>} : memref<512xi32, #tpu.memory_space<vmem>>, vector<16xi32>,
    %swap3A_639 = vector.shape_cast %swap3A_638 : vector<16xi32> to vector<16xi32>
    %swap3A_640 = vector.shape_cast %add3A_636 : vector<16xi32> to vector<16xi32>
    tpu.vector_store %arg11[%swap3A_637], %swap3A_640 {strides = array<i32>} : memref<512xi32, #tpu.memory_space<vmem>>, vector<16xi32>,
    %dma_start3A = arith.constant 0 : i32
    %dma_start3A_641 = arith.constant 0 : i32
    %dma_start3A_642 = tpu.memref_slice %arg12[%dma_start3A, %dma_start3A_641] : memref<512x64xf32, #tpu.memory_space<vmem>> -> memref<64x64xf32, #tpu.memory_space<vmem>>
    %dma_start3A_643 = arith.constant 0 : i32
    %dma_start3A_644 = tpu.memref_slice %arg9[%dma_start3A_643] : memref<512xi32, #tpu.memory_space<vmem>> -> memref<64xi32, #tpu.memory_space<vmem>>
    %dma_start3A_645 = arith.constant 0 : i32
    %dma_start3A_646 = arith.constant 0 : i32
    %dma_start3A_647 = tpu.memref_slice %arg5[%dma_start3A_645, %dma_start3A_646] : memref<1000000x64xf32, #tpu.memory_space<hbm>> -> memref<1000000x64xf32, #tpu.memory_space<hbm>>
    tpu.enqueue_indirect_dma source(%dma_start3A_647 : memref<1000000x64xf32, #tpu.memory_space<hbm>>) target(%dma_start3A_642 : memref<64x64xf32, #tpu.memory_space<vmem>>) offsets(%dma_start3A_644 : memref<64xi32, #tpu.memory_space<vmem>>) semaphore(%arg15 : memref<!tpu.dma_semaphore, #tpu.memory_space<semaphore_mem>>)
    %dma_start3A_648 = arith.constant 0 : i32
    %dma_start3A_649 = arith.constant 0 : i32
    %dma_start3A_650 = tpu.memref_slice %arg13[%dma_start3A_648, %dma_start3A_649] : memref<512x64xf32, #tpu.memory_space<vmem>> -> memref<64x64xf32, #tpu.memory_space<vmem>>
    %dma_start3A_651 = arith.constant 0 : i32
    %dma_start3A_652 = tpu.memref_slice %arg10[%dma_start3A_651] : memref<512xi32, #tpu.memory_space<vmem>> -> memref<64xi32, #tpu.memory_space<vmem>>
    %dma_start3A_653 = arith.constant 0 : i32
    %dma_start3A_654 = arith.constant 0 : i32
    %dma_start3A_655 = tpu.memref_slice %arg5[%dma_start3A_653, %dma_start3A_654] : memref<1000000x64xf32, #tpu.memory_space<hbm>> -> memref<1000000x64xf32, #tpu.memory_space<hbm>>
    tpu.enqueue_indirect_dma source(%dma_start3A_655 : memref<1000000x64xf32, #tpu.memory_space<hbm>>) target(%dma_start3A_650 : memref<64x64xf32, #tpu.memory_space<vmem>>) offsets(%dma_start3A_652 : memref<64xi32, #tpu.memory_space<vmem>>) semaphore(%arg15 : memref<!tpu.dma_semaphore, #tpu.memory_space<semaphore_mem>>)
    %dma_start3A_656 = arith.constant 0 : i32
    %dma_start3A_657 = arith.constant 0 : i32
    %dma_start3A_658 = tpu.memref_slice %arg14[%dma_start3A_656, %dma_start3A_657] : memref<512x64xf32, #tpu.memory_space<vmem>> -> memref<64x64xf32, #tpu.memory_space<vmem>>
    %dma_start3A_659 = arith.constant 0 : i32
    %dma_start3A_660 = tpu.memref_slice %arg11[%dma_start3A_659] : memref<512xi32, #tpu.memory_space<vmem>> -> memref<64xi32, #tpu.memory_space<vmem>>
    %dma_start3A_661 = arith.constant 0 : i32
    %dma_start3A_662 = arith.constant 0 : i32
    %dma_start3A_663 = tpu.memref_slice %arg5[%dma_start3A_661, %dma_start3A_662] : memref<1000000x64xf32, #tpu.memory_space<hbm>> -> memref<1000000x64xf32, #tpu.memory_space<hbm>>
    tpu.enqueue_indirect_dma source(%dma_start3A_663 : memref<1000000x64xf32, #tpu.memory_space<hbm>>) target(%dma_start3A_658 : memref<64x64xf32, #tpu.memory_space<vmem>>) offsets(%dma_start3A_660 : memref<64xi32, #tpu.memory_space<vmem>>) semaphore(%arg15 : memref<!tpu.dma_semaphore, #tpu.memory_space<semaphore_mem>>)
    %dma_start3A_664 = arith.constant 64 : i32
    %dma_start3A_665 = arith.constant 0 : i32
    %dma_start3A_666 = tpu.memref_slice %arg12[%dma_start3A_664, %dma_start3A_665] : memref<512x64xf32, #tpu.memory_space<vmem>> -> memref<64x64xf32, #tpu.memory_space<vmem>>
    %dma_start3A_667 = arith.constant 64 : i32
    %dma_start3A_668 = tpu.memref_slice %arg9[%dma_start3A_667] : memref<512xi32, #tpu.memory_space<vmem>> -> memref<64xi32, #tpu.memory_space<vmem>>
    %dma_start3A_669 = arith.constant 0 : i32
    %dma_start3A_670 = arith.constant 0 : i32
    %dma_start3A_671 = tpu.memref_slice %arg5[%dma_start3A_669, %dma_start3A_670] : memref<1000000x64xf32, #tpu.memory_space<hbm>> -> memref<1000000x64xf32, #tpu.memory_space<hbm>>
    tpu.enqueue_indirect_dma source(%dma_start3A_671 : memref<1000000x64xf32, #tpu.memory_space<hbm>>) target(%dma_start3A_666 : memref<64x64xf32, #tpu.memory_space<vmem>>) offsets(%dma_start3A_668 : memref<64xi32, #tpu.memory_space<vmem>>) semaphore(%arg16 : memref<!tpu.dma_semaphore, #tpu.memory_space<semaphore_mem>>)
    %dma_start3A_672 = arith.constant 64 : i32
    %dma_start3A_673 = arith.constant 0 : i32
    %dma_start3A_674 = tpu.memref_slice %arg13[%dma_start3A_672, %dma_start3A_673] : memref<512x64xf32, #tpu.memory_space<vmem>> -> memref<64x64xf32, #tpu.memory_space<vmem>>
    %dma_start3A_675 = arith.constant 64 : i32
    %dma_start3A_676 = tpu.memref_slice %arg10[%dma_start3A_675] : memref<512xi32, #tpu.memory_space<vmem>> -> memref<64xi32, #tpu.memory_space<vmem>>
    %dma_start3A_677 = arith.constant 0 : i32
    %dma_start3A_678 = arith.constant 0 : i32
    %dma_start3A_679 = tpu.memref_slice %arg5[%dma_start3A_677, %dma_start3A_678] : memref<1000000x64xf32, #tpu.memory_space<hbm>> -> memref<1000000x64xf32, #tpu.memory_space<hbm>>
    tpu.enqueue_indirect_dma source(%dma_start3A_679 : memref<1000000x64xf32, #tpu.memory_space<hbm>>) target(%dma_start3A_674 : memref<64x64xf32, #tpu.memory_space<vmem>>) offsets(%dma_start3A_676 : memref<64xi32, #tpu.memory_space<vmem>>) semaphore(%arg16 : memref<!tpu.dma_semaphore, #tpu.memory_space<semaphore_mem>>)
    %dma_start3A_680 = arith.constant 64 : i32
    %dma_start3A_681 = arith.constant 0 : i32
    %dma_start3A_682 = tpu.memref_slice %arg14[%dma_start3A_680, %dma_start3A_681] : memref<512x64xf32, #tpu.memory_space<vmem>> -> memref<64x64xf32, #tpu.memory_space<vmem>>
    %dma_start3A_683 = arith.constant 64 : i32
    %dma_start3A_684 = tpu.memref_slice %arg11[%dma_start3A_683] : memref<512xi32, #tpu.memory_space<vmem>> -> memref<64xi32, #tpu.memory_space<vmem>>
    %dma_start3A_685 = arith.constant 0 : i32
    %dma_start3A_686 = arith.constant 0 : i32
    %dma_start3A_687 = tpu.memref_slice %arg5[%dma_start3A_685, %dma_start3A_686] : memref<1000000x64xf32, #tpu.memory_space<hbm>> -> memref<1000000x64xf32, #tpu.memory_space<hbm>>
    tpu.enqueue_indirect_dma source(%dma_start3A_687 : memref<1000000x64xf32, #tpu.memory_space<hbm>>) target(%dma_start3A_682 : memref<64x64xf32, #tpu.memory_space<vmem>>) offsets(%dma_start3A_684 : memref<64xi32, #tpu.memory_space<vmem>>) semaphore(%arg16 : memref<!tpu.dma_semaphore, #tpu.memory_space<semaphore_mem>>)
    %dma_start3A_688 = arith.constant 128 : i32
    %dma_start3A_689 = arith.constant 0 : i32
    %dma_start3A_690 = tpu.memref_slice %arg12[%dma_start3A_688, %dma_start3A_689] : memref<512x64xf32, #tpu.memory_space<vmem>> -> memref<64x64xf32, #tpu.memory_space<vmem>>
    %dma_start3A_691 = arith.constant 128 : i32
    %dma_start3A_692 = tpu.memref_slice %arg9[%dma_start3A_691] : memref<512xi32, #tpu.memory_space<vmem>> -> memref<64xi32, #tpu.memory_space<vmem>>
    %dma_start3A_693 = arith.constant 0 : i32
    %dma_start3A_694 = arith.constant 0 : i32
    %dma_start3A_695 = tpu.memref_slice %arg5[%dma_start3A_693, %dma_start3A_694] : memref<1000000x64xf32, #tpu.memory_space<hbm>> -> memref<1000000x64xf32, #tpu.memory_space<hbm>>
    tpu.enqueue_indirect_dma source(%dma_start3A_695 : memref<1000000x64xf32, #tpu.memory_space<hbm>>) target(%dma_start3A_690 : memref<64x64xf32, #tpu.memory_space<vmem>>) offsets(%dma_start3A_692 : memref<64xi32, #tpu.memory_space<vmem>>) semaphore(%arg17 : memref<!tpu.dma_semaphore, #tpu.memory_space<semaphore_mem>>)
    %dma_start3A_696 = arith.constant 128 : i32
    %dma_start3A_697 = arith.constant 0 : i32
    %dma_start3A_698 = tpu.memref_slice %arg13[%dma_start3A_696, %dma_start3A_697] : memref<512x64xf32, #tpu.memory_space<vmem>> -> memref<64x64xf32, #tpu.memory_space<vmem>>
    %dma_start3A_699 = arith.constant 128 : i32
    %dma_start3A_700 = tpu.memref_slice %arg10[%dma_start3A_699] : memref<512xi32, #tpu.memory_space<vmem>> -> memref<64xi32, #tpu.memory_space<vmem>>
    %dma_start3A_701 = arith.constant 0 : i32
    %dma_start3A_702 = arith.constant 0 : i32
    %dma_start3A_703 = tpu.memref_slice %arg5[%dma_start3A_701, %dma_start3A_702] : memref<1000000x64xf32, #tpu.memory_space<hbm>> -> memref<1000000x64xf32, #tpu.memory_space<hbm>>
    tpu.enqueue_indirect_dma source(%dma_start3A_703 : memref<1000000x64xf32, #tpu.memory_space<hbm>>) target(%dma_start3A_698 : memref<64x64xf32, #tpu.memory_space<vmem>>) offsets(%dma_start3A_700 : memref<64xi32, #tpu.memory_space<vmem>>) semaphore(%arg17 : memref<!tpu.dma_semaphore, #tpu.memory_space<semaphore_mem>>)
    %dma_start3A_704 = arith.constant 128 : i32
    %dma_start3A_705 = arith.constant 0 : i32
    %dma_start3A_706 = tpu.memref_slice %arg14[%dma_start3A_704, %dma_start3A_705] : memref<512x64xf32, #tpu.memory_space<vmem>> -> memref<64x64xf32, #tpu.memory_space<vmem>>
    %dma_start3A_707 = arith.constant 128 : i32
    %dma_start3A_708 = tpu.memref_slice %arg11[%dma_start3A_707] : memref<512xi32, #tpu.memory_space<vmem>> -> memref<64xi32, #tpu.memory_space<vmem>>
    %dma_start3A_709 = arith.constant 0 : i32
    %dma_start3A_710 = arith.constant 0 : i32
    %dma_start3A_711 = tpu.memref_slice %arg5[%dma_start3A_709, %dma_start3A_710] : memref<1000000x64xf32, #tpu.memory_space<hbm>> -> memref<1000000x64xf32, #tpu.memory_space<hbm>>
    tpu.enqueue_indirect_dma source(%dma_start3A_711 : memref<1000000x64xf32, #tpu.memory_space<hbm>>) target(%dma_start3A_706 : memref<64x64xf32, #tpu.memory_space<vmem>>) offsets(%dma_start3A_708 : memref<64xi32, #tpu.memory_space<vmem>>) semaphore(%arg17 : memref<!tpu.dma_semaphore, #tpu.memory_space<semaphore_mem>>)
    %dma_start3A_712 = arith.constant 192 : i32
    %dma_start3A_713 = arith.constant 0 : i32
    %dma_start3A_714 = tpu.memref_slice %arg12[%dma_start3A_712, %dma_start3A_713] : memref<512x64xf32, #tpu.memory_space<vmem>> -> memref<64x64xf32, #tpu.memory_space<vmem>>
    %dma_start3A_715 = arith.constant 192 : i32
    %dma_start3A_716 = tpu.memref_slice %arg9[%dma_start3A_715] : memref<512xi32, #tpu.memory_space<vmem>> -> memref<64xi32, #tpu.memory_space<vmem>>
    %dma_start3A_717 = arith.constant 0 : i32
    %dma_start3A_718 = arith.constant 0 : i32
    %dma_start3A_719 = tpu.memref_slice %arg5[%dma_start3A_717, %dma_start3A_718] : memref<1000000x64xf32, #tpu.memory_space<hbm>> -> memref<1000000x64xf32, #tpu.memory_space<hbm>>
    tpu.enqueue_indirect_dma source(%dma_start3A_719 : memref<1000000x64xf32, #tpu.memory_space<hbm>>) target(%dma_start3A_714 : memref<64x64xf32, #tpu.memory_space<vmem>>) offsets(%dma_start3A_716 : memref<64xi32, #tpu.memory_space<vmem>>) semaphore(%arg18 : memref<!tpu.dma_semaphore, #tpu.memory_space<semaphore_mem>>)
    %dma_start3A_720 = arith.constant 192 : i32
    %dma_start3A_721 = arith.constant 0 : i32
    %dma_start3A_722 = tpu.memref_slice %arg13[%dma_start3A_720, %dma_start3A_721] : memref<512x64xf32, #tpu.memory_space<vmem>> -> memref<64x64xf32, #tpu.memory_space<vmem>>
    %dma_start3A_723 = arith.constant 192 : i32
    %dma_start3A_724 = tpu.memref_slice %arg10[%dma_start3A_723] : memref<512xi32, #tpu.memory_space<vmem>> -> memref<64xi32, #tpu.memory_space<vmem>>
    %dma_start3A_725 = arith.constant 0 : i32
    %dma_start3A_726 = arith.constant 0 : i32
    %dma_start3A_727 = tpu.memref_slice %arg5[%dma_start3A_725, %dma_start3A_726] : memref<1000000x64xf32, #tpu.memory_space<hbm>> -> memref<1000000x64xf32, #tpu.memory_space<hbm>>
    tpu.enqueue_indirect_dma source(%dma_start3A_727 : memref<1000000x64xf32, #tpu.memory_space<hbm>>) target(%dma_start3A_722 : memref<64x64xf32, #tpu.memory_space<vmem>>) offsets(%dma_start3A_724 : memref<64xi32, #tpu.memory_space<vmem>>) semaphore(%arg18 : memref<!tpu.dma_semaphore, #tpu.memory_space<semaphore_mem>>)
    %dma_start3A_728 = arith.constant 192 : i32
    %dma_start3A_729 = arith.constant 0 : i32
    %dma_start3A_730 = tpu.memref_slice %arg14[%dma_start3A_728, %dma_start3A_729] : memref<512x64xf32, #tpu.memory_space<vmem>> -> memref<64x64xf32, #tpu.memory_space<vmem>>
    %dma_start3A_731 = arith.constant 192 : i32
    %dma_start3A_732 = tpu.memref_slice %arg11[%dma_start3A_731] : memref<512xi32, #tpu.memory_space<vmem>> -> memref<64xi32, #tpu.memory_space<vmem>>
    %dma_start3A_733 = arith.constant 0 : i32
    %dma_start3A_734 = arith.constant 0 : i32
    %dma_start3A_735 = tpu.memref_slice %arg5[%dma_start3A_733, %dma_start3A_734] : memref<1000000x64xf32, #tpu.memory_space<hbm>> -> memref<1000000x64xf32, #tpu.memory_space<hbm>>
    tpu.enqueue_indirect_dma source(%dma_start3A_735 : memref<1000000x64xf32, #tpu.memory_space<hbm>>) target(%dma_start3A_730 : memref<64x64xf32, #tpu.memory_space<vmem>>) offsets(%dma_start3A_732 : memref<64xi32, #tpu.memory_space<vmem>>) semaphore(%arg18 : memref<!tpu.dma_semaphore, #tpu.memory_space<semaphore_mem>>)
    %dma_start3A_736 = arith.constant 256 : i32
    %dma_start3A_737 = arith.constant 0 : i32
    %dma_start3A_738 = tpu.memref_slice %arg12[%dma_start3A_736, %dma_start3A_737] : memref<512x64xf32, #tpu.memory_space<vmem>> -> memref<64x64xf32, #tpu.memory_space<vmem>>
    %dma_start3A_739 = arith.constant 256 : i32
    %dma_start3A_740 = tpu.memref_slice %arg9[%dma_start3A_739] : memref<512xi32, #tpu.memory_space<vmem>> -> memref<64xi32, #tpu.memory_space<vmem>>
    %dma_start3A_741 = arith.constant 0 : i32
    %dma_start3A_742 = arith.constant 0 : i32
    %dma_start3A_743 = tpu.memref_slice %arg5[%dma_start3A_741, %dma_start3A_742] : memref<1000000x64xf32, #tpu.memory_space<hbm>> -> memref<1000000x64xf32, #tpu.memory_space<hbm>>
    tpu.enqueue_indirect_dma source(%dma_start3A_743 : memref<1000000x64xf32, #tpu.memory_space<hbm>>) target(%dma_start3A_738 : memref<64x64xf32, #tpu.memory_space<vmem>>) offsets(%dma_start3A_740 : memref<64xi32, #tpu.memory_space<vmem>>) semaphore(%arg19 : memref<!tpu.dma_semaphore, #tpu.memory_space<semaphore_mem>>)
    %dma_start3A_744 = arith.constant 256 : i32
    %dma_start3A_745 = arith.constant 0 : i32
    %dma_start3A_746 = tpu.memref_slice %arg13[%dma_start3A_744, %dma_start3A_745] : memref<512x64xf32, #tpu.memory_space<vmem>> -> memref<64x64xf32, #tpu.memory_space<vmem>>
    %dma_start3A_747 = arith.constant 256 : i32
    %dma_start3A_748 = tpu.memref_slice %arg10[%dma_start3A_747] : memref<512xi32, #tpu.memory_space<vmem>> -> memref<64xi32, #tpu.memory_space<vmem>>
    %dma_start3A_749 = arith.constant 0 : i32
    %dma_start3A_750 = arith.constant 0 : i32
    %dma_start3A_751 = tpu.memref_slice %arg5[%dma_start3A_749, %dma_start3A_750] : memref<1000000x64xf32, #tpu.memory_space<hbm>> -> memref<1000000x64xf32, #tpu.memory_space<hbm>>
    tpu.enqueue_indirect_dma source(%dma_start3A_751 : memref<1000000x64xf32, #tpu.memory_space<hbm>>) target(%dma_start3A_746 : memref<64x64xf32, #tpu.memory_space<vmem>>) offsets(%dma_start3A_748 : memref<64xi32, #tpu.memory_space<vmem>>) semaphore(%arg19 : memref<!tpu.dma_semaphore, #tpu.memory_space<semaphore_mem>>)
    %dma_start3A_752 = arith.constant 256 : i32
    %dma_start3A_753 = arith.constant 0 : i32
    %dma_start3A_754 = tpu.memref_slice %arg14[%dma_start3A_752, %dma_start3A_753] : memref<512x64xf32, #tpu.memory_space<vmem>> -> memref<64x64xf32, #tpu.memory_space<vmem>>
    %dma_start3A_755 = arith.constant 256 : i32
    %dma_start3A_756 = tpu.memref_slice %arg11[%dma_start3A_755] : memref<512xi32, #tpu.memory_space<vmem>> -> memref<64xi32, #tpu.memory_space<vmem>>
    %dma_start3A_757 = arith.constant 0 : i32
    %dma_start3A_758 = arith.constant 0 : i32
    %dma_start3A_759 = tpu.memref_slice %arg5[%dma_start3A_757, %dma_start3A_758] : memref<1000000x64xf32, #tpu.memory_space<hbm>> -> memref<1000000x64xf32, #tpu.memory_space<hbm>>
    tpu.enqueue_indirect_dma source(%dma_start3A_759 : memref<1000000x64xf32, #tpu.memory_space<hbm>>) target(%dma_start3A_754 : memref<64x64xf32, #tpu.memory_space<vmem>>) offsets(%dma_start3A_756 : memref<64xi32, #tpu.memory_space<vmem>>) semaphore(%arg19 : memref<!tpu.dma_semaphore, #tpu.memory_space<semaphore_mem>>)
    %dma_start3A_760 = arith.constant 320 : i32
    %dma_start3A_761 = arith.constant 0 : i32
    %dma_start3A_762 = tpu.memref_slice %arg12[%dma_start3A_760, %dma_start3A_761] : memref<512x64xf32, #tpu.memory_space<vmem>> -> memref<64x64xf32, #tpu.memory_space<vmem>>
    %dma_start3A_763 = arith.constant 320 : i32
    %dma_start3A_764 = tpu.memref_slice %arg9[%dma_start3A_763] : memref<512xi32, #tpu.memory_space<vmem>> -> memref<64xi32, #tpu.memory_space<vmem>>
    %dma_start3A_765 = arith.constant 0 : i32
    %dma_start3A_766 = arith.constant 0 : i32
    %dma_start3A_767 = tpu.memref_slice %arg5[%dma_start3A_765, %dma_start3A_766] : memref<1000000x64xf32, #tpu.memory_space<hbm>> -> memref<1000000x64xf32, #tpu.memory_space<hbm>>
    tpu.enqueue_indirect_dma source(%dma_start3A_767 : memref<1000000x64xf32, #tpu.memory_space<hbm>>) target(%dma_start3A_762 : memref<64x64xf32, #tpu.memory_space<vmem>>) offsets(%dma_start3A_764 : memref<64xi32, #tpu.memory_space<vmem>>) semaphore(%arg20 : memref<!tpu.dma_semaphore, #tpu.memory_space<semaphore_mem>>)
    %dma_start3A_768 = arith.constant 320 : i32
    %dma_start3A_769 = arith.constant 0 : i32
    %dma_start3A_770 = tpu.memref_slice %arg13[%dma_start3A_768, %dma_start3A_769] : memref<512x64xf32, #tpu.memory_space<vmem>> -> memref<64x64xf32, #tpu.memory_space<vmem>>
    %dma_start3A_771 = arith.constant 320 : i32
    %dma_start3A_772 = tpu.memref_slice %arg10[%dma_start3A_771] : memref<512xi32, #tpu.memory_space<vmem>> -> memref<64xi32, #tpu.memory_space<vmem>>
    %dma_start3A_773 = arith.constant 0 : i32
    %dma_start3A_774 = arith.constant 0 : i32
    %dma_start3A_775 = tpu.memref_slice %arg5[%dma_start3A_773, %dma_start3A_774] : memref<1000000x64xf32, #tpu.memory_space<hbm>> -> memref<1000000x64xf32, #tpu.memory_space<hbm>>
    tpu.enqueue_indirect_dma source(%dma_start3A_775 : memref<1000000x64xf32, #tpu.memory_space<hbm>>) target(%dma_start3A_770 : memref<64x64xf32, #tpu.memory_space<vmem>>) offsets(%dma_start3A_772 : memref<64xi32, #tpu.memory_space<vmem>>) semaphore(%arg20 : memref<!tpu.dma_semaphore, #tpu.memory_space<semaphore_mem>>)
    %dma_start3A_776 = arith.constant 320 : i32
    %dma_start3A_777 = arith.constant 0 : i32
    %dma_start3A_778 = tpu.memref_slice %arg14[%dma_start3A_776, %dma_start3A_777] : memref<512x64xf32, #tpu.memory_space<vmem>> -> memref<64x64xf32, #tpu.memory_space<vmem>>
    %dma_start3A_779 = arith.constant 320 : i32
    %dma_start3A_780 = tpu.memref_slice %arg11[%dma_start3A_779] : memref<512xi32, #tpu.memory_space<vmem>> -> memref<64xi32, #tpu.memory_space<vmem>>
    %dma_start3A_781 = arith.constant 0 : i32
    %dma_start3A_782 = arith.constant 0 : i32
    %dma_start3A_783 = tpu.memref_slice %arg5[%dma_start3A_781, %dma_start3A_782] : memref<1000000x64xf32, #tpu.memory_space<hbm>> -> memref<1000000x64xf32, #tpu.memory_space<hbm>>
    tpu.enqueue_indirect_dma source(%dma_start3A_783 : memref<1000000x64xf32, #tpu.memory_space<hbm>>) target(%dma_start3A_778 : memref<64x64xf32, #tpu.memory_space<vmem>>) offsets(%dma_start3A_780 : memref<64xi32, #tpu.memory_space<vmem>>) semaphore(%arg20 : memref<!tpu.dma_semaphore, #tpu.memory_space<semaphore_mem>>)
    %dma_start3A_784 = arith.constant 384 : i32
    %dma_start3A_785 = arith.constant 0 : i32
    %dma_start3A_786 = tpu.memref_slice %arg12[%dma_start3A_784, %dma_start3A_785] : memref<512x64xf32, #tpu.memory_space<vmem>> -> memref<64x64xf32, #tpu.memory_space<vmem>>
    %dma_start3A_787 = arith.constant 384 : i32
    %dma_start3A_788 = tpu.memref_slice %arg9[%dma_start3A_787] : memref<512xi32, #tpu.memory_space<vmem>> -> memref<64xi32, #tpu.memory_space<vmem>>
    %dma_start3A_789 = arith.constant 0 : i32
    %dma_start3A_790 = arith.constant 0 : i32
    %dma_start3A_791 = tpu.memref_slice %arg5[%dma_start3A_789, %dma_start3A_790] : memref<1000000x64xf32, #tpu.memory_space<hbm>> -> memref<1000000x64xf32, #tpu.memory_space<hbm>>
    tpu.enqueue_indirect_dma source(%dma_start3A_791 : memref<1000000x64xf32, #tpu.memory_space<hbm>>) target(%dma_start3A_786 : memref<64x64xf32, #tpu.memory_space<vmem>>) offsets(%dma_start3A_788 : memref<64xi32, #tpu.memory_space<vmem>>) semaphore(%arg21 : memref<!tpu.dma_semaphore, #tpu.memory_space<semaphore_mem>>)
    %dma_start3A_792 = arith.constant 384 : i32
    %dma_start3A_793 = arith.constant 0 : i32
    %dma_start3A_794 = tpu.memref_slice %arg13[%dma_start3A_792, %dma_start3A_793] : memref<512x64xf32, #tpu.memory_space<vmem>> -> memref<64x64xf32, #tpu.memory_space<vmem>>
    %dma_start3A_795 = arith.constant 384 : i32
    %dma_start3A_796 = tpu.memref_slice %arg10[%dma_start3A_795] : memref<512xi32, #tpu.memory_space<vmem>> -> memref<64xi32, #tpu.memory_space<vmem>>
    %dma_start3A_797 = arith.constant 0 : i32
    %dma_start3A_798 = arith.constant 0 : i32
    %dma_start3A_799 = tpu.memref_slice %arg5[%dma_start3A_797, %dma_start3A_798] : memref<1000000x64xf32, #tpu.memory_space<hbm>> -> memref<1000000x64xf32, #tpu.memory_space<hbm>>
    tpu.enqueue_indirect_dma source(%dma_start3A_799 : memref<1000000x64xf32, #tpu.memory_space<hbm>>) target(%dma_start3A_794 : memref<64x64xf32, #tpu.memory_space<vmem>>) offsets(%dma_start3A_796 : memref<64xi32, #tpu.memory_space<vmem>>) semaphore(%arg21 : memref<!tpu.dma_semaphore, #tpu.memory_space<semaphore_mem>>)
    %dma_start3A_800 = arith.constant 384 : i32
    %dma_start3A_801 = arith.constant 0 : i32
    %dma_start3A_802 = tpu.memref_slice %arg14[%dma_start3A_800, %dma_start3A_801] : memref<512x64xf32, #tpu.memory_space<vmem>> -> memref<64x64xf32, #tpu.memory_space<vmem>>
    %dma_start3A_803 = arith.constant 384 : i32
    %dma_start3A_804 = tpu.memref_slice %arg11[%dma_start3A_803] : memref<512xi32, #tpu.memory_space<vmem>> -> memref<64xi32, #tpu.memory_space<vmem>>
    %dma_start3A_805 = arith.constant 0 : i32
    %dma_start3A_806 = arith.constant 0 : i32
    %dma_start3A_807 = tpu.memref_slice %arg5[%dma_start3A_805, %dma_start3A_806] : memref<1000000x64xf32, #tpu.memory_space<hbm>> -> memref<1000000x64xf32, #tpu.memory_space<hbm>>
    tpu.enqueue_indirect_dma source(%dma_start3A_807 : memref<1000000x64xf32, #tpu.memory_space<hbm>>) target(%dma_start3A_802 : memref<64x64xf32, #tpu.memory_space<vmem>>) offsets(%dma_start3A_804 : memref<64xi32, #tpu.memory_space<vmem>>) semaphore(%arg21 : memref<!tpu.dma_semaphore, #tpu.memory_space<semaphore_mem>>)
    %dma_start3A_808 = arith.constant 448 : i32
    %dma_start3A_809 = arith.constant 0 : i32
    %dma_start3A_810 = tpu.memref_slice %arg12[%dma_start3A_808, %dma_start3A_809] : memref<512x64xf32, #tpu.memory_space<vmem>> -> memref<64x64xf32, #tpu.memory_space<vmem>>
    %dma_start3A_811 = arith.constant 448 : i32
    %dma_start3A_812 = tpu.memref_slice %arg9[%dma_start3A_811] : memref<512xi32, #tpu.memory_space<vmem>> -> memref<64xi32, #tpu.memory_space<vmem>>
    %dma_start3A_813 = arith.constant 0 : i32
    %dma_start3A_814 = arith.constant 0 : i32
    %dma_start3A_815 = tpu.memref_slice %arg5[%dma_start3A_813, %dma_start3A_814] : memref<1000000x64xf32, #tpu.memory_space<hbm>> -> memref<1000000x64xf32, #tpu.memory_space<hbm>>
    tpu.enqueue_indirect_dma source(%dma_start3A_815 : memref<1000000x64xf32, #tpu.memory_space<hbm>>) target(%dma_start3A_810 : memref<64x64xf32, #tpu.memory_space<vmem>>) offsets(%dma_start3A_812 : memref<64xi32, #tpu.memory_space<vmem>>) semaphore(%arg22 : memref<!tpu.dma_semaphore, #tpu.memory_space<semaphore_mem>>)
    %dma_start3A_816 = arith.constant 448 : i32
    %dma_start3A_817 = arith.constant 0 : i32
    %dma_start3A_818 = tpu.memref_slice %arg13[%dma_start3A_816, %dma_start3A_817] : memref<512x64xf32, #tpu.memory_space<vmem>> -> memref<64x64xf32, #tpu.memory_space<vmem>>
    %dma_start3A_819 = arith.constant 448 : i32
    %dma_start3A_820 = tpu.memref_slice %arg10[%dma_start3A_819] : memref<512xi32, #tpu.memory_space<vmem>> -> memref<64xi32, #tpu.memory_space<vmem>>
    %dma_start3A_821 = arith.constant 0 : i32
    %dma_start3A_822 = arith.constant 0 : i32
    %dma_start3A_823 = tpu.memref_slice %arg5[%dma_start3A_821, %dma_start3A_822] : memref<1000000x64xf32, #tpu.memory_space<hbm>> -> memref<1000000x64xf32, #tpu.memory_space<hbm>>
    tpu.enqueue_indirect_dma source(%dma_start3A_823 : memref<1000000x64xf32, #tpu.memory_space<hbm>>) target(%dma_start3A_818 : memref<64x64xf32, #tpu.memory_space<vmem>>) offsets(%dma_start3A_820 : memref<64xi32, #tpu.memory_space<vmem>>) semaphore(%arg22 : memref<!tpu.dma_semaphore, #tpu.memory_space<semaphore_mem>>)
    %dma_start3A_824 = arith.constant 448 : i32
    %dma_start3A_825 = arith.constant 0 : i32
    %dma_start3A_826 = tpu.memref_slice %arg14[%dma_start3A_824, %dma_start3A_825] : memref<512x64xf32, #tpu.memory_space<vmem>> -> memref<64x64xf32, #tpu.memory_space<vmem>>
    %dma_start3A_827 = arith.constant 448 : i32
    %dma_start3A_828 = tpu.memref_slice %arg11[%dma_start3A_827] : memref<512xi32, #tpu.memory_space<vmem>> -> memref<64xi32, #tpu.memory_space<vmem>>
    %dma_start3A_829 = arith.constant 0 : i32
    %dma_start3A_830 = arith.constant 0 : i32
    %dma_start3A_831 = tpu.memref_slice %arg5[%dma_start3A_829, %dma_start3A_830] : memref<1000000x64xf32, #tpu.memory_space<hbm>> -> memref<1000000x64xf32, #tpu.memory_space<hbm>>
    tpu.enqueue_indirect_dma source(%dma_start3A_831 : memref<1000000x64xf32, #tpu.memory_space<hbm>>) target(%dma_start3A_826 : memref<64x64xf32, #tpu.memory_space<vmem>>) offsets(%dma_start3A_828 : memref<64xi32, #tpu.memory_space<vmem>>) semaphore(%arg22 : memref<!tpu.dma_semaphore, #tpu.memory_space<semaphore_mem>>)
    %add3A_832 = arith.constant 0 : i32
    %add3A_833 = arith.addi %mul3A_2, %add3A_832 : i32
    %dma_wait3A = arith.constant 0 : i32
    %dma_wait3A_834 = arith.constant 0 : i32
    %dma_wait3A_835 = tpu.memref_slice %arg12[%dma_wait3A, %dma_wait3A_834] : memref<512x64xf32, #tpu.memory_space<vmem>> -> memref<64x64xf32, #tpu.memory_space<vmem>>
    %dma_wait3A_836 = arith.constant 0 : i32
    %dma_wait3A_837 = tpu.memref_slice %arg9[%dma_wait3A_836] : memref<512xi32, #tpu.memory_space<vmem>> -> memref<64xi32, #tpu.memory_space<vmem>>
    %dma_wait3A_838 = arith.constant 0 : i32
    %dma_wait3A_839 = arith.constant 0 : i32
    %dma_wait3A_840 = tpu.memref_slice %arg5[%dma_wait3A_838, %dma_wait3A_839] : memref<1000000x64xf32, #tpu.memory_space<hbm>> -> memref<1000000x64xf32, #tpu.memory_space<hbm>>
    tpu.wait_indirect_dma semaphore(%arg15 : memref<!tpu.dma_semaphore, #tpu.memory_space<semaphore_mem>>) src(%dma_wait3A_840 : memref<1000000x64xf32, #tpu.memory_space<hbm>>) dst(%dma_wait3A_835 : memref<64x64xf32, #tpu.memory_space<vmem>>)
    %dma_wait3A_841 = arith.constant 0 : i32
    %dma_wait3A_842 = arith.constant 0 : i32
    %dma_wait3A_843 = tpu.memref_slice %arg13[%dma_wait3A_841, %dma_wait3A_842] : memref<512x64xf32, #tpu.memory_space<vmem>> -> memref<64x64xf32, #tpu.memory_space<vmem>>
    %dma_wait3A_844 = arith.constant 0 : i32
    %dma_wait3A_845 = tpu.memref_slice %arg10[%dma_wait3A_844] : memref<512xi32, #tpu.memory_space<vmem>> -> memref<64xi32, #tpu.memory_space<vmem>>
    %dma_wait3A_846 = arith.constant 0 : i32
    %dma_wait3A_847 = arith.constant 0 : i32
    %dma_wait3A_848 = tpu.memref_slice %arg5[%dma_wait3A_846, %dma_wait3A_847] : memref<1000000x64xf32, #tpu.memory_space<hbm>> -> memref<1000000x64xf32, #tpu.memory_space<hbm>>
    tpu.wait_indirect_dma semaphore(%arg15 : memref<!tpu.dma_semaphore, #tpu.memory_space<semaphore_mem>>) src(%dma_wait3A_848 : memref<1000000x64xf32, #tpu.memory_space<hbm>>) dst(%dma_wait3A_843 : memref<64x64xf32, #tpu.memory_space<vmem>>)
    %dma_wait3A_849 = arith.constant 0 : i32
    %dma_wait3A_850 = arith.constant 0 : i32
    %dma_wait3A_851 = tpu.memref_slice %arg14[%dma_wait3A_849, %dma_wait3A_850] : memref<512x64xf32, #tpu.memory_space<vmem>> -> memref<64x64xf32, #tpu.memory_space<vmem>>
    %dma_wait3A_852 = arith.constant 0 : i32
    %dma_wait3A_853 = tpu.memref_slice %arg11[%dma_wait3A_852] : memref<512xi32, #tpu.memory_space<vmem>> -> memref<64xi32, #tpu.memory_space<vmem>>
    %dma_wait3A_854 = arith.constant 0 : i32
    %dma_wait3A_855 = arith.constant 0 : i32
    %dma_wait3A_856 = tpu.memref_slice %arg5[%dma_wait3A_854, %dma_wait3A_855] : memref<1000000x64xf32, #tpu.memory_space<hbm>> -> memref<1000000x64xf32, #tpu.memory_space<hbm>>
    tpu.wait_indirect_dma semaphore(%arg15 : memref<!tpu.dma_semaphore, #tpu.memory_space<semaphore_mem>>) src(%dma_wait3A_856 : memref<1000000x64xf32, #tpu.memory_space<hbm>>) dst(%dma_wait3A_851 : memref<64x64xf32, #tpu.memory_space<vmem>>)
    %dma_start3A_857 = arith.constant 0 : i32
    %dma_start3A_858 = arith.constant 0 : i32
    %dma_start3A_859 = tpu.memref_slice %arg12[%dma_start3A_857, %dma_start3A_858] : memref<512x64xf32, #tpu.memory_space<vmem>> -> memref<64x64xf32, #tpu.memory_space<vmem>>
    %dma_start3A_860 = arith.constant 0 : i32
    %dma_start3A_861 = tpu.memref_slice %arg6[%add3A_833, %dma_start3A_860] : memref<16384x64xf32, #tpu.memory_space<hbm>> -> memref<64x64xf32, #tpu.memory_space<hbm>>
    %dma_start3A_862 = arith.constant 0 : i32
    %dma_start3A_863 = tpu.memref_slice %arg6[%add3A_833, %dma_start3A_862] : memref<16384x64xf32, #tpu.memory_space<hbm>> -> memref<64x64xf32, #tpu.memory_space<hbm>>
    %dma_start3A_864 = arith.constant 0 : i32
    %dma_start3A_865 = arith.constant 0 : i32
    %dma_start3A_866 = tpu.memref_slice %arg12[%dma_start3A_864, %dma_start3A_865] : memref<512x64xf32, #tpu.memory_space<vmem>> -> memref<64x64xf32, #tpu.memory_space<vmem>>
    tpu.enqueue_dma source(%dma_start3A_866 : memref<64x64xf32, #tpu.memory_space<vmem>>) target(%dma_start3A_863 : memref<64x64xf32, #tpu.memory_space<hbm>>) target_semaphore(%arg23 : memref<!tpu.dma_semaphore, #tpu.memory_space<semaphore_mem>>)
    %dma_start3A_867 = arith.constant 0 : i32
    %dma_start3A_868 = arith.constant 0 : i32
    %dma_start3A_869 = tpu.memref_slice %arg13[%dma_start3A_867, %dma_start3A_868] : memref<512x64xf32, #tpu.memory_space<vmem>> -> memref<64x64xf32, #tpu.memory_space<vmem>>
    %dma_start3A_870 = arith.constant 0 : i32
    %dma_start3A_871 = tpu.memref_slice %arg7[%add3A_833, %dma_start3A_870] : memref<16384x64xf32, #tpu.memory_space<hbm>> -> memref<64x64xf32, #tpu.memory_space<hbm>>
    %dma_start3A_872 = arith.constant 0 : i32
    %dma_start3A_873 = tpu.memref_slice %arg7[%add3A_833, %dma_start3A_872] : memref<16384x64xf32, #tpu.memory_space<hbm>> -> memref<64x64xf32, #tpu.memory_space<hbm>>
    %dma_start3A_874 = arith.constant 0 : i32
    %dma_start3A_875 = arith.constant 0 : i32
    %dma_start3A_876 = tpu.memref_slice %arg13[%dma_start3A_874, %dma_start3A_875] : memref<512x64xf32, #tpu.memory_space<vmem>> -> memref<64x64xf32, #tpu.memory_space<vmem>>
    tpu.enqueue_dma source(%dma_start3A_876 : memref<64x64xf32, #tpu.memory_space<vmem>>) target(%dma_start3A_873 : memref<64x64xf32, #tpu.memory_space<hbm>>) target_semaphore(%arg23 : memref<!tpu.dma_semaphore, #tpu.memory_space<semaphore_mem>>)
    %dma_start3A_877 = arith.constant 0 : i32
    %dma_start3A_878 = arith.constant 0 : i32
    %dma_start3A_879 = tpu.memref_slice %arg14[%dma_start3A_877, %dma_start3A_878] : memref<512x64xf32, #tpu.memory_space<vmem>> -> memref<64x64xf32, #tpu.memory_space<vmem>>
    %dma_start3A_880 = arith.constant 0 : i32
    %dma_start3A_881 = tpu.memref_slice %arg8[%add3A_833, %dma_start3A_880] : memref<16384x64xf32, #tpu.memory_space<hbm>> -> memref<64x64xf32, #tpu.memory_space<hbm>>
    %dma_start3A_882 = arith.constant 0 : i32
    %dma_start3A_883 = tpu.memref_slice %arg8[%add3A_833, %dma_start3A_882] : memref<16384x64xf32, #tpu.memory_space<hbm>> -> memref<64x64xf32, #tpu.memory_space<hbm>>
    %dma_start3A_884 = arith.constant 0 : i32
    %dma_start3A_885 = arith.constant 0 : i32
    %dma_start3A_886 = tpu.memref_slice %arg14[%dma_start3A_884, %dma_start3A_885] : memref<512x64xf32, #tpu.memory_space<vmem>> -> memref<64x64xf32, #tpu.memory_space<vmem>>
    tpu.enqueue_dma source(%dma_start3A_886 : memref<64x64xf32, #tpu.memory_space<vmem>>) target(%dma_start3A_883 : memref<64x64xf32, #tpu.memory_space<hbm>>) target_semaphore(%arg23 : memref<!tpu.dma_semaphore, #tpu.memory_space<semaphore_mem>>)
    %add3A_887 = arith.constant 64 : i32
    %add3A_888 = arith.addi %mul3A_2, %add3A_887 : i32
    %dma_wait3A_889 = arith.constant 64 : i32
    %dma_wait3A_890 = arith.constant 0 : i32
    %dma_wait3A_891 = tpu.memref_slice %arg12[%dma_wait3A_889, %dma_wait3A_890] : memref<512x64xf32, #tpu.memory_space<vmem>> -> memref<64x64xf32, #tpu.memory_space<vmem>>
    %dma_wait3A_892 = arith.constant 64 : i32
    %dma_wait3A_893 = tpu.memref_slice %arg9[%dma_wait3A_892] : memref<512xi32, #tpu.memory_space<vmem>> -> memref<64xi32, #tpu.memory_space<vmem>>
    %dma_wait3A_894 = arith.constant 0 : i32
    %dma_wait3A_895 = arith.constant 0 : i32
    %dma_wait3A_896 = tpu.memref_slice %arg5[%dma_wait3A_894, %dma_wait3A_895] : memref<1000000x64xf32, #tpu.memory_space<hbm>> -> memref<1000000x64xf32, #tpu.memory_space<hbm>>
    tpu.wait_indirect_dma semaphore(%arg16 : memref<!tpu.dma_semaphore, #tpu.memory_space<semaphore_mem>>) src(%dma_wait3A_896 : memref<1000000x64xf32, #tpu.memory_space<hbm>>) dst(%dma_wait3A_891 : memref<64x64xf32, #tpu.memory_space<vmem>>)
    %dma_wait3A_897 = arith.constant 64 : i32
    %dma_wait3A_898 = arith.constant 0 : i32
    %dma_wait3A_899 = tpu.memref_slice %arg13[%dma_wait3A_897, %dma_wait3A_898] : memref<512x64xf32, #tpu.memory_space<vmem>> -> memref<64x64xf32, #tpu.memory_space<vmem>>
    %dma_wait3A_900 = arith.constant 64 : i32
    %dma_wait3A_901 = tpu.memref_slice %arg10[%dma_wait3A_900] : memref<512xi32, #tpu.memory_space<vmem>> -> memref<64xi32, #tpu.memory_space<vmem>>
    %dma_wait3A_902 = arith.constant 0 : i32
    %dma_wait3A_903 = arith.constant 0 : i32
    %dma_wait3A_904 = tpu.memref_slice %arg5[%dma_wait3A_902, %dma_wait3A_903] : memref<1000000x64xf32, #tpu.memory_space<hbm>> -> memref<1000000x64xf32, #tpu.memory_space<hbm>>
    tpu.wait_indirect_dma semaphore(%arg16 : memref<!tpu.dma_semaphore, #tpu.memory_space<semaphore_mem>>) src(%dma_wait3A_904 : memref<1000000x64xf32, #tpu.memory_space<hbm>>) dst(%dma_wait3A_899 : memref<64x64xf32, #tpu.memory_space<vmem>>)
    %dma_wait3A_905 = arith.constant 64 : i32
    %dma_wait3A_906 = arith.constant 0 : i32
    %dma_wait3A_907 = tpu.memref_slice %arg14[%dma_wait3A_905, %dma_wait3A_906] : memref<512x64xf32, #tpu.memory_space<vmem>> -> memref<64x64xf32, #tpu.memory_space<vmem>>
    %dma_wait3A_908 = arith.constant 64 : i32
    %dma_wait3A_909 = tpu.memref_slice %arg11[%dma_wait3A_908] : memref<512xi32, #tpu.memory_space<vmem>> -> memref<64xi32, #tpu.memory_space<vmem>>
    %dma_wait3A_910 = arith.constant 0 : i32
    %dma_wait3A_911 = arith.constant 0 : i32
    %dma_wait3A_912 = tpu.memref_slice %arg5[%dma_wait3A_910, %dma_wait3A_911] : memref<1000000x64xf32, #tpu.memory_space<hbm>> -> memref<1000000x64xf32, #tpu.memory_space<hbm>>
    tpu.wait_indirect_dma semaphore(%arg16 : memref<!tpu.dma_semaphore, #tpu.memory_space<semaphore_mem>>) src(%dma_wait3A_912 : memref<1000000x64xf32, #tpu.memory_space<hbm>>) dst(%dma_wait3A_907 : memref<64x64xf32, #tpu.memory_space<vmem>>)
    %dma_start3A_913 = arith.constant 64 : i32
    %dma_start3A_914 = arith.constant 0 : i32
    %dma_start3A_915 = tpu.memref_slice %arg12[%dma_start3A_913, %dma_start3A_914] : memref<512x64xf32, #tpu.memory_space<vmem>> -> memref<64x64xf32, #tpu.memory_space<vmem>>
    %dma_start3A_916 = arith.constant 0 : i32
    %dma_start3A_917 = tpu.memref_slice %arg6[%add3A_888, %dma_start3A_916] : memref<16384x64xf32, #tpu.memory_space<hbm>> -> memref<64x64xf32, #tpu.memory_space<hbm>>
    %dma_start3A_918 = arith.constant 0 : i32
    %dma_start3A_919 = tpu.memref_slice %arg6[%add3A_888, %dma_start3A_918] : memref<16384x64xf32, #tpu.memory_space<hbm>> -> memref<64x64xf32, #tpu.memory_space<hbm>>
    %dma_start3A_920 = arith.constant 64 : i32
    %dma_start3A_921 = arith.constant 0 : i32
    %dma_start3A_922 = tpu.memref_slice %arg12[%dma_start3A_920, %dma_start3A_921] : memref<512x64xf32, #tpu.memory_space<vmem>> -> memref<64x64xf32, #tpu.memory_space<vmem>>
    tpu.enqueue_dma source(%dma_start3A_922 : memref<64x64xf32, #tpu.memory_space<vmem>>) target(%dma_start3A_919 : memref<64x64xf32, #tpu.memory_space<hbm>>) target_semaphore(%arg23 : memref<!tpu.dma_semaphore, #tpu.memory_space<semaphore_mem>>)
    %dma_start3A_923 = arith.constant 64 : i32
    %dma_start3A_924 = arith.constant 0 : i32
    %dma_start3A_925 = tpu.memref_slice %arg13[%dma_start3A_923, %dma_start3A_924] : memref<512x64xf32, #tpu.memory_space<vmem>> -> memref<64x64xf32, #tpu.memory_space<vmem>>
    %dma_start3A_926 = arith.constant 0 : i32
    %dma_start3A_927 = tpu.memref_slice %arg7[%add3A_888, %dma_start3A_926] : memref<16384x64xf32, #tpu.memory_space<hbm>> -> memref<64x64xf32, #tpu.memory_space<hbm>>
    %dma_start3A_928 = arith.constant 0 : i32
    %dma_start3A_929 = tpu.memref_slice %arg7[%add3A_888, %dma_start3A_928] : memref<16384x64xf32, #tpu.memory_space<hbm>> -> memref<64x64xf32, #tpu.memory_space<hbm>>
    %dma_start3A_930 = arith.constant 64 : i32
    %dma_start3A_931 = arith.constant 0 : i32
    %dma_start3A_932 = tpu.memref_slice %arg13[%dma_start3A_930, %dma_start3A_931] : memref<512x64xf32, #tpu.memory_space<vmem>> -> memref<64x64xf32, #tpu.memory_space<vmem>>
    tpu.enqueue_dma source(%dma_start3A_932 : memref<64x64xf32, #tpu.memory_space<vmem>>) target(%dma_start3A_929 : memref<64x64xf32, #tpu.memory_space<hbm>>) target_semaphore(%arg23 : memref<!tpu.dma_semaphore, #tpu.memory_space<semaphore_mem>>)
    %dma_start3A_933 = arith.constant 64 : i32
    %dma_start3A_934 = arith.constant 0 : i32
    %dma_start3A_935 = tpu.memref_slice %arg14[%dma_start3A_933, %dma_start3A_934] : memref<512x64xf32, #tpu.memory_space<vmem>> -> memref<64x64xf32, #tpu.memory_space<vmem>>
    %dma_start3A_936 = arith.constant 0 : i32
    %dma_start3A_937 = tpu.memref_slice %arg8[%add3A_888, %dma_start3A_936] : memref<16384x64xf32, #tpu.memory_space<hbm>> -> memref<64x64xf32, #tpu.memory_space<hbm>>
    %dma_start3A_938 = arith.constant 0 : i32
    %dma_start3A_939 = tpu.memref_slice %arg8[%add3A_888, %dma_start3A_938] : memref<16384x64xf32, #tpu.memory_space<hbm>> -> memref<64x64xf32, #tpu.memory_space<hbm>>
    %dma_start3A_940 = arith.constant 64 : i32
    %dma_start3A_941 = arith.constant 0 : i32
    %dma_start3A_942 = tpu.memref_slice %arg14[%dma_start3A_940, %dma_start3A_941] : memref<512x64xf32, #tpu.memory_space<vmem>> -> memref<64x64xf32, #tpu.memory_space<vmem>>
    tpu.enqueue_dma source(%dma_start3A_942 : memref<64x64xf32, #tpu.memory_space<vmem>>) target(%dma_start3A_939 : memref<64x64xf32, #tpu.memory_space<hbm>>) target_semaphore(%arg23 : memref<!tpu.dma_semaphore, #tpu.memory_space<semaphore_mem>>)
    %add3A_943 = arith.constant 128 : i32
    %add3A_944 = arith.addi %mul3A_2, %add3A_943 : i32
    %dma_wait3A_945 = arith.constant 128 : i32
    %dma_wait3A_946 = arith.constant 0 : i32
    %dma_wait3A_947 = tpu.memref_slice %arg12[%dma_wait3A_945, %dma_wait3A_946] : memref<512x64xf32, #tpu.memory_space<vmem>> -> memref<64x64xf32, #tpu.memory_space<vmem>>
    %dma_wait3A_948 = arith.constant 128 : i32
    %dma_wait3A_949 = tpu.memref_slice %arg9[%dma_wait3A_948] : memref<512xi32, #tpu.memory_space<vmem>> -> memref<64xi32, #tpu.memory_space<vmem>>
    %dma_wait3A_950 = arith.constant 0 : i32
    %dma_wait3A_951 = arith.constant 0 : i32
    %dma_wait3A_952 = tpu.memref_slice %arg5[%dma_wait3A_950, %dma_wait3A_951] : memref<1000000x64xf32, #tpu.memory_space<hbm>> -> memref<1000000x64xf32, #tpu.memory_space<hbm>>
    tpu.wait_indirect_dma semaphore(%arg17 : memref<!tpu.dma_semaphore, #tpu.memory_space<semaphore_mem>>) src(%dma_wait3A_952 : memref<1000000x64xf32, #tpu.memory_space<hbm>>) dst(%dma_wait3A_947 : memref<64x64xf32, #tpu.memory_space<vmem>>)
    %dma_wait3A_953 = arith.constant 128 : i32
    %dma_wait3A_954 = arith.constant 0 : i32
    %dma_wait3A_955 = tpu.memref_slice %arg13[%dma_wait3A_953, %dma_wait3A_954] : memref<512x64xf32, #tpu.memory_space<vmem>> -> memref<64x64xf32, #tpu.memory_space<vmem>>
    %dma_wait3A_956 = arith.constant 128 : i32
    %dma_wait3A_957 = tpu.memref_slice %arg10[%dma_wait3A_956] : memref<512xi32, #tpu.memory_space<vmem>> -> memref<64xi32, #tpu.memory_space<vmem>>
    %dma_wait3A_958 = arith.constant 0 : i32
    %dma_wait3A_959 = arith.constant 0 : i32
    %dma_wait3A_960 = tpu.memref_slice %arg5[%dma_wait3A_958, %dma_wait3A_959] : memref<1000000x64xf32, #tpu.memory_space<hbm>> -> memref<1000000x64xf32, #tpu.memory_space<hbm>>
    tpu.wait_indirect_dma semaphore(%arg17 : memref<!tpu.dma_semaphore, #tpu.memory_space<semaphore_mem>>) src(%dma_wait3A_960 : memref<1000000x64xf32, #tpu.memory_space<hbm>>) dst(%dma_wait3A_955 : memref<64x64xf32, #tpu.memory_space<vmem>>)
    %dma_wait3A_961 = arith.constant 128 : i32
    %dma_wait3A_962 = arith.constant 0 : i32
    %dma_wait3A_963 = tpu.memref_slice %arg14[%dma_wait3A_961, %dma_wait3A_962] : memref<512x64xf32, #tpu.memory_space<vmem>> -> memref<64x64xf32, #tpu.memory_space<vmem>>
    %dma_wait3A_964 = arith.constant 128 : i32
    %dma_wait3A_965 = tpu.memref_slice %arg11[%dma_wait3A_964] : memref<512xi32, #tpu.memory_space<vmem>> -> memref<64xi32, #tpu.memory_space<vmem>>
    %dma_wait3A_966 = arith.constant 0 : i32
    %dma_wait3A_967 = arith.constant 0 : i32
    %dma_wait3A_968 = tpu.memref_slice %arg5[%dma_wait3A_966, %dma_wait3A_967] : memref<1000000x64xf32, #tpu.memory_space<hbm>> -> memref<1000000x64xf32, #tpu.memory_space<hbm>>
    tpu.wait_indirect_dma semaphore(%arg17 : memref<!tpu.dma_semaphore, #tpu.memory_space<semaphore_mem>>) src(%dma_wait3A_968 : memref<1000000x64xf32, #tpu.memory_space<hbm>>) dst(%dma_wait3A_963 : memref<64x64xf32, #tpu.memory_space<vmem>>)
    %dma_start3A_969 = arith.constant 128 : i32
    %dma_start3A_970 = arith.constant 0 : i32
    %dma_start3A_971 = tpu.memref_slice %arg12[%dma_start3A_969, %dma_start3A_970] : memref<512x64xf32, #tpu.memory_space<vmem>> -> memref<64x64xf32, #tpu.memory_space<vmem>>
    %dma_start3A_972 = arith.constant 0 : i32
    %dma_start3A_973 = tpu.memref_slice %arg6[%add3A_944, %dma_start3A_972] : memref<16384x64xf32, #tpu.memory_space<hbm>> -> memref<64x64xf32, #tpu.memory_space<hbm>>
    %dma_start3A_974 = arith.constant 0 : i32
    %dma_start3A_975 = tpu.memref_slice %arg6[%add3A_944, %dma_start3A_974] : memref<16384x64xf32, #tpu.memory_space<hbm>> -> memref<64x64xf32, #tpu.memory_space<hbm>>
    %dma_start3A_976 = arith.constant 128 : i32
    %dma_start3A_977 = arith.constant 0 : i32
    %dma_start3A_978 = tpu.memref_slice %arg12[%dma_start3A_976, %dma_start3A_977] : memref<512x64xf32, #tpu.memory_space<vmem>> -> memref<64x64xf32, #tpu.memory_space<vmem>>
    tpu.enqueue_dma source(%dma_start3A_978 : memref<64x64xf32, #tpu.memory_space<vmem>>) target(%dma_start3A_975 : memref<64x64xf32, #tpu.memory_space<hbm>>) target_semaphore(%arg23 : memref<!tpu.dma_semaphore, #tpu.memory_space<semaphore_mem>>)
    %dma_start3A_979 = arith.constant 128 : i32
    %dma_start3A_980 = arith.constant 0 : i32
    %dma_start3A_981 = tpu.memref_slice %arg13[%dma_start3A_979, %dma_start3A_980] : memref<512x64xf32, #tpu.memory_space<vmem>> -> memref<64x64xf32, #tpu.memory_space<vmem>>
    %dma_start3A_982 = arith.constant 0 : i32
    %dma_start3A_983 = tpu.memref_slice %arg7[%add3A_944, %dma_start3A_982] : memref<16384x64xf32, #tpu.memory_space<hbm>> -> memref<64x64xf32, #tpu.memory_space<hbm>>
    %dma_start3A_984 = arith.constant 0 : i32
    %dma_start3A_985 = tpu.memref_slice %arg7[%add3A_944, %dma_start3A_984] : memref<16384x64xf32, #tpu.memory_space<hbm>> -> memref<64x64xf32, #tpu.memory_space<hbm>>
    %dma_start3A_986 = arith.constant 128 : i32
    %dma_start3A_987 = arith.constant 0 : i32
    %dma_start3A_988 = tpu.memref_slice %arg13[%dma_start3A_986, %dma_start3A_987] : memref<512x64xf32, #tpu.memory_space<vmem>> -> memref<64x64xf32, #tpu.memory_space<vmem>>
    tpu.enqueue_dma source(%dma_start3A_988 : memref<64x64xf32, #tpu.memory_space<vmem>>) target(%dma_start3A_985 : memref<64x64xf32, #tpu.memory_space<hbm>>) target_semaphore(%arg23 : memref<!tpu.dma_semaphore, #tpu.memory_space<semaphore_mem>>)
    %dma_start3A_989 = arith.constant 128 : i32
    %dma_start3A_990 = arith.constant 0 : i32
    %dma_start3A_991 = tpu.memref_slice %arg14[%dma_start3A_989, %dma_start3A_990] : memref<512x64xf32, #tpu.memory_space<vmem>> -> memref<64x64xf32, #tpu.memory_space<vmem>>
    %dma_start3A_992 = arith.constant 0 : i32
    %dma_start3A_993 = tpu.memref_slice %arg8[%add3A_944, %dma_start3A_992] : memref<16384x64xf32, #tpu.memory_space<hbm>> -> memref<64x64xf32, #tpu.memory_space<hbm>>
    %dma_start3A_994 = arith.constant 0 : i32
    %dma_start3A_995 = tpu.memref_slice %arg8[%add3A_944, %dma_start3A_994] : memref<16384x64xf32, #tpu.memory_space<hbm>> -> memref<64x64xf32, #tpu.memory_space<hbm>>
    %dma_start3A_996 = arith.constant 128 : i32
    %dma_start3A_997 = arith.constant 0 : i32
    %dma_start3A_998 = tpu.memref_slice %arg14[%dma_start3A_996, %dma_start3A_997] : memref<512x64xf32, #tpu.memory_space<vmem>> -> memref<64x64xf32, #tpu.memory_space<vmem>>
    tpu.enqueue_dma source(%dma_start3A_998 : memref<64x64xf32, #tpu.memory_space<vmem>>) target(%dma_start3A_995 : memref<64x64xf32, #tpu.memory_space<hbm>>) target_semaphore(%arg23 : memref<!tpu.dma_semaphore, #tpu.memory_space<semaphore_mem>>)
    %add3A_999 = arith.constant 192 : i32
    %add3A_1000 = arith.addi %mul3A_2, %add3A_999 : i32
    %dma_wait3A_1001 = arith.constant 192 : i32
    %dma_wait3A_1002 = arith.constant 0 : i32
    %dma_wait3A_1003 = tpu.memref_slice %arg12[%dma_wait3A_1001, %dma_wait3A_1002] : memref<512x64xf32, #tpu.memory_space<vmem>> -> memref<64x64xf32, #tpu.memory_space<vmem>>
    %dma_wait3A_1004 = arith.constant 192 : i32
    %dma_wait3A_1005 = tpu.memref_slice %arg9[%dma_wait3A_1004] : memref<512xi32, #tpu.memory_space<vmem>> -> memref<64xi32, #tpu.memory_space<vmem>>
    %dma_wait3A_1006 = arith.constant 0 : i32
    %dma_wait3A_1007 = arith.constant 0 : i32
    %dma_wait3A_1008 = tpu.memref_slice %arg5[%dma_wait3A_1006, %dma_wait3A_1007] : memref<1000000x64xf32, #tpu.memory_space<hbm>> -> memref<1000000x64xf32, #tpu.memory_space<hbm>>
    tpu.wait_indirect_dma semaphore(%arg18 : memref<!tpu.dma_semaphore, #tpu.memory_space<semaphore_mem>>) src(%dma_wait3A_1008 : memref<1000000x64xf32, #tpu.memory_space<hbm>>) dst(%dma_wait3A_1003 : memref<64x64xf32, #tpu.memory_space<vmem>>)
    %dma_wait3A_1009 = arith.constant 192 : i32
    %dma_wait3A_1010 = arith.constant 0 : i32
    %dma_wait3A_1011 = tpu.memref_slice %arg13[%dma_wait3A_1009, %dma_wait3A_1010] : memref<512x64xf32, #tpu.memory_space<vmem>> -> memref<64x64xf32, #tpu.memory_space<vmem>>
    %dma_wait3A_1012 = arith.constant 192 : i32
    %dma_wait3A_1013 = tpu.memref_slice %arg10[%dma_wait3A_1012] : memref<512xi32, #tpu.memory_space<vmem>> -> memref<64xi32, #tpu.memory_space<vmem>>
    %dma_wait3A_1014 = arith.constant 0 : i32
    %dma_wait3A_1015 = arith.constant 0 : i32
    %dma_wait3A_1016 = tpu.memref_slice %arg5[%dma_wait3A_1014, %dma_wait3A_1015] : memref<1000000x64xf32, #tpu.memory_space<hbm>> -> memref<1000000x64xf32, #tpu.memory_space<hbm>>
    tpu.wait_indirect_dma semaphore(%arg18 : memref<!tpu.dma_semaphore, #tpu.memory_space<semaphore_mem>>) src(%dma_wait3A_1016 : memref<1000000x64xf32, #tpu.memory_space<hbm>>) dst(%dma_wait3A_1011 : memref<64x64xf32, #tpu.memory_space<vmem>>)
    %dma_wait3A_1017 = arith.constant 192 : i32
    %dma_wait3A_1018 = arith.constant 0 : i32
    %dma_wait3A_1019 = tpu.memref_slice %arg14[%dma_wait3A_1017, %dma_wait3A_1018] : memref<512x64xf32, #tpu.memory_space<vmem>> -> memref<64x64xf32, #tpu.memory_space<vmem>>
    %dma_wait3A_1020 = arith.constant 192 : i32
    %dma_wait3A_1021 = tpu.memref_slice %arg11[%dma_wait3A_1020] : memref<512xi32, #tpu.memory_space<vmem>> -> memref<64xi32, #tpu.memory_space<vmem>>
    %dma_wait3A_1022 = arith.constant 0 : i32
    %dma_wait3A_1023 = arith.constant 0 : i32
    %dma_wait3A_1024 = tpu.memref_slice %arg5[%dma_wait3A_1022, %dma_wait3A_1023] : memref<1000000x64xf32, #tpu.memory_space<hbm>> -> memref<1000000x64xf32, #tpu.memory_space<hbm>>
    tpu.wait_indirect_dma semaphore(%arg18 : memref<!tpu.dma_semaphore, #tpu.memory_space<semaphore_mem>>) src(%dma_wait3A_1024 : memref<1000000x64xf32, #tpu.memory_space<hbm>>) dst(%dma_wait3A_1019 : memref<64x64xf32, #tpu.memory_space<vmem>>)
    %dma_start3A_1025 = arith.constant 192 : i32
    %dma_start3A_1026 = arith.constant 0 : i32
    %dma_start3A_1027 = tpu.memref_slice %arg12[%dma_start3A_1025, %dma_start3A_1026] : memref<512x64xf32, #tpu.memory_space<vmem>> -> memref<64x64xf32, #tpu.memory_space<vmem>>
    %dma_start3A_1028 = arith.constant 0 : i32
    %dma_start3A_1029 = tpu.memref_slice %arg6[%add3A_1000, %dma_start3A_1028] : memref<16384x64xf32, #tpu.memory_space<hbm>> -> memref<64x64xf32, #tpu.memory_space<hbm>>
    %dma_start3A_1030 = arith.constant 0 : i32
    %dma_start3A_1031 = tpu.memref_slice %arg6[%add3A_1000, %dma_start3A_1030] : memref<16384x64xf32, #tpu.memory_space<hbm>> -> memref<64x64xf32, #tpu.memory_space<hbm>>
    %dma_start3A_1032 = arith.constant 192 : i32
    %dma_start3A_1033 = arith.constant 0 : i32
    %dma_start3A_1034 = tpu.memref_slice %arg12[%dma_start3A_1032, %dma_start3A_1033] : memref<512x64xf32, #tpu.memory_space<vmem>> -> memref<64x64xf32, #tpu.memory_space<vmem>>
    tpu.enqueue_dma source(%dma_start3A_1034 : memref<64x64xf32, #tpu.memory_space<vmem>>) target(%dma_start3A_1031 : memref<64x64xf32, #tpu.memory_space<hbm>>) target_semaphore(%arg23 : memref<!tpu.dma_semaphore, #tpu.memory_space<semaphore_mem>>)
    %dma_start3A_1035 = arith.constant 192 : i32
    %dma_start3A_1036 = arith.constant 0 : i32
    %dma_start3A_1037 = tpu.memref_slice %arg13[%dma_start3A_1035, %dma_start3A_1036] : memref<512x64xf32, #tpu.memory_space<vmem>> -> memref<64x64xf32, #tpu.memory_space<vmem>>
    %dma_start3A_1038 = arith.constant 0 : i32
    %dma_start3A_1039 = tpu.memref_slice %arg7[%add3A_1000, %dma_start3A_1038] : memref<16384x64xf32, #tpu.memory_space<hbm>> -> memref<64x64xf32, #tpu.memory_space<hbm>>
    %dma_start3A_1040 = arith.constant 0 : i32
    %dma_start3A_1041 = tpu.memref_slice %arg7[%add3A_1000, %dma_start3A_1040] : memref<16384x64xf32, #tpu.memory_space<hbm>> -> memref<64x64xf32, #tpu.memory_space<hbm>>
    %dma_start3A_1042 = arith.constant 192 : i32
    %dma_start3A_1043 = arith.constant 0 : i32
    %dma_start3A_1044 = tpu.memref_slice %arg13[%dma_start3A_1042, %dma_start3A_1043] : memref<512x64xf32, #tpu.memory_space<vmem>> -> memref<64x64xf32, #tpu.memory_space<vmem>>
    tpu.enqueue_dma source(%dma_start3A_1044 : memref<64x64xf32, #tpu.memory_space<vmem>>) target(%dma_start3A_1041 : memref<64x64xf32, #tpu.memory_space<hbm>>) target_semaphore(%arg23 : memref<!tpu.dma_semaphore, #tpu.memory_space<semaphore_mem>>)
    %dma_start3A_1045 = arith.constant 192 : i32
    %dma_start3A_1046 = arith.constant 0 : i32
    %dma_start3A_1047 = tpu.memref_slice %arg14[%dma_start3A_1045, %dma_start3A_1046] : memref<512x64xf32, #tpu.memory_space<vmem>> -> memref<64x64xf32, #tpu.memory_space<vmem>>
    %dma_start3A_1048 = arith.constant 0 : i32
    %dma_start3A_1049 = tpu.memref_slice %arg8[%add3A_1000, %dma_start3A_1048] : memref<16384x64xf32, #tpu.memory_space<hbm>> -> memref<64x64xf32, #tpu.memory_space<hbm>>
    %dma_start3A_1050 = arith.constant 0 : i32
    %dma_start3A_1051 = tpu.memref_slice %arg8[%add3A_1000, %dma_start3A_1050] : memref<16384x64xf32, #tpu.memory_space<hbm>> -> memref<64x64xf32, #tpu.memory_space<hbm>>
    %dma_start3A_1052 = arith.constant 192 : i32
    %dma_start3A_1053 = arith.constant 0 : i32
    %dma_start3A_1054 = tpu.memref_slice %arg14[%dma_start3A_1052, %dma_start3A_1053] : memref<512x64xf32, #tpu.memory_space<vmem>> -> memref<64x64xf32, #tpu.memory_space<vmem>>
    tpu.enqueue_dma source(%dma_start3A_1054 : memref<64x64xf32, #tpu.memory_space<vmem>>) target(%dma_start3A_1051 : memref<64x64xf32, #tpu.memory_space<hbm>>) target_semaphore(%arg23 : memref<!tpu.dma_semaphore, #tpu.memory_space<semaphore_mem>>)
    %add3A_1055 = arith.constant 256 : i32
    %add3A_1056 = arith.addi %mul3A_2, %add3A_1055 : i32
    %dma_wait3A_1057 = arith.constant 256 : i32
    %dma_wait3A_1058 = arith.constant 0 : i32
    %dma_wait3A_1059 = tpu.memref_slice %arg12[%dma_wait3A_1057, %dma_wait3A_1058] : memref<512x64xf32, #tpu.memory_space<vmem>> -> memref<64x64xf32, #tpu.memory_space<vmem>>
    %dma_wait3A_1060 = arith.constant 256 : i32
    %dma_wait3A_1061 = tpu.memref_slice %arg9[%dma_wait3A_1060] : memref<512xi32, #tpu.memory_space<vmem>> -> memref<64xi32, #tpu.memory_space<vmem>>
    %dma_wait3A_1062 = arith.constant 0 : i32
    %dma_wait3A_1063 = arith.constant 0 : i32
    %dma_wait3A_1064 = tpu.memref_slice %arg5[%dma_wait3A_1062, %dma_wait3A_1063] : memref<1000000x64xf32, #tpu.memory_space<hbm>> -> memref<1000000x64xf32, #tpu.memory_space<hbm>>
    tpu.wait_indirect_dma semaphore(%arg19 : memref<!tpu.dma_semaphore, #tpu.memory_space<semaphore_mem>>) src(%dma_wait3A_1064 : memref<1000000x64xf32, #tpu.memory_space<hbm>>) dst(%dma_wait3A_1059 : memref<64x64xf32, #tpu.memory_space<vmem>>)
    %dma_wait3A_1065 = arith.constant 256 : i32
    %dma_wait3A_1066 = arith.constant 0 : i32
    %dma_wait3A_1067 = tpu.memref_slice %arg13[%dma_wait3A_1065, %dma_wait3A_1066] : memref<512x64xf32, #tpu.memory_space<vmem>> -> memref<64x64xf32, #tpu.memory_space<vmem>>
    %dma_wait3A_1068 = arith.constant 256 : i32
    %dma_wait3A_1069 = tpu.memref_slice %arg10[%dma_wait3A_1068] : memref<512xi32, #tpu.memory_space<vmem>> -> memref<64xi32, #tpu.memory_space<vmem>>
    %dma_wait3A_1070 = arith.constant 0 : i32
    %dma_wait3A_1071 = arith.constant 0 : i32
    %dma_wait3A_1072 = tpu.memref_slice %arg5[%dma_wait3A_1070, %dma_wait3A_1071] : memref<1000000x64xf32, #tpu.memory_space<hbm>> -> memref<1000000x64xf32, #tpu.memory_space<hbm>>
    tpu.wait_indirect_dma semaphore(%arg19 : memref<!tpu.dma_semaphore, #tpu.memory_space<semaphore_mem>>) src(%dma_wait3A_1072 : memref<1000000x64xf32, #tpu.memory_space<hbm>>) dst(%dma_wait3A_1067 : memref<64x64xf32, #tpu.memory_space<vmem>>)
    %dma_wait3A_1073 = arith.constant 256 : i32
    %dma_wait3A_1074 = arith.constant 0 : i32
    %dma_wait3A_1075 = tpu.memref_slice %arg14[%dma_wait3A_1073, %dma_wait3A_1074] : memref<512x64xf32, #tpu.memory_space<vmem>> -> memref<64x64xf32, #tpu.memory_space<vmem>>
    %dma_wait3A_1076 = arith.constant 256 : i32
    %dma_wait3A_1077 = tpu.memref_slice %arg11[%dma_wait3A_1076] : memref<512xi32, #tpu.memory_space<vmem>> -> memref<64xi32, #tpu.memory_space<vmem>>
    %dma_wait3A_1078 = arith.constant 0 : i32
    %dma_wait3A_1079 = arith.constant 0 : i32
    %dma_wait3A_1080 = tpu.memref_slice %arg5[%dma_wait3A_1078, %dma_wait3A_1079] : memref<1000000x64xf32, #tpu.memory_space<hbm>> -> memref<1000000x64xf32, #tpu.memory_space<hbm>>
    tpu.wait_indirect_dma semaphore(%arg19 : memref<!tpu.dma_semaphore, #tpu.memory_space<semaphore_mem>>) src(%dma_wait3A_1080 : memref<1000000x64xf32, #tpu.memory_space<hbm>>) dst(%dma_wait3A_1075 : memref<64x64xf32, #tpu.memory_space<vmem>>)
    %dma_start3A_1081 = arith.constant 256 : i32
    %dma_start3A_1082 = arith.constant 0 : i32
    %dma_start3A_1083 = tpu.memref_slice %arg12[%dma_start3A_1081, %dma_start3A_1082] : memref<512x64xf32, #tpu.memory_space<vmem>> -> memref<64x64xf32, #tpu.memory_space<vmem>>
    %dma_start3A_1084 = arith.constant 0 : i32
    %dma_start3A_1085 = tpu.memref_slice %arg6[%add3A_1056, %dma_start3A_1084] : memref<16384x64xf32, #tpu.memory_space<hbm>> -> memref<64x64xf32, #tpu.memory_space<hbm>>
    %dma_start3A_1086 = arith.constant 0 : i32
    %dma_start3A_1087 = tpu.memref_slice %arg6[%add3A_1056, %dma_start3A_1086] : memref<16384x64xf32, #tpu.memory_space<hbm>> -> memref<64x64xf32, #tpu.memory_space<hbm>>
    %dma_start3A_1088 = arith.constant 256 : i32
    %dma_start3A_1089 = arith.constant 0 : i32
    %dma_start3A_1090 = tpu.memref_slice %arg12[%dma_start3A_1088, %dma_start3A_1089] : memref<512x64xf32, #tpu.memory_space<vmem>> -> memref<64x64xf32, #tpu.memory_space<vmem>>
    tpu.enqueue_dma source(%dma_start3A_1090 : memref<64x64xf32, #tpu.memory_space<vmem>>) target(%dma_start3A_1087 : memref<64x64xf32, #tpu.memory_space<hbm>>) target_semaphore(%arg23 : memref<!tpu.dma_semaphore, #tpu.memory_space<semaphore_mem>>)
    %dma_start3A_1091 = arith.constant 256 : i32
    %dma_start3A_1092 = arith.constant 0 : i32
    %dma_start3A_1093 = tpu.memref_slice %arg13[%dma_start3A_1091, %dma_start3A_1092] : memref<512x64xf32, #tpu.memory_space<vmem>> -> memref<64x64xf32, #tpu.memory_space<vmem>>
    %dma_start3A_1094 = arith.constant 0 : i32
    %dma_start3A_1095 = tpu.memref_slice %arg7[%add3A_1056, %dma_start3A_1094] : memref<16384x64xf32, #tpu.memory_space<hbm>> -> memref<64x64xf32, #tpu.memory_space<hbm>>
    %dma_start3A_1096 = arith.constant 0 : i32
    %dma_start3A_1097 = tpu.memref_slice %arg7[%add3A_1056, %dma_start3A_1096] : memref<16384x64xf32, #tpu.memory_space<hbm>> -> memref<64x64xf32, #tpu.memory_space<hbm>>
    %dma_start3A_1098 = arith.constant 256 : i32
    %dma_start3A_1099 = arith.constant 0 : i32
    %dma_start3A_1100 = tpu.memref_slice %arg13[%dma_start3A_1098, %dma_start3A_1099] : memref<512x64xf32, #tpu.memory_space<vmem>> -> memref<64x64xf32, #tpu.memory_space<vmem>>
    tpu.enqueue_dma source(%dma_start3A_1100 : memref<64x64xf32, #tpu.memory_space<vmem>>) target(%dma_start3A_1097 : memref<64x64xf32, #tpu.memory_space<hbm>>) target_semaphore(%arg23 : memref<!tpu.dma_semaphore, #tpu.memory_space<semaphore_mem>>)
    %dma_start3A_1101 = arith.constant 256 : i32
    %dma_start3A_1102 = arith.constant 0 : i32
    %dma_start3A_1103 = tpu.memref_slice %arg14[%dma_start3A_1101, %dma_start3A_1102] : memref<512x64xf32, #tpu.memory_space<vmem>> -> memref<64x64xf32, #tpu.memory_space<vmem>>
    %dma_start3A_1104 = arith.constant 0 : i32
    %dma_start3A_1105 = tpu.memref_slice %arg8[%add3A_1056, %dma_start3A_1104] : memref<16384x64xf32, #tpu.memory_space<hbm>> -> memref<64x64xf32, #tpu.memory_space<hbm>>
    %dma_start3A_1106 = arith.constant 0 : i32
    %dma_start3A_1107 = tpu.memref_slice %arg8[%add3A_1056, %dma_start3A_1106] : memref<16384x64xf32, #tpu.memory_space<hbm>> -> memref<64x64xf32, #tpu.memory_space<hbm>>
    %dma_start3A_1108 = arith.constant 256 : i32
    %dma_start3A_1109 = arith.constant 0 : i32
    %dma_start3A_1110 = tpu.memref_slice %arg14[%dma_start3A_1108, %dma_start3A_1109] : memref<512x64xf32, #tpu.memory_space<vmem>> -> memref<64x64xf32, #tpu.memory_space<vmem>>
    tpu.enqueue_dma source(%dma_start3A_1110 : memref<64x64xf32, #tpu.memory_space<vmem>>) target(%dma_start3A_1107 : memref<64x64xf32, #tpu.memory_space<hbm>>) target_semaphore(%arg23 : memref<!tpu.dma_semaphore, #tpu.memory_space<semaphore_mem>>)
    %add3A_1111 = arith.constant 320 : i32
    %add3A_1112 = arith.addi %mul3A_2, %add3A_1111 : i32
    %dma_wait3A_1113 = arith.constant 320 : i32
    %dma_wait3A_1114 = arith.constant 0 : i32
    %dma_wait3A_1115 = tpu.memref_slice %arg12[%dma_wait3A_1113, %dma_wait3A_1114] : memref<512x64xf32, #tpu.memory_space<vmem>> -> memref<64x64xf32, #tpu.memory_space<vmem>>
    %dma_wait3A_1116 = arith.constant 320 : i32
    %dma_wait3A_1117 = tpu.memref_slice %arg9[%dma_wait3A_1116] : memref<512xi32, #tpu.memory_space<vmem>> -> memref<64xi32, #tpu.memory_space<vmem>>
    %dma_wait3A_1118 = arith.constant 0 : i32
    %dma_wait3A_1119 = arith.constant 0 : i32
    %dma_wait3A_1120 = tpu.memref_slice %arg5[%dma_wait3A_1118, %dma_wait3A_1119] : memref<1000000x64xf32, #tpu.memory_space<hbm>> -> memref<1000000x64xf32, #tpu.memory_space<hbm>>
    tpu.wait_indirect_dma semaphore(%arg20 : memref<!tpu.dma_semaphore, #tpu.memory_space<semaphore_mem>>) src(%dma_wait3A_1120 : memref<1000000x64xf32, #tpu.memory_space<hbm>>) dst(%dma_wait3A_1115 : memref<64x64xf32, #tpu.memory_space<vmem>>)
    %dma_wait3A_1121 = arith.constant 320 : i32
    %dma_wait3A_1122 = arith.constant 0 : i32
    %dma_wait3A_1123 = tpu.memref_slice %arg13[%dma_wait3A_1121, %dma_wait3A_1122] : memref<512x64xf32, #tpu.memory_space<vmem>> -> memref<64x64xf32, #tpu.memory_space<vmem>>
    %dma_wait3A_1124 = arith.constant 320 : i32
    %dma_wait3A_1125 = tpu.memref_slice %arg10[%dma_wait3A_1124] : memref<512xi32, #tpu.memory_space<vmem>> -> memref<64xi32, #tpu.memory_space<vmem>>
    %dma_wait3A_1126 = arith.constant 0 : i32
    %dma_wait3A_1127 = arith.constant 0 : i32
    %dma_wait3A_1128 = tpu.memref_slice %arg5[%dma_wait3A_1126, %dma_wait3A_1127] : memref<1000000x64xf32, #tpu.memory_space<hbm>> -> memref<1000000x64xf32, #tpu.memory_space<hbm>>
    tpu.wait_indirect_dma semaphore(%arg20 : memref<!tpu.dma_semaphore, #tpu.memory_space<semaphore_mem>>) src(%dma_wait3A_1128 : memref<1000000x64xf32, #tpu.memory_space<hbm>>) dst(%dma_wait3A_1123 : memref<64x64xf32, #tpu.memory_space<vmem>>)
    %dma_wait3A_1129 = arith.constant 320 : i32
    %dma_wait3A_1130 = arith.constant 0 : i32
    %dma_wait3A_1131 = tpu.memref_slice %arg14[%dma_wait3A_1129, %dma_wait3A_1130] : memref<512x64xf32, #tpu.memory_space<vmem>> -> memref<64x64xf32, #tpu.memory_space<vmem>>
    %dma_wait3A_1132 = arith.constant 320 : i32
    %dma_wait3A_1133 = tpu.memref_slice %arg11[%dma_wait3A_1132] : memref<512xi32, #tpu.memory_space<vmem>> -> memref<64xi32, #tpu.memory_space<vmem>>
    %dma_wait3A_1134 = arith.constant 0 : i32
    %dma_wait3A_1135 = arith.constant 0 : i32
    %dma_wait3A_1136 = tpu.memref_slice %arg5[%dma_wait3A_1134, %dma_wait3A_1135] : memref<1000000x64xf32, #tpu.memory_space<hbm>> -> memref<1000000x64xf32, #tpu.memory_space<hbm>>
    tpu.wait_indirect_dma semaphore(%arg20 : memref<!tpu.dma_semaphore, #tpu.memory_space<semaphore_mem>>) src(%dma_wait3A_1136 : memref<1000000x64xf32, #tpu.memory_space<hbm>>) dst(%dma_wait3A_1131 : memref<64x64xf32, #tpu.memory_space<vmem>>)
    %dma_start3A_1137 = arith.constant 320 : i32
    %dma_start3A_1138 = arith.constant 0 : i32
    %dma_start3A_1139 = tpu.memref_slice %arg12[%dma_start3A_1137, %dma_start3A_1138] : memref<512x64xf32, #tpu.memory_space<vmem>> -> memref<64x64xf32, #tpu.memory_space<vmem>>
    %dma_start3A_1140 = arith.constant 0 : i32
    %dma_start3A_1141 = tpu.memref_slice %arg6[%add3A_1112, %dma_start3A_1140] : memref<16384x64xf32, #tpu.memory_space<hbm>> -> memref<64x64xf32, #tpu.memory_space<hbm>>
    %dma_start3A_1142 = arith.constant 0 : i32
    %dma_start3A_1143 = tpu.memref_slice %arg6[%add3A_1112, %dma_start3A_1142] : memref<16384x64xf32, #tpu.memory_space<hbm>> -> memref<64x64xf32, #tpu.memory_space<hbm>>
    %dma_start3A_1144 = arith.constant 320 : i32
    %dma_start3A_1145 = arith.constant 0 : i32
    %dma_start3A_1146 = tpu.memref_slice %arg12[%dma_start3A_1144, %dma_start3A_1145] : memref<512x64xf32, #tpu.memory_space<vmem>> -> memref<64x64xf32, #tpu.memory_space<vmem>>
    tpu.enqueue_dma source(%dma_start3A_1146 : memref<64x64xf32, #tpu.memory_space<vmem>>) target(%dma_start3A_1143 : memref<64x64xf32, #tpu.memory_space<hbm>>) target_semaphore(%arg23 : memref<!tpu.dma_semaphore, #tpu.memory_space<semaphore_mem>>)
    %dma_start3A_1147 = arith.constant 320 : i32
    %dma_start3A_1148 = arith.constant 0 : i32
    %dma_start3A_1149 = tpu.memref_slice %arg13[%dma_start3A_1147, %dma_start3A_1148] : memref<512x64xf32, #tpu.memory_space<vmem>> -> memref<64x64xf32, #tpu.memory_space<vmem>>
    %dma_start3A_1150 = arith.constant 0 : i32
    %dma_start3A_1151 = tpu.memref_slice %arg7[%add3A_1112, %dma_start3A_1150] : memref<16384x64xf32, #tpu.memory_space<hbm>> -> memref<64x64xf32, #tpu.memory_space<hbm>>
    %dma_start3A_1152 = arith.constant 0 : i32
    %dma_start3A_1153 = tpu.memref_slice %arg7[%add3A_1112, %dma_start3A_1152] : memref<16384x64xf32, #tpu.memory_space<hbm>> -> memref<64x64xf32, #tpu.memory_space<hbm>>
    %dma_start3A_1154 = arith.constant 320 : i32
    %dma_start3A_1155 = arith.constant 0 : i32
    %dma_start3A_1156 = tpu.memref_slice %arg13[%dma_start3A_1154, %dma_start3A_1155] : memref<512x64xf32, #tpu.memory_space<vmem>> -> memref<64x64xf32, #tpu.memory_space<vmem>>
    tpu.enqueue_dma source(%dma_start3A_1156 : memref<64x64xf32, #tpu.memory_space<vmem>>) target(%dma_start3A_1153 : memref<64x64xf32, #tpu.memory_space<hbm>>) target_semaphore(%arg23 : memref<!tpu.dma_semaphore, #tpu.memory_space<semaphore_mem>>)
    %dma_start3A_1157 = arith.constant 320 : i32
    %dma_start3A_1158 = arith.constant 0 : i32
    %dma_start3A_1159 = tpu.memref_slice %arg14[%dma_start3A_1157, %dma_start3A_1158] : memref<512x64xf32, #tpu.memory_space<vmem>> -> memref<64x64xf32, #tpu.memory_space<vmem>>
    %dma_start3A_1160 = arith.constant 0 : i32
    %dma_start3A_1161 = tpu.memref_slice %arg8[%add3A_1112, %dma_start3A_1160] : memref<16384x64xf32, #tpu.memory_space<hbm>> -> memref<64x64xf32, #tpu.memory_space<hbm>>
    %dma_start3A_1162 = arith.constant 0 : i32
    %dma_start3A_1163 = tpu.memref_slice %arg8[%add3A_1112, %dma_start3A_1162] : memref<16384x64xf32, #tpu.memory_space<hbm>> -> memref<64x64xf32, #tpu.memory_space<hbm>>
    %dma_start3A_1164 = arith.constant 320 : i32
    %dma_start3A_1165 = arith.constant 0 : i32
    %dma_start3A_1166 = tpu.memref_slice %arg14[%dma_start3A_1164, %dma_start3A_1165] : memref<512x64xf32, #tpu.memory_space<vmem>> -> memref<64x64xf32, #tpu.memory_space<vmem>>
    tpu.enqueue_dma source(%dma_start3A_1166 : memref<64x64xf32, #tpu.memory_space<vmem>>) target(%dma_start3A_1163 : memref<64x64xf32, #tpu.memory_space<hbm>>) target_semaphore(%arg23 : memref<!tpu.dma_semaphore, #tpu.memory_space<semaphore_mem>>)
    %add3A_1167 = arith.constant 384 : i32
    %add3A_1168 = arith.addi %mul3A_2, %add3A_1167 : i32
    %dma_wait3A_1169 = arith.constant 384 : i32
    %dma_wait3A_1170 = arith.constant 0 : i32
    %dma_wait3A_1171 = tpu.memref_slice %arg12[%dma_wait3A_1169, %dma_wait3A_1170] : memref<512x64xf32, #tpu.memory_space<vmem>> -> memref<64x64xf32, #tpu.memory_space<vmem>>
    %dma_wait3A_1172 = arith.constant 384 : i32
    %dma_wait3A_1173 = tpu.memref_slice %arg9[%dma_wait3A_1172] : memref<512xi32, #tpu.memory_space<vmem>> -> memref<64xi32, #tpu.memory_space<vmem>>
    %dma_wait3A_1174 = arith.constant 0 : i32
    %dma_wait3A_1175 = arith.constant 0 : i32
    %dma_wait3A_1176 = tpu.memref_slice %arg5[%dma_wait3A_1174, %dma_wait3A_1175] : memref<1000000x64xf32, #tpu.memory_space<hbm>> -> memref<1000000x64xf32, #tpu.memory_space<hbm>>
    tpu.wait_indirect_dma semaphore(%arg21 : memref<!tpu.dma_semaphore, #tpu.memory_space<semaphore_mem>>) src(%dma_wait3A_1176 : memref<1000000x64xf32, #tpu.memory_space<hbm>>) dst(%dma_wait3A_1171 : memref<64x64xf32, #tpu.memory_space<vmem>>)
    %dma_wait3A_1177 = arith.constant 384 : i32
    %dma_wait3A_1178 = arith.constant 0 : i32
    %dma_wait3A_1179 = tpu.memref_slice %arg13[%dma_wait3A_1177, %dma_wait3A_1178] : memref<512x64xf32, #tpu.memory_space<vmem>> -> memref<64x64xf32, #tpu.memory_space<vmem>>
    %dma_wait3A_1180 = arith.constant 384 : i32
    %dma_wait3A_1181 = tpu.memref_slice %arg10[%dma_wait3A_1180] : memref<512xi32, #tpu.memory_space<vmem>> -> memref<64xi32, #tpu.memory_space<vmem>>
    %dma_wait3A_1182 = arith.constant 0 : i32
    %dma_wait3A_1183 = arith.constant 0 : i32
    %dma_wait3A_1184 = tpu.memref_slice %arg5[%dma_wait3A_1182, %dma_wait3A_1183] : memref<1000000x64xf32, #tpu.memory_space<hbm>> -> memref<1000000x64xf32, #tpu.memory_space<hbm>>
    tpu.wait_indirect_dma semaphore(%arg21 : memref<!tpu.dma_semaphore, #tpu.memory_space<semaphore_mem>>) src(%dma_wait3A_1184 : memref<1000000x64xf32, #tpu.memory_space<hbm>>) dst(%dma_wait3A_1179 : memref<64x64xf32, #tpu.memory_space<vmem>>)
    %dma_wait3A_1185 = arith.constant 384 : i32
    %dma_wait3A_1186 = arith.constant 0 : i32
    %dma_wait3A_1187 = tpu.memref_slice %arg14[%dma_wait3A_1185, %dma_wait3A_1186] : memref<512x64xf32, #tpu.memory_space<vmem>> -> memref<64x64xf32, #tpu.memory_space<vmem>>
    %dma_wait3A_1188 = arith.constant 384 : i32
    %dma_wait3A_1189 = tpu.memref_slice %arg11[%dma_wait3A_1188] : memref<512xi32, #tpu.memory_space<vmem>> -> memref<64xi32, #tpu.memory_space<vmem>>
    %dma_wait3A_1190 = arith.constant 0 : i32
    %dma_wait3A_1191 = arith.constant 0 : i32
    %dma_wait3A_1192 = tpu.memref_slice %arg5[%dma_wait3A_1190, %dma_wait3A_1191] : memref<1000000x64xf32, #tpu.memory_space<hbm>> -> memref<1000000x64xf32, #tpu.memory_space<hbm>>
    tpu.wait_indirect_dma semaphore(%arg21 : memref<!tpu.dma_semaphore, #tpu.memory_space<semaphore_mem>>) src(%dma_wait3A_1192 : memref<1000000x64xf32, #tpu.memory_space<hbm>>) dst(%dma_wait3A_1187 : memref<64x64xf32, #tpu.memory_space<vmem>>)
    %dma_start3A_1193 = arith.constant 384 : i32
    %dma_start3A_1194 = arith.constant 0 : i32
    %dma_start3A_1195 = tpu.memref_slice %arg12[%dma_start3A_1193, %dma_start3A_1194] : memref<512x64xf32, #tpu.memory_space<vmem>> -> memref<64x64xf32, #tpu.memory_space<vmem>>
    %dma_start3A_1196 = arith.constant 0 : i32
    %dma_start3A_1197 = tpu.memref_slice %arg6[%add3A_1168, %dma_start3A_1196] : memref<16384x64xf32, #tpu.memory_space<hbm>> -> memref<64x64xf32, #tpu.memory_space<hbm>>
    %dma_start3A_1198 = arith.constant 0 : i32
    %dma_start3A_1199 = tpu.memref_slice %arg6[%add3A_1168, %dma_start3A_1198] : memref<16384x64xf32, #tpu.memory_space<hbm>> -> memref<64x64xf32, #tpu.memory_space<hbm>>
    %dma_start3A_1200 = arith.constant 384 : i32
    %dma_start3A_1201 = arith.constant 0 : i32
    %dma_start3A_1202 = tpu.memref_slice %arg12[%dma_start3A_1200, %dma_start3A_1201] : memref<512x64xf32, #tpu.memory_space<vmem>> -> memref<64x64xf32, #tpu.memory_space<vmem>>
    tpu.enqueue_dma source(%dma_start3A_1202 : memref<64x64xf32, #tpu.memory_space<vmem>>) target(%dma_start3A_1199 : memref<64x64xf32, #tpu.memory_space<hbm>>) target_semaphore(%arg23 : memref<!tpu.dma_semaphore, #tpu.memory_space<semaphore_mem>>)
    %dma_start3A_1203 = arith.constant 384 : i32
    %dma_start3A_1204 = arith.constant 0 : i32
    %dma_start3A_1205 = tpu.memref_slice %arg13[%dma_start3A_1203, %dma_start3A_1204] : memref<512x64xf32, #tpu.memory_space<vmem>> -> memref<64x64xf32, #tpu.memory_space<vmem>>
    %dma_start3A_1206 = arith.constant 0 : i32
    %dma_start3A_1207 = tpu.memref_slice %arg7[%add3A_1168, %dma_start3A_1206] : memref<16384x64xf32, #tpu.memory_space<hbm>> -> memref<64x64xf32, #tpu.memory_space<hbm>>
    %dma_start3A_1208 = arith.constant 0 : i32
    %dma_start3A_1209 = tpu.memref_slice %arg7[%add3A_1168, %dma_start3A_1208] : memref<16384x64xf32, #tpu.memory_space<hbm>> -> memref<64x64xf32, #tpu.memory_space<hbm>>
    %dma_start3A_1210 = arith.constant 384 : i32
    %dma_start3A_1211 = arith.constant 0 : i32
    %dma_start3A_1212 = tpu.memref_slice %arg13[%dma_start3A_1210, %dma_start3A_1211] : memref<512x64xf32, #tpu.memory_space<vmem>> -> memref<64x64xf32, #tpu.memory_space<vmem>>
    tpu.enqueue_dma source(%dma_start3A_1212 : memref<64x64xf32, #tpu.memory_space<vmem>>) target(%dma_start3A_1209 : memref<64x64xf32, #tpu.memory_space<hbm>>) target_semaphore(%arg23 : memref<!tpu.dma_semaphore, #tpu.memory_space<semaphore_mem>>)
    %dma_start3A_1213 = arith.constant 384 : i32
    %dma_start3A_1214 = arith.constant 0 : i32
    %dma_start3A_1215 = tpu.memref_slice %arg14[%dma_start3A_1213, %dma_start3A_1214] : memref<512x64xf32, #tpu.memory_space<vmem>> -> memref<64x64xf32, #tpu.memory_space<vmem>>
    %dma_start3A_1216 = arith.constant 0 : i32
    %dma_start3A_1217 = tpu.memref_slice %arg8[%add3A_1168, %dma_start3A_1216] : memref<16384x64xf32, #tpu.memory_space<hbm>> -> memref<64x64xf32, #tpu.memory_space<hbm>>
    %dma_start3A_1218 = arith.constant 0 : i32
    %dma_start3A_1219 = tpu.memref_slice %arg8[%add3A_1168, %dma_start3A_1218] : memref<16384x64xf32, #tpu.memory_space<hbm>> -> memref<64x64xf32, #tpu.memory_space<hbm>>
    %dma_start3A_1220 = arith.constant 384 : i32
    %dma_start3A_1221 = arith.constant 0 : i32
    %dma_start3A_1222 = tpu.memref_slice %arg14[%dma_start3A_1220, %dma_start3A_1221] : memref<512x64xf32, #tpu.memory_space<vmem>> -> memref<64x64xf32, #tpu.memory_space<vmem>>
    tpu.enqueue_dma source(%dma_start3A_1222 : memref<64x64xf32, #tpu.memory_space<vmem>>) target(%dma_start3A_1219 : memref<64x64xf32, #tpu.memory_space<hbm>>) target_semaphore(%arg23 : memref<!tpu.dma_semaphore, #tpu.memory_space<semaphore_mem>>)
    %add3A_1223 = arith.constant 448 : i32
    %add3A_1224 = arith.addi %mul3A_2, %add3A_1223 : i32
    %dma_wait3A_1225 = arith.constant 448 : i32
    %dma_wait3A_1226 = arith.constant 0 : i32
    %dma_wait3A_1227 = tpu.memref_slice %arg12[%dma_wait3A_1225, %dma_wait3A_1226] : memref<512x64xf32, #tpu.memory_space<vmem>> -> memref<64x64xf32, #tpu.memory_space<vmem>>
    %dma_wait3A_1228 = arith.constant 448 : i32
    %dma_wait3A_1229 = tpu.memref_slice %arg9[%dma_wait3A_1228] : memref<512xi32, #tpu.memory_space<vmem>> -> memref<64xi32, #tpu.memory_space<vmem>>
    %dma_wait3A_1230 = arith.constant 0 : i32
    %dma_wait3A_1231 = arith.constant 0 : i32
    %dma_wait3A_1232 = tpu.memref_slice %arg5[%dma_wait3A_1230, %dma_wait3A_1231] : memref<1000000x64xf32, #tpu.memory_space<hbm>> -> memref<1000000x64xf32, #tpu.memory_space<hbm>>
    tpu.wait_indirect_dma semaphore(%arg22 : memref<!tpu.dma_semaphore, #tpu.memory_space<semaphore_mem>>) src(%dma_wait3A_1232 : memref<1000000x64xf32, #tpu.memory_space<hbm>>) dst(%dma_wait3A_1227 : memref<64x64xf32, #tpu.memory_space<vmem>>)
    %dma_wait3A_1233 = arith.constant 448 : i32
    %dma_wait3A_1234 = arith.constant 0 : i32
    %dma_wait3A_1235 = tpu.memref_slice %arg13[%dma_wait3A_1233, %dma_wait3A_1234] : memref<512x64xf32, #tpu.memory_space<vmem>> -> memref<64x64xf32, #tpu.memory_space<vmem>>
    %dma_wait3A_1236 = arith.constant 448 : i32
    %dma_wait3A_1237 = tpu.memref_slice %arg10[%dma_wait3A_1236] : memref<512xi32, #tpu.memory_space<vmem>> -> memref<64xi32, #tpu.memory_space<vmem>>
    %dma_wait3A_1238 = arith.constant 0 : i32
    %dma_wait3A_1239 = arith.constant 0 : i32
    %dma_wait3A_1240 = tpu.memref_slice %arg5[%dma_wait3A_1238, %dma_wait3A_1239] : memref<1000000x64xf32, #tpu.memory_space<hbm>> -> memref<1000000x64xf32, #tpu.memory_space<hbm>>
    tpu.wait_indirect_dma semaphore(%arg22 : memref<!tpu.dma_semaphore, #tpu.memory_space<semaphore_mem>>) src(%dma_wait3A_1240 : memref<1000000x64xf32, #tpu.memory_space<hbm>>) dst(%dma_wait3A_1235 : memref<64x64xf32, #tpu.memory_space<vmem>>)
    %dma_wait3A_1241 = arith.constant 448 : i32
    %dma_wait3A_1242 = arith.constant 0 : i32
    %dma_wait3A_1243 = tpu.memref_slice %arg14[%dma_wait3A_1241, %dma_wait3A_1242] : memref<512x64xf32, #tpu.memory_space<vmem>> -> memref<64x64xf32, #tpu.memory_space<vmem>>
    %dma_wait3A_1244 = arith.constant 448 : i32
    %dma_wait3A_1245 = tpu.memref_slice %arg11[%dma_wait3A_1244] : memref<512xi32, #tpu.memory_space<vmem>> -> memref<64xi32, #tpu.memory_space<vmem>>
    %dma_wait3A_1246 = arith.constant 0 : i32
    %dma_wait3A_1247 = arith.constant 0 : i32
    %dma_wait3A_1248 = tpu.memref_slice %arg5[%dma_wait3A_1246, %dma_wait3A_1247] : memref<1000000x64xf32, #tpu.memory_space<hbm>> -> memref<1000000x64xf32, #tpu.memory_space<hbm>>
    tpu.wait_indirect_dma semaphore(%arg22 : memref<!tpu.dma_semaphore, #tpu.memory_space<semaphore_mem>>) src(%dma_wait3A_1248 : memref<1000000x64xf32, #tpu.memory_space<hbm>>) dst(%dma_wait3A_1243 : memref<64x64xf32, #tpu.memory_space<vmem>>)
    %dma_start3A_1249 = arith.constant 448 : i32
    %dma_start3A_1250 = arith.constant 0 : i32
    %dma_start3A_1251 = tpu.memref_slice %arg12[%dma_start3A_1249, %dma_start3A_1250] : memref<512x64xf32, #tpu.memory_space<vmem>> -> memref<64x64xf32, #tpu.memory_space<vmem>>
    %dma_start3A_1252 = arith.constant 0 : i32
    %dma_start3A_1253 = tpu.memref_slice %arg6[%add3A_1224, %dma_start3A_1252] : memref<16384x64xf32, #tpu.memory_space<hbm>> -> memref<64x64xf32, #tpu.memory_space<hbm>>
    %dma_start3A_1254 = arith.constant 0 : i32
    %dma_start3A_1255 = tpu.memref_slice %arg6[%add3A_1224, %dma_start3A_1254] : memref<16384x64xf32, #tpu.memory_space<hbm>> -> memref<64x64xf32, #tpu.memory_space<hbm>>
    %dma_start3A_1256 = arith.constant 448 : i32
    %dma_start3A_1257 = arith.constant 0 : i32
    %dma_start3A_1258 = tpu.memref_slice %arg12[%dma_start3A_1256, %dma_start3A_1257] : memref<512x64xf32, #tpu.memory_space<vmem>> -> memref<64x64xf32, #tpu.memory_space<vmem>>
    tpu.enqueue_dma source(%dma_start3A_1258 : memref<64x64xf32, #tpu.memory_space<vmem>>) target(%dma_start3A_1255 : memref<64x64xf32, #tpu.memory_space<hbm>>) target_semaphore(%arg23 : memref<!tpu.dma_semaphore, #tpu.memory_space<semaphore_mem>>)
    %dma_start3A_1259 = arith.constant 448 : i32
    %dma_start3A_1260 = arith.constant 0 : i32
    %dma_start3A_1261 = tpu.memref_slice %arg13[%dma_start3A_1259, %dma_start3A_1260] : memref<512x64xf32, #tpu.memory_space<vmem>> -> memref<64x64xf32, #tpu.memory_space<vmem>>
    %dma_start3A_1262 = arith.constant 0 : i32
    %dma_start3A_1263 = tpu.memref_slice %arg7[%add3A_1224, %dma_start3A_1262] : memref<16384x64xf32, #tpu.memory_space<hbm>> -> memref<64x64xf32, #tpu.memory_space<hbm>>
    %dma_start3A_1264 = arith.constant 0 : i32
    %dma_start3A_1265 = tpu.memref_slice %arg7[%add3A_1224, %dma_start3A_1264] : memref<16384x64xf32, #tpu.memory_space<hbm>> -> memref<64x64xf32, #tpu.memory_space<hbm>>
    %dma_start3A_1266 = arith.constant 448 : i32
    %dma_start3A_1267 = arith.constant 0 : i32
    %dma_start3A_1268 = tpu.memref_slice %arg13[%dma_start3A_1266, %dma_start3A_1267] : memref<512x64xf32, #tpu.memory_space<vmem>> -> memref<64x64xf32, #tpu.memory_space<vmem>>
    tpu.enqueue_dma source(%dma_start3A_1268 : memref<64x64xf32, #tpu.memory_space<vmem>>) target(%dma_start3A_1265 : memref<64x64xf32, #tpu.memory_space<hbm>>) target_semaphore(%arg23 : memref<!tpu.dma_semaphore, #tpu.memory_space<semaphore_mem>>)
    %dma_start3A_1269 = arith.constant 448 : i32
    %dma_start3A_1270 = arith.constant 0 : i32
    %dma_start3A_1271 = tpu.memref_slice %arg14[%dma_start3A_1269, %dma_start3A_1270] : memref<512x64xf32, #tpu.memory_space<vmem>> -> memref<64x64xf32, #tpu.memory_space<vmem>>
    %dma_start3A_1272 = arith.constant 0 : i32
    %dma_start3A_1273 = tpu.memref_slice %arg8[%add3A_1224, %dma_start3A_1272] : memref<16384x64xf32, #tpu.memory_space<hbm>> -> memref<64x64xf32, #tpu.memory_space<hbm>>
    %dma_start3A_1274 = arith.constant 0 : i32
    %dma_start3A_1275 = tpu.memref_slice %arg8[%add3A_1224, %dma_start3A_1274] : memref<16384x64xf32, #tpu.memory_space<hbm>> -> memref<64x64xf32, #tpu.memory_space<hbm>>
    %dma_start3A_1276 = arith.constant 448 : i32
    %dma_start3A_1277 = arith.constant 0 : i32
    %dma_start3A_1278 = tpu.memref_slice %arg14[%dma_start3A_1276, %dma_start3A_1277] : memref<512x64xf32, #tpu.memory_space<vmem>> -> memref<64x64xf32, #tpu.memory_space<vmem>>
    tpu.enqueue_dma source(%dma_start3A_1278 : memref<64x64xf32, #tpu.memory_space<vmem>>) target(%dma_start3A_1275 : memref<64x64xf32, #tpu.memory_space<hbm>>) target_semaphore(%arg23 : memref<!tpu.dma_semaphore, #tpu.memory_space<semaphore_mem>>)
    %dma_wait3A_1279 = arith.constant 0 : i32
    %dma_wait3A_1280 = arith.constant 0 : i32
    %dma_wait3A_1281 = tpu.memref_slice %arg12[%dma_wait3A_1279, %dma_wait3A_1280] : memref<512x64xf32, #tpu.memory_space<vmem>> -> memref<64x64xf32, #tpu.memory_space<vmem>>
    %dma_wait3A_1282 = arith.constant 0 : i32
    %dma_wait3A_1283 = tpu.memref_slice %arg6[%add3A_833, %dma_wait3A_1282] : memref<16384x64xf32, #tpu.memory_space<hbm>> -> memref<64x64xf32, #tpu.memory_space<hbm>>
    %dma_wait3A_1284 = arith.constant 0 : i32
    %dma_wait3A_1285 = tpu.memref_slice %arg6[%add3A_833, %dma_wait3A_1284] : memref<16384x64xf32, #tpu.memory_space<hbm>> -> memref<64x64xf32, #tpu.memory_space<hbm>>
    %dma_wait3A_1286 = arith.constant 0 : i32
    %dma_wait3A_1287 = arith.constant 0 : i32
    %dma_wait3A_1288 = tpu.memref_slice %arg12[%dma_wait3A_1286, %dma_wait3A_1287] : memref<512x64xf32, #tpu.memory_space<vmem>> -> memref<64x64xf32, #tpu.memory_space<vmem>>
    tpu.wait_dma2 semaphore(%arg23 : memref<!tpu.dma_semaphore, #tpu.memory_space<semaphore_mem>>) src(%dma_wait3A_1288 : memref<64x64xf32, #tpu.memory_space<vmem>>) dst(%dma_wait3A_1285 : memref<64x64xf32, #tpu.memory_space<hbm>>)
    %dma_wait3A_1289 = arith.constant 0 : i32
    %dma_wait3A_1290 = arith.constant 0 : i32
    %dma_wait3A_1291 = tpu.memref_slice %arg13[%dma_wait3A_1289, %dma_wait3A_1290] : memref<512x64xf32, #tpu.memory_space<vmem>> -> memref<64x64xf32, #tpu.memory_space<vmem>>
    %dma_wait3A_1292 = arith.constant 0 : i32
    %dma_wait3A_1293 = tpu.memref_slice %arg7[%add3A_833, %dma_wait3A_1292] : memref<16384x64xf32, #tpu.memory_space<hbm>> -> memref<64x64xf32, #tpu.memory_space<hbm>>
    %dma_wait3A_1294 = arith.constant 0 : i32
    %dma_wait3A_1295 = tpu.memref_slice %arg7[%add3A_833, %dma_wait3A_1294] : memref<16384x64xf32, #tpu.memory_space<hbm>> -> memref<64x64xf32, #tpu.memory_space<hbm>>
    %dma_wait3A_1296 = arith.constant 0 : i32
    %dma_wait3A_1297 = arith.constant 0 : i32
    %dma_wait3A_1298 = tpu.memref_slice %arg13[%dma_wait3A_1296, %dma_wait3A_1297] : memref<512x64xf32, #tpu.memory_space<vmem>> -> memref<64x64xf32, #tpu.memory_space<vmem>>
    tpu.wait_dma2 semaphore(%arg23 : memref<!tpu.dma_semaphore, #tpu.memory_space<semaphore_mem>>) src(%dma_wait3A_1298 : memref<64x64xf32, #tpu.memory_space<vmem>>) dst(%dma_wait3A_1295 : memref<64x64xf32, #tpu.memory_space<hbm>>)
    %dma_wait3A_1299 = arith.constant 0 : i32
    %dma_wait3A_1300 = arith.constant 0 : i32
    %dma_wait3A_1301 = tpu.memref_slice %arg14[%dma_wait3A_1299, %dma_wait3A_1300] : memref<512x64xf32, #tpu.memory_space<vmem>> -> memref<64x64xf32, #tpu.memory_space<vmem>>
    %dma_wait3A_1302 = arith.constant 0 : i32
    %dma_wait3A_1303 = tpu.memref_slice %arg8[%add3A_833, %dma_wait3A_1302] : memref<16384x64xf32, #tpu.memory_space<hbm>> -> memref<64x64xf32, #tpu.memory_space<hbm>>
    %dma_wait3A_1304 = arith.constant 0 : i32
    %dma_wait3A_1305 = tpu.memref_slice %arg8[%add3A_833, %dma_wait3A_1304] : memref<16384x64xf32, #tpu.memory_space<hbm>> -> memref<64x64xf32, #tpu.memory_space<hbm>>
    %dma_wait3A_1306 = arith.constant 0 : i32
    %dma_wait3A_1307 = arith.constant 0 : i32
    %dma_wait3A_1308 = tpu.memref_slice %arg14[%dma_wait3A_1306, %dma_wait3A_1307] : memref<512x64xf32, #tpu.memory_space<vmem>> -> memref<64x64xf32, #tpu.memory_space<vmem>>
    tpu.wait_dma2 semaphore(%arg23 : memref<!tpu.dma_semaphore, #tpu.memory_space<semaphore_mem>>) src(%dma_wait3A_1308 : memref<64x64xf32, #tpu.memory_space<vmem>>) dst(%dma_wait3A_1305 : memref<64x64xf32, #tpu.memory_space<hbm>>)
    %dma_wait3A_1309 = arith.constant 64 : i32
    %dma_wait3A_1310 = arith.constant 0 : i32
    %dma_wait3A_1311 = tpu.memref_slice %arg12[%dma_wait3A_1309, %dma_wait3A_1310] : memref<512x64xf32, #tpu.memory_space<vmem>> -> memref<64x64xf32, #tpu.memory_space<vmem>>
    %dma_wait3A_1312 = arith.constant 0 : i32
    %dma_wait3A_1313 = tpu.memref_slice %arg6[%add3A_888, %dma_wait3A_1312] : memref<16384x64xf32, #tpu.memory_space<hbm>> -> memref<64x64xf32, #tpu.memory_space<hbm>>
    %dma_wait3A_1314 = arith.constant 0 : i32
    %dma_wait3A_1315 = tpu.memref_slice %arg6[%add3A_888, %dma_wait3A_1314] : memref<16384x64xf32, #tpu.memory_space<hbm>> -> memref<64x64xf32, #tpu.memory_space<hbm>>
    %dma_wait3A_1316 = arith.constant 64 : i32
    %dma_wait3A_1317 = arith.constant 0 : i32
    %dma_wait3A_1318 = tpu.memref_slice %arg12[%dma_wait3A_1316, %dma_wait3A_1317] : memref<512x64xf32, #tpu.memory_space<vmem>> -> memref<64x64xf32, #tpu.memory_space<vmem>>
    tpu.wait_dma2 semaphore(%arg23 : memref<!tpu.dma_semaphore, #tpu.memory_space<semaphore_mem>>) src(%dma_wait3A_1318 : memref<64x64xf32, #tpu.memory_space<vmem>>) dst(%dma_wait3A_1315 : memref<64x64xf32, #tpu.memory_space<hbm>>)
    %dma_wait3A_1319 = arith.constant 64 : i32
    %dma_wait3A_1320 = arith.constant 0 : i32
    %dma_wait3A_1321 = tpu.memref_slice %arg13[%dma_wait3A_1319, %dma_wait3A_1320] : memref<512x64xf32, #tpu.memory_space<vmem>> -> memref<64x64xf32, #tpu.memory_space<vmem>>
    %dma_wait3A_1322 = arith.constant 0 : i32
    %dma_wait3A_1323 = tpu.memref_slice %arg7[%add3A_888, %dma_wait3A_1322] : memref<16384x64xf32, #tpu.memory_space<hbm>> -> memref<64x64xf32, #tpu.memory_space<hbm>>
    %dma_wait3A_1324 = arith.constant 0 : i32
    %dma_wait3A_1325 = tpu.memref_slice %arg7[%add3A_888, %dma_wait3A_1324] : memref<16384x64xf32, #tpu.memory_space<hbm>> -> memref<64x64xf32, #tpu.memory_space<hbm>>
    %dma_wait3A_1326 = arith.constant 64 : i32
    %dma_wait3A_1327 = arith.constant 0 : i32
    %dma_wait3A_1328 = tpu.memref_slice %arg13[%dma_wait3A_1326, %dma_wait3A_1327] : memref<512x64xf32, #tpu.memory_space<vmem>> -> memref<64x64xf32, #tpu.memory_space<vmem>>
    tpu.wait_dma2 semaphore(%arg23 : memref<!tpu.dma_semaphore, #tpu.memory_space<semaphore_mem>>) src(%dma_wait3A_1328 : memref<64x64xf32, #tpu.memory_space<vmem>>) dst(%dma_wait3A_1325 : memref<64x64xf32, #tpu.memory_space<hbm>>)
    %dma_wait3A_1329 = arith.constant 64 : i32
    %dma_wait3A_1330 = arith.constant 0 : i32
    %dma_wait3A_1331 = tpu.memref_slice %arg14[%dma_wait3A_1329, %dma_wait3A_1330] : memref<512x64xf32, #tpu.memory_space<vmem>> -> memref<64x64xf32, #tpu.memory_space<vmem>>
    %dma_wait3A_1332 = arith.constant 0 : i32
    %dma_wait3A_1333 = tpu.memref_slice %arg8[%add3A_888, %dma_wait3A_1332] : memref<16384x64xf32, #tpu.memory_space<hbm>> -> memref<64x64xf32, #tpu.memory_space<hbm>>
    %dma_wait3A_1334 = arith.constant 0 : i32
    %dma_wait3A_1335 = tpu.memref_slice %arg8[%add3A_888, %dma_wait3A_1334] : memref<16384x64xf32, #tpu.memory_space<hbm>> -> memref<64x64xf32, #tpu.memory_space<hbm>>
    %dma_wait3A_1336 = arith.constant 64 : i32
    %dma_wait3A_1337 = arith.constant 0 : i32
    %dma_wait3A_1338 = tpu.memref_slice %arg14[%dma_wait3A_1336, %dma_wait3A_1337] : memref<512x64xf32, #tpu.memory_space<vmem>> -> memref<64x64xf32, #tpu.memory_space<vmem>>
    tpu.wait_dma2 semaphore(%arg23 : memref<!tpu.dma_semaphore, #tpu.memory_space<semaphore_mem>>) src(%dma_wait3A_1338 : memref<64x64xf32, #tpu.memory_space<vmem>>) dst(%dma_wait3A_1335 : memref<64x64xf32, #tpu.memory_space<hbm>>)
    %dma_wait3A_1339 = arith.constant 128 : i32
    %dma_wait3A_1340 = arith.constant 0 : i32
    %dma_wait3A_1341 = tpu.memref_slice %arg12[%dma_wait3A_1339, %dma_wait3A_1340] : memref<512x64xf32, #tpu.memory_space<vmem>> -> memref<64x64xf32, #tpu.memory_space<vmem>>
    %dma_wait3A_1342 = arith.constant 0 : i32
    %dma_wait3A_1343 = tpu.memref_slice %arg6[%add3A_944, %dma_wait3A_1342] : memref<16384x64xf32, #tpu.memory_space<hbm>> -> memref<64x64xf32, #tpu.memory_space<hbm>>
    %dma_wait3A_1344 = arith.constant 0 : i32
    %dma_wait3A_1345 = tpu.memref_slice %arg6[%add3A_944, %dma_wait3A_1344] : memref<16384x64xf32, #tpu.memory_space<hbm>> -> memref<64x64xf32, #tpu.memory_space<hbm>>
    %dma_wait3A_1346 = arith.constant 128 : i32
    %dma_wait3A_1347 = arith.constant 0 : i32
    %dma_wait3A_1348 = tpu.memref_slice %arg12[%dma_wait3A_1346, %dma_wait3A_1347] : memref<512x64xf32, #tpu.memory_space<vmem>> -> memref<64x64xf32, #tpu.memory_space<vmem>>
    tpu.wait_dma2 semaphore(%arg23 : memref<!tpu.dma_semaphore, #tpu.memory_space<semaphore_mem>>) src(%dma_wait3A_1348 : memref<64x64xf32, #tpu.memory_space<vmem>>) dst(%dma_wait3A_1345 : memref<64x64xf32, #tpu.memory_space<hbm>>)
    %dma_wait3A_1349 = arith.constant 128 : i32
    %dma_wait3A_1350 = arith.constant 0 : i32
    %dma_wait3A_1351 = tpu.memref_slice %arg13[%dma_wait3A_1349, %dma_wait3A_1350] : memref<512x64xf32, #tpu.memory_space<vmem>> -> memref<64x64xf32, #tpu.memory_space<vmem>>
    %dma_wait3A_1352 = arith.constant 0 : i32
    %dma_wait3A_1353 = tpu.memref_slice %arg7[%add3A_944, %dma_wait3A_1352] : memref<16384x64xf32, #tpu.memory_space<hbm>> -> memref<64x64xf32, #tpu.memory_space<hbm>>
    %dma_wait3A_1354 = arith.constant 0 : i32
    %dma_wait3A_1355 = tpu.memref_slice %arg7[%add3A_944, %dma_wait3A_1354] : memref<16384x64xf32, #tpu.memory_space<hbm>> -> memref<64x64xf32, #tpu.memory_space<hbm>>
    %dma_wait3A_1356 = arith.constant 128 : i32
    %dma_wait3A_1357 = arith.constant 0 : i32
    %dma_wait3A_1358 = tpu.memref_slice %arg13[%dma_wait3A_1356, %dma_wait3A_1357] : memref<512x64xf32, #tpu.memory_space<vmem>> -> memref<64x64xf32, #tpu.memory_space<vmem>>
    tpu.wait_dma2 semaphore(%arg23 : memref<!tpu.dma_semaphore, #tpu.memory_space<semaphore_mem>>) src(%dma_wait3A_1358 : memref<64x64xf32, #tpu.memory_space<vmem>>) dst(%dma_wait3A_1355 : memref<64x64xf32, #tpu.memory_space<hbm>>)
    %dma_wait3A_1359 = arith.constant 128 : i32
    %dma_wait3A_1360 = arith.constant 0 : i32
    %dma_wait3A_1361 = tpu.memref_slice %arg14[%dma_wait3A_1359, %dma_wait3A_1360] : memref<512x64xf32, #tpu.memory_space<vmem>> -> memref<64x64xf32, #tpu.memory_space<vmem>>
    %dma_wait3A_1362 = arith.constant 0 : i32
    %dma_wait3A_1363 = tpu.memref_slice %arg8[%add3A_944, %dma_wait3A_1362] : memref<16384x64xf32, #tpu.memory_space<hbm>> -> memref<64x64xf32, #tpu.memory_space<hbm>>
    %dma_wait3A_1364 = arith.constant 0 : i32
    %dma_wait3A_1365 = tpu.memref_slice %arg8[%add3A_944, %dma_wait3A_1364] : memref<16384x64xf32, #tpu.memory_space<hbm>> -> memref<64x64xf32, #tpu.memory_space<hbm>>
    %dma_wait3A_1366 = arith.constant 128 : i32
    %dma_wait3A_1367 = arith.constant 0 : i32
    %dma_wait3A_1368 = tpu.memref_slice %arg14[%dma_wait3A_1366, %dma_wait3A_1367] : memref<512x64xf32, #tpu.memory_space<vmem>> -> memref<64x64xf32, #tpu.memory_space<vmem>>
    tpu.wait_dma2 semaphore(%arg23 : memref<!tpu.dma_semaphore, #tpu.memory_space<semaphore_mem>>) src(%dma_wait3A_1368 : memref<64x64xf32, #tpu.memory_space<vmem>>) dst(%dma_wait3A_1365 : memref<64x64xf32, #tpu.memory_space<hbm>>)
    %dma_wait3A_1369 = arith.constant 192 : i32
    %dma_wait3A_1370 = arith.constant 0 : i32
    %dma_wait3A_1371 = tpu.memref_slice %arg12[%dma_wait3A_1369, %dma_wait3A_1370] : memref<512x64xf32, #tpu.memory_space<vmem>> -> memref<64x64xf32, #tpu.memory_space<vmem>>
    %dma_wait3A_1372 = arith.constant 0 : i32
    %dma_wait3A_1373 = tpu.memref_slice %arg6[%add3A_1000, %dma_wait3A_1372] : memref<16384x64xf32, #tpu.memory_space<hbm>> -> memref<64x64xf32, #tpu.memory_space<hbm>>
    %dma_wait3A_1374 = arith.constant 0 : i32
    %dma_wait3A_1375 = tpu.memref_slice %arg6[%add3A_1000, %dma_wait3A_1374] : memref<16384x64xf32, #tpu.memory_space<hbm>> -> memref<64x64xf32, #tpu.memory_space<hbm>>
    %dma_wait3A_1376 = arith.constant 192 : i32
    %dma_wait3A_1377 = arith.constant 0 : i32
    %dma_wait3A_1378 = tpu.memref_slice %arg12[%dma_wait3A_1376, %dma_wait3A_1377] : memref<512x64xf32, #tpu.memory_space<vmem>> -> memref<64x64xf32, #tpu.memory_space<vmem>>
    tpu.wait_dma2 semaphore(%arg23 : memref<!tpu.dma_semaphore, #tpu.memory_space<semaphore_mem>>) src(%dma_wait3A_1378 : memref<64x64xf32, #tpu.memory_space<vmem>>) dst(%dma_wait3A_1375 : memref<64x64xf32, #tpu.memory_space<hbm>>)
    %dma_wait3A_1379 = arith.constant 192 : i32
    %dma_wait3A_1380 = arith.constant 0 : i32
    %dma_wait3A_1381 = tpu.memref_slice %arg13[%dma_wait3A_1379, %dma_wait3A_1380] : memref<512x64xf32, #tpu.memory_space<vmem>> -> memref<64x64xf32, #tpu.memory_space<vmem>>
    %dma_wait3A_1382 = arith.constant 0 : i32
    %dma_wait3A_1383 = tpu.memref_slice %arg7[%add3A_1000, %dma_wait3A_1382] : memref<16384x64xf32, #tpu.memory_space<hbm>> -> memref<64x64xf32, #tpu.memory_space<hbm>>
    %dma_wait3A_1384 = arith.constant 0 : i32
    %dma_wait3A_1385 = tpu.memref_slice %arg7[%add3A_1000, %dma_wait3A_1384] : memref<16384x64xf32, #tpu.memory_space<hbm>> -> memref<64x64xf32, #tpu.memory_space<hbm>>
    %dma_wait3A_1386 = arith.constant 192 : i32
    %dma_wait3A_1387 = arith.constant 0 : i32
    %dma_wait3A_1388 = tpu.memref_slice %arg13[%dma_wait3A_1386, %dma_wait3A_1387] : memref<512x64xf32, #tpu.memory_space<vmem>> -> memref<64x64xf32, #tpu.memory_space<vmem>>
    tpu.wait_dma2 semaphore(%arg23 : memref<!tpu.dma_semaphore, #tpu.memory_space<semaphore_mem>>) src(%dma_wait3A_1388 : memref<64x64xf32, #tpu.memory_space<vmem>>) dst(%dma_wait3A_1385 : memref<64x64xf32, #tpu.memory_space<hbm>>)
    %dma_wait3A_1389 = arith.constant 192 : i32
    %dma_wait3A_1390 = arith.constant 0 : i32
    %dma_wait3A_1391 = tpu.memref_slice %arg14[%dma_wait3A_1389, %dma_wait3A_1390] : memref<512x64xf32, #tpu.memory_space<vmem>> -> memref<64x64xf32, #tpu.memory_space<vmem>>
    %dma_wait3A_1392 = arith.constant 0 : i32
    %dma_wait3A_1393 = tpu.memref_slice %arg8[%add3A_1000, %dma_wait3A_1392] : memref<16384x64xf32, #tpu.memory_space<hbm>> -> memref<64x64xf32, #tpu.memory_space<hbm>>
    %dma_wait3A_1394 = arith.constant 0 : i32
    %dma_wait3A_1395 = tpu.memref_slice %arg8[%add3A_1000, %dma_wait3A_1394] : memref<16384x64xf32, #tpu.memory_space<hbm>> -> memref<64x64xf32, #tpu.memory_space<hbm>>
    %dma_wait3A_1396 = arith.constant 192 : i32
    %dma_wait3A_1397 = arith.constant 0 : i32
    %dma_wait3A_1398 = tpu.memref_slice %arg14[%dma_wait3A_1396, %dma_wait3A_1397] : memref<512x64xf32, #tpu.memory_space<vmem>> -> memref<64x64xf32, #tpu.memory_space<vmem>>
    tpu.wait_dma2 semaphore(%arg23 : memref<!tpu.dma_semaphore, #tpu.memory_space<semaphore_mem>>) src(%dma_wait3A_1398 : memref<64x64xf32, #tpu.memory_space<vmem>>) dst(%dma_wait3A_1395 : memref<64x64xf32, #tpu.memory_space<hbm>>)
    %dma_wait3A_1399 = arith.constant 256 : i32
    %dma_wait3A_1400 = arith.constant 0 : i32
    %dma_wait3A_1401 = tpu.memref_slice %arg12[%dma_wait3A_1399, %dma_wait3A_1400] : memref<512x64xf32, #tpu.memory_space<vmem>> -> memref<64x64xf32, #tpu.memory_space<vmem>>
    %dma_wait3A_1402 = arith.constant 0 : i32
    %dma_wait3A_1403 = tpu.memref_slice %arg6[%add3A_1056, %dma_wait3A_1402] : memref<16384x64xf32, #tpu.memory_space<hbm>> -> memref<64x64xf32, #tpu.memory_space<hbm>>
    %dma_wait3A_1404 = arith.constant 0 : i32
    %dma_wait3A_1405 = tpu.memref_slice %arg6[%add3A_1056, %dma_wait3A_1404] : memref<16384x64xf32, #tpu.memory_space<hbm>> -> memref<64x64xf32, #tpu.memory_space<hbm>>
    %dma_wait3A_1406 = arith.constant 256 : i32
    %dma_wait3A_1407 = arith.constant 0 : i32
    %dma_wait3A_1408 = tpu.memref_slice %arg12[%dma_wait3A_1406, %dma_wait3A_1407] : memref<512x64xf32, #tpu.memory_space<vmem>> -> memref<64x64xf32, #tpu.memory_space<vmem>>
    tpu.wait_dma2 semaphore(%arg23 : memref<!tpu.dma_semaphore, #tpu.memory_space<semaphore_mem>>) src(%dma_wait3A_1408 : memref<64x64xf32, #tpu.memory_space<vmem>>) dst(%dma_wait3A_1405 : memref<64x64xf32, #tpu.memory_space<hbm>>)
    %dma_wait3A_1409 = arith.constant 256 : i32
    %dma_wait3A_1410 = arith.constant 0 : i32
    %dma_wait3A_1411 = tpu.memref_slice %arg13[%dma_wait3A_1409, %dma_wait3A_1410] : memref<512x64xf32, #tpu.memory_space<vmem>> -> memref<64x64xf32, #tpu.memory_space<vmem>>
    %dma_wait3A_1412 = arith.constant 0 : i32
    %dma_wait3A_1413 = tpu.memref_slice %arg7[%add3A_1056, %dma_wait3A_1412] : memref<16384x64xf32, #tpu.memory_space<hbm>> -> memref<64x64xf32, #tpu.memory_space<hbm>>
    %dma_wait3A_1414 = arith.constant 0 : i32
    %dma_wait3A_1415 = tpu.memref_slice %arg7[%add3A_1056, %dma_wait3A_1414] : memref<16384x64xf32, #tpu.memory_space<hbm>> -> memref<64x64xf32, #tpu.memory_space<hbm>>
    %dma_wait3A_1416 = arith.constant 256 : i32
    %dma_wait3A_1417 = arith.constant 0 : i32
    %dma_wait3A_1418 = tpu.memref_slice %arg13[%dma_wait3A_1416, %dma_wait3A_1417] : memref<512x64xf32, #tpu.memory_space<vmem>> -> memref<64x64xf32, #tpu.memory_space<vmem>>
    tpu.wait_dma2 semaphore(%arg23 : memref<!tpu.dma_semaphore, #tpu.memory_space<semaphore_mem>>) src(%dma_wait3A_1418 : memref<64x64xf32, #tpu.memory_space<vmem>>) dst(%dma_wait3A_1415 : memref<64x64xf32, #tpu.memory_space<hbm>>)
    %dma_wait3A_1419 = arith.constant 256 : i32
    %dma_wait3A_1420 = arith.constant 0 : i32
    %dma_wait3A_1421 = tpu.memref_slice %arg14[%dma_wait3A_1419, %dma_wait3A_1420] : memref<512x64xf32, #tpu.memory_space<vmem>> -> memref<64x64xf32, #tpu.memory_space<vmem>>
    %dma_wait3A_1422 = arith.constant 0 : i32
    %dma_wait3A_1423 = tpu.memref_slice %arg8[%add3A_1056, %dma_wait3A_1422] : memref<16384x64xf32, #tpu.memory_space<hbm>> -> memref<64x64xf32, #tpu.memory_space<hbm>>
    %dma_wait3A_1424 = arith.constant 0 : i32
    %dma_wait3A_1425 = tpu.memref_slice %arg8[%add3A_1056, %dma_wait3A_1424] : memref<16384x64xf32, #tpu.memory_space<hbm>> -> memref<64x64xf32, #tpu.memory_space<hbm>>
    %dma_wait3A_1426 = arith.constant 256 : i32
    %dma_wait3A_1427 = arith.constant 0 : i32
    %dma_wait3A_1428 = tpu.memref_slice %arg14[%dma_wait3A_1426, %dma_wait3A_1427] : memref<512x64xf32, #tpu.memory_space<vmem>> -> memref<64x64xf32, #tpu.memory_space<vmem>>
    tpu.wait_dma2 semaphore(%arg23 : memref<!tpu.dma_semaphore, #tpu.memory_space<semaphore_mem>>) src(%dma_wait3A_1428 : memref<64x64xf32, #tpu.memory_space<vmem>>) dst(%dma_wait3A_1425 : memref<64x64xf32, #tpu.memory_space<hbm>>)
    %dma_wait3A_1429 = arith.constant 320 : i32
    %dma_wait3A_1430 = arith.constant 0 : i32
    %dma_wait3A_1431 = tpu.memref_slice %arg12[%dma_wait3A_1429, %dma_wait3A_1430] : memref<512x64xf32, #tpu.memory_space<vmem>> -> memref<64x64xf32, #tpu.memory_space<vmem>>
    %dma_wait3A_1432 = arith.constant 0 : i32
    %dma_wait3A_1433 = tpu.memref_slice %arg6[%add3A_1112, %dma_wait3A_1432] : memref<16384x64xf32, #tpu.memory_space<hbm>> -> memref<64x64xf32, #tpu.memory_space<hbm>>
    %dma_wait3A_1434 = arith.constant 0 : i32
    %dma_wait3A_1435 = tpu.memref_slice %arg6[%add3A_1112, %dma_wait3A_1434] : memref<16384x64xf32, #tpu.memory_space<hbm>> -> memref<64x64xf32, #tpu.memory_space<hbm>>
    %dma_wait3A_1436 = arith.constant 320 : i32
    %dma_wait3A_1437 = arith.constant 0 : i32
    %dma_wait3A_1438 = tpu.memref_slice %arg12[%dma_wait3A_1436, %dma_wait3A_1437] : memref<512x64xf32, #tpu.memory_space<vmem>> -> memref<64x64xf32, #tpu.memory_space<vmem>>
    tpu.wait_dma2 semaphore(%arg23 : memref<!tpu.dma_semaphore, #tpu.memory_space<semaphore_mem>>) src(%dma_wait3A_1438 : memref<64x64xf32, #tpu.memory_space<vmem>>) dst(%dma_wait3A_1435 : memref<64x64xf32, #tpu.memory_space<hbm>>)
    %dma_wait3A_1439 = arith.constant 320 : i32
    %dma_wait3A_1440 = arith.constant 0 : i32
    %dma_wait3A_1441 = tpu.memref_slice %arg13[%dma_wait3A_1439, %dma_wait3A_1440] : memref<512x64xf32, #tpu.memory_space<vmem>> -> memref<64x64xf32, #tpu.memory_space<vmem>>
    %dma_wait3A_1442 = arith.constant 0 : i32
    %dma_wait3A_1443 = tpu.memref_slice %arg7[%add3A_1112, %dma_wait3A_1442] : memref<16384x64xf32, #tpu.memory_space<hbm>> -> memref<64x64xf32, #tpu.memory_space<hbm>>
    %dma_wait3A_1444 = arith.constant 0 : i32
    %dma_wait3A_1445 = tpu.memref_slice %arg7[%add3A_1112, %dma_wait3A_1444] : memref<16384x64xf32, #tpu.memory_space<hbm>> -> memref<64x64xf32, #tpu.memory_space<hbm>>
    %dma_wait3A_1446 = arith.constant 320 : i32
    %dma_wait3A_1447 = arith.constant 0 : i32
    %dma_wait3A_1448 = tpu.memref_slice %arg13[%dma_wait3A_1446, %dma_wait3A_1447] : memref<512x64xf32, #tpu.memory_space<vmem>> -> memref<64x64xf32, #tpu.memory_space<vmem>>
    tpu.wait_dma2 semaphore(%arg23 : memref<!tpu.dma_semaphore, #tpu.memory_space<semaphore_mem>>) src(%dma_wait3A_1448 : memref<64x64xf32, #tpu.memory_space<vmem>>) dst(%dma_wait3A_1445 : memref<64x64xf32, #tpu.memory_space<hbm>>)
    %dma_wait3A_1449 = arith.constant 320 : i32
    %dma_wait3A_1450 = arith.constant 0 : i32
    %dma_wait3A_1451 = tpu.memref_slice %arg14[%dma_wait3A_1449, %dma_wait3A_1450] : memref<512x64xf32, #tpu.memory_space<vmem>> -> memref<64x64xf32, #tpu.memory_space<vmem>>
    %dma_wait3A_1452 = arith.constant 0 : i32
    %dma_wait3A_1453 = tpu.memref_slice %arg8[%add3A_1112, %dma_wait3A_1452] : memref<16384x64xf32, #tpu.memory_space<hbm>> -> memref<64x64xf32, #tpu.memory_space<hbm>>
    %dma_wait3A_1454 = arith.constant 0 : i32
    %dma_wait3A_1455 = tpu.memref_slice %arg8[%add3A_1112, %dma_wait3A_1454] : memref<16384x64xf32, #tpu.memory_space<hbm>> -> memref<64x64xf32, #tpu.memory_space<hbm>>
    %dma_wait3A_1456 = arith.constant 320 : i32
    %dma_wait3A_1457 = arith.constant 0 : i32
    %dma_wait3A_1458 = tpu.memref_slice %arg14[%dma_wait3A_1456, %dma_wait3A_1457] : memref<512x64xf32, #tpu.memory_space<vmem>> -> memref<64x64xf32, #tpu.memory_space<vmem>>
    tpu.wait_dma2 semaphore(%arg23 : memref<!tpu.dma_semaphore, #tpu.memory_space<semaphore_mem>>) src(%dma_wait3A_1458 : memref<64x64xf32, #tpu.memory_space<vmem>>) dst(%dma_wait3A_1455 : memref<64x64xf32, #tpu.memory_space<hbm>>)
    %dma_wait3A_1459 = arith.constant 384 : i32
    %dma_wait3A_1460 = arith.constant 0 : i32
    %dma_wait3A_1461 = tpu.memref_slice %arg12[%dma_wait3A_1459, %dma_wait3A_1460] : memref<512x64xf32, #tpu.memory_space<vmem>> -> memref<64x64xf32, #tpu.memory_space<vmem>>
    %dma_wait3A_1462 = arith.constant 0 : i32
    %dma_wait3A_1463 = tpu.memref_slice %arg6[%add3A_1168, %dma_wait3A_1462] : memref<16384x64xf32, #tpu.memory_space<hbm>> -> memref<64x64xf32, #tpu.memory_space<hbm>>
    %dma_wait3A_1464 = arith.constant 0 : i32
    %dma_wait3A_1465 = tpu.memref_slice %arg6[%add3A_1168, %dma_wait3A_1464] : memref<16384x64xf32, #tpu.memory_space<hbm>> -> memref<64x64xf32, #tpu.memory_space<hbm>>
    %dma_wait3A_1466 = arith.constant 384 : i32
    %dma_wait3A_1467 = arith.constant 0 : i32
    %dma_wait3A_1468 = tpu.memref_slice %arg12[%dma_wait3A_1466, %dma_wait3A_1467] : memref<512x64xf32, #tpu.memory_space<vmem>> -> memref<64x64xf32, #tpu.memory_space<vmem>>
    tpu.wait_dma2 semaphore(%arg23 : memref<!tpu.dma_semaphore, #tpu.memory_space<semaphore_mem>>) src(%dma_wait3A_1468 : memref<64x64xf32, #tpu.memory_space<vmem>>) dst(%dma_wait3A_1465 : memref<64x64xf32, #tpu.memory_space<hbm>>)
    %dma_wait3A_1469 = arith.constant 384 : i32
    %dma_wait3A_1470 = arith.constant 0 : i32
    %dma_wait3A_1471 = tpu.memref_slice %arg13[%dma_wait3A_1469, %dma_wait3A_1470] : memref<512x64xf32, #tpu.memory_space<vmem>> -> memref<64x64xf32, #tpu.memory_space<vmem>>
    %dma_wait3A_1472 = arith.constant 0 : i32
    %dma_wait3A_1473 = tpu.memref_slice %arg7[%add3A_1168, %dma_wait3A_1472] : memref<16384x64xf32, #tpu.memory_space<hbm>> -> memref<64x64xf32, #tpu.memory_space<hbm>>
    %dma_wait3A_1474 = arith.constant 0 : i32
    %dma_wait3A_1475 = tpu.memref_slice %arg7[%add3A_1168, %dma_wait3A_1474] : memref<16384x64xf32, #tpu.memory_space<hbm>> -> memref<64x64xf32, #tpu.memory_space<hbm>>
    %dma_wait3A_1476 = arith.constant 384 : i32
    %dma_wait3A_1477 = arith.constant 0 : i32
    %dma_wait3A_1478 = tpu.memref_slice %arg13[%dma_wait3A_1476, %dma_wait3A_1477] : memref<512x64xf32, #tpu.memory_space<vmem>> -> memref<64x64xf32, #tpu.memory_space<vmem>>
    tpu.wait_dma2 semaphore(%arg23 : memref<!tpu.dma_semaphore, #tpu.memory_space<semaphore_mem>>) src(%dma_wait3A_1478 : memref<64x64xf32, #tpu.memory_space<vmem>>) dst(%dma_wait3A_1475 : memref<64x64xf32, #tpu.memory_space<hbm>>)
    %dma_wait3A_1479 = arith.constant 384 : i32
    %dma_wait3A_1480 = arith.constant 0 : i32
    %dma_wait3A_1481 = tpu.memref_slice %arg14[%dma_wait3A_1479, %dma_wait3A_1480] : memref<512x64xf32, #tpu.memory_space<vmem>> -> memref<64x64xf32, #tpu.memory_space<vmem>>
    %dma_wait3A_1482 = arith.constant 0 : i32
    %dma_wait3A_1483 = tpu.memref_slice %arg8[%add3A_1168, %dma_wait3A_1482] : memref<16384x64xf32, #tpu.memory_space<hbm>> -> memref<64x64xf32, #tpu.memory_space<hbm>>
    %dma_wait3A_1484 = arith.constant 0 : i32
    %dma_wait3A_1485 = tpu.memref_slice %arg8[%add3A_1168, %dma_wait3A_1484] : memref<16384x64xf32, #tpu.memory_space<hbm>> -> memref<64x64xf32, #tpu.memory_space<hbm>>
    %dma_wait3A_1486 = arith.constant 384 : i32
    %dma_wait3A_1487 = arith.constant 0 : i32
    %dma_wait3A_1488 = tpu.memref_slice %arg14[%dma_wait3A_1486, %dma_wait3A_1487] : memref<512x64xf32, #tpu.memory_space<vmem>> -> memref<64x64xf32, #tpu.memory_space<vmem>>
    tpu.wait_dma2 semaphore(%arg23 : memref<!tpu.dma_semaphore, #tpu.memory_space<semaphore_mem>>) src(%dma_wait3A_1488 : memref<64x64xf32, #tpu.memory_space<vmem>>) dst(%dma_wait3A_1485 : memref<64x64xf32, #tpu.memory_space<hbm>>)
    %dma_wait3A_1489 = arith.constant 448 : i32
    %dma_wait3A_1490 = arith.constant 0 : i32
    %dma_wait3A_1491 = tpu.memref_slice %arg12[%dma_wait3A_1489, %dma_wait3A_1490] : memref<512x64xf32, #tpu.memory_space<vmem>> -> memref<64x64xf32, #tpu.memory_space<vmem>>
    %dma_wait3A_1492 = arith.constant 0 : i32
    %dma_wait3A_1493 = tpu.memref_slice %arg6[%add3A_1224, %dma_wait3A_1492] : memref<16384x64xf32, #tpu.memory_space<hbm>> -> memref<64x64xf32, #tpu.memory_space<hbm>>
    %dma_wait3A_1494 = arith.constant 0 : i32
    %dma_wait3A_1495 = tpu.memref_slice %arg6[%add3A_1224, %dma_wait3A_1494] : memref<16384x64xf32, #tpu.memory_space<hbm>> -> memref<64x64xf32, #tpu.memory_space<hbm>>
    %dma_wait3A_1496 = arith.constant 448 : i32
    %dma_wait3A_1497 = arith.constant 0 : i32
    %dma_wait3A_1498 = tpu.memref_slice %arg12[%dma_wait3A_1496, %dma_wait3A_1497] : memref<512x64xf32, #tpu.memory_space<vmem>> -> memref<64x64xf32, #tpu.memory_space<vmem>>
    tpu.wait_dma2 semaphore(%arg23 : memref<!tpu.dma_semaphore, #tpu.memory_space<semaphore_mem>>) src(%dma_wait3A_1498 : memref<64x64xf32, #tpu.memory_space<vmem>>) dst(%dma_wait3A_1495 : memref<64x64xf32, #tpu.memory_space<hbm>>)
    %dma_wait3A_1499 = arith.constant 448 : i32
    %dma_wait3A_1500 = arith.constant 0 : i32
    %dma_wait3A_1501 = tpu.memref_slice %arg13[%dma_wait3A_1499, %dma_wait3A_1500] : memref<512x64xf32, #tpu.memory_space<vmem>> -> memref<64x64xf32, #tpu.memory_space<vmem>>
    %dma_wait3A_1502 = arith.constant 0 : i32
    %dma_wait3A_1503 = tpu.memref_slice %arg7[%add3A_1224, %dma_wait3A_1502] : memref<16384x64xf32, #tpu.memory_space<hbm>> -> memref<64x64xf32, #tpu.memory_space<hbm>>
    %dma_wait3A_1504 = arith.constant 0 : i32
    %dma_wait3A_1505 = tpu.memref_slice %arg7[%add3A_1224, %dma_wait3A_1504] : memref<16384x64xf32, #tpu.memory_space<hbm>> -> memref<64x64xf32, #tpu.memory_space<hbm>>
    %dma_wait3A_1506 = arith.constant 448 : i32
    %dma_wait3A_1507 = arith.constant 0 : i32
    %dma_wait3A_1508 = tpu.memref_slice %arg13[%dma_wait3A_1506, %dma_wait3A_1507] : memref<512x64xf32, #tpu.memory_space<vmem>> -> memref<64x64xf32, #tpu.memory_space<vmem>>
    tpu.wait_dma2 semaphore(%arg23 : memref<!tpu.dma_semaphore, #tpu.memory_space<semaphore_mem>>) src(%dma_wait3A_1508 : memref<64x64xf32, #tpu.memory_space<vmem>>) dst(%dma_wait3A_1505 : memref<64x64xf32, #tpu.memory_space<hbm>>)
    %dma_wait3A_1509 = arith.constant 448 : i32
    %dma_wait3A_1510 = arith.constant 0 : i32
    %dma_wait3A_1511 = tpu.memref_slice %arg14[%dma_wait3A_1509, %dma_wait3A_1510] : memref<512x64xf32, #tpu.memory_space<vmem>> -> memref<64x64xf32, #tpu.memory_space<vmem>>
    %dma_wait3A_1512 = arith.constant 0 : i32
    %dma_wait3A_1513 = tpu.memref_slice %arg8[%add3A_1224, %dma_wait3A_1512] : memref<16384x64xf32, #tpu.memory_space<hbm>> -> memref<64x64xf32, #tpu.memory_space<hbm>>
    %dma_wait3A_1514 = arith.constant 0 : i32
    %dma_wait3A_1515 = tpu.memref_slice %arg8[%add3A_1224, %dma_wait3A_1514] : memref<16384x64xf32, #tpu.memory_space<hbm>> -> memref<64x64xf32, #tpu.memory_space<hbm>>
    %dma_wait3A_1516 = arith.constant 448 : i32
    %dma_wait3A_1517 = arith.constant 0 : i32
    %dma_wait3A_1518 = tpu.memref_slice %arg14[%dma_wait3A_1516, %dma_wait3A_1517] : memref<512x64xf32, #tpu.memory_space<vmem>> -> memref<64x64xf32, #tpu.memory_space<vmem>>
    tpu.wait_dma2 semaphore(%arg23 : memref<!tpu.dma_semaphore, #tpu.memory_space<semaphore_mem>>) src(%dma_wait3A_1518 : memref<64x64xf32, #tpu.memory_space<vmem>>) dst(%dma_wait3A_1515 : memref<64x64xf32, #tpu.memory_space<hbm>>)
    return
  }
}

</mosaic_0001>

<sc_bundles>
// kernel: kernel.3.cloned.1.call-start
scs
__scs_entry_jumppad:
0x0: {  	(pc) =	sbr.rel $0x88, $3  }
0x1: {  	(tag) =	ssettag $0x0;
	lr =	simm.s32 $0x1  }
0x2: {  	[smem:$0x3F9D] =	sst lr;
	_ =	strace $0xD0000000  }
0x3: {  	_ = 	snop  }
0x4: {  	_ = 	snop  }
0x5: {  	_ = 	snop  }
0x6: {  	_ = 	snop  }
0x7: {  	_ = 	snop  }
__scs_overlays_trampoline_lowered:
0x8: {  	[smem:$0x3FAC] =	sst s0  }
0x9: {  	[smem:$0x3FAD] =	sst s1  }
0xa: {  	[smem:$0x3FAE] =	sst s2  }
0xb: {  	[smem:$0x3FAF] =	sst s3  }
0xc: {  	[smem:$0x3FB0] =	sst s4  }
0xd: {  	[smem:$0x3FB1] =	sst s5  }
0xe: {  	[smem:$0x3FB2] =	sst s6  }
0xf: {  	[smem:$0x3FB3] =	sst s7  }
0x10: {  	[smem:$0x3FB4] =	sst s8  }
0x11: {  	[smem:$0x3FB5] =	sst s9;
	s0 =	simm.s32 @!p0 $0x0  }
0x12: {  	s1 =	sld [smem:$0x3F9B];
	s0 =	simm.s32 @p0 $0x1  }
0x13: {  	[smem:$0x3FB6] =	sst s0;
	s0 =	simm.s32 @!p1 $0x0  }
0x14: {  	s2 =	sld [smem:$0x3F9A];
	s0 =	simm.s32 @p1 $0x1  }
0x15: {  	[smem:$0x3FB7] =	sst s0;
	s0 =	simm.s32 @!p2 $0x0  }
0x16: {  	s3 =	sld [smem:$0x3FDB];
	s0 =	simm.s32 @p2 $0x1  }
0x17: {  	s4 =	simm.s32 $0x1BF5;
	[smem:$0x3FB9] =	sst s0  }
0x18: {  	s0 =	sld [smem:$0x3F9C];
	_ =	swait.ge [sflag:s4], $0x0  }
0x19: {  	s7 =	sld [smem:$0x3F9D]  }
0x1a: {  	s8 =	sadd.s32 $0xFFFFE003, lr  }
0x1b: {  	s9 =	sadd.s32 $0xFFFFFEF7, lr;
	s5 =	simm.s32 $0xFFFFFFFF;
	p2 =	slt.u32 s8, $0xFFFFF086  }
0x1c: {  	p1 =	slt.u32 s9, $0xF7A;
	s5 =	simm.s32 @!p2 $0x0  }
0x1d: {  	s5 =	simm.s32 @p1 $0x1;
	p0 =	seq.s32 s7, s2  }
0x1e: {  	s7 =	smul.u32 @!p0 $0xF7A, s2;
	p2 =	seq.s32 @!p0 s5, $0x0  }
0x1f: {  	s9 =	smul.u32 $0xF7A, s1;
	s8 =	simm.s32 @!p0 $0x1BF5;
	p2 =	por !p2, p0  }
0x20: {  	[sflag:s8] =	ssyncset.s32 @!p0 $0xFFFFF086;
	s6 =	sadd.s32 @!p0 s3, s7;
	s7 =	simm.s32 @!p0 $0x108  }
0x21: {  	s3 =	sadd.s32 s3, s9;
	s6 =	sadd.s32 @!p0 $0x88, s6;
	s7 =	simm.s32 @p2 $0x1082  }
0x22: {  	[simem:s7], [sflag:s8] =	dma.local @!p0 [hbm:s6], $0xF7A  }
0x23: {  	s9 =	sor.u32 $0xD0000000, s2;
	s6 =	simm.s32 $0x108;
	_ =	swait.ge @!p0 [sflag:s8], $0x0  }
0x24: {  	s3 =	sadd.s32 $0x88, s3;
	s6 =	simm.s32 @!p1 $0x1082;
	[sflag:s4] =	ssyncset.s32 $0xFFFFF086  }
0x25: {  	[simem:s6], [sflag:s4] =	dma.local [hbm:s3], $0xF7A  }
0x26: {  	[smem:$0x3F9D] =	sst s1;
	(tag) =	ssettag s2;
	_ =	strace s9  }
0x27: {  	s1 =	sld [smem:$0x3FAD]  }
0x28: {  	s2 =	sld [smem:$0x3FAE]  }
0x29: {  	s4 =	sld [smem:$0x3FB0]  }
0x2a: {  	p0 =	seq.s32 s5, $0x0;
	s5 =	sld [smem:$0x3FB1]  }
0x2b: {  	s6 =	sld [smem:$0x3FB2]  }
0x2c: {  	s7 =	sld [smem:$0x3FB3]  }
0x2d: {  	s3 =	simm.s32 $0x108;
	s8 =	sld [smem:$0x3FB4]  }
0x2e: {  	s3 =	simm.s32 @!p0 $0x1082;
	s9 =	sld [smem:$0x3FB5]  }
0x2f: {  	lr =	sadd.s32 s0, s3;
	s0 =	sld [smem:$0x3FAC]  }
0x30: {  	s3 =	sld [smem:$0x3FAF]  }
0x31: {  	[smem:$0x3FB8] =	sst s10  }
0x32: {  	s10 =	sld [smem:$0x3FB6];
	_ =	sdelay $0x3  }
0x33: {  	p0 =	seq.s32 s10, $0x1;
	s10 =	sld [smem:$0x3FB8];
	_ =	sdelay $0x3  }
0x34: {  	[smem:$0x3FB8] =	sst s10  }
0x35: {  	s10 =	sld [smem:$0x3FB7];
	_ =	sdelay $0x3  }
0x36: {  	p1 =	seq.s32 s10, $0x1;
	s10 =	sld [smem:$0x3FB8];
	_ =	sdelay $0x3  }
0x37: {  	[smem:$0x3FB8] =	sst s10  }
0x38: {  	s10 =	sld [smem:$0x3FB9]  }
0x39: {  	_ = 	snop;
	(pc) =	sbr.ind lr, $3  }
0x3a: {  	_ = 	snop  }
0x3b: {  	_ = 	snop  }
0x3c: {  	p2 =	seq.s32 s10, $0x1;
	s10 =	sld [smem:$0x3FB8]  }
0x3d: {  	_ =	shalt  }
0x3e: {  	_ =	shalt  }
0x3f: {  	_ =	shalt  }
0x40: {  	_ =	shalt  }
0x41: {  	_ =	shalt  }
0x42: {  	_ =	shalt  }
0x43: {  	_ =	shalt  }
0x44: {  	_ =	shalt  }
0x45: {  	_ =	shalt  }
0x46: {  	_ =	shalt  }
0x47: {  	_ =	shalt  }
0x48: {  	_ =	shalt  }
0x49: {  	_ =	shalt  }
0x4a: {  	_ =	shalt  }
0x4b: {  	_ =	shalt  }
0x4c: {  	_ =	shalt  }
0x4d: {  	_ =	shalt  }
0x4e: {  	_ =	shalt  }
0x4f: {  	_ =	shalt  }
0x50: {  	_ =	shalt  }
0x51: {  	_ =	shalt  }
0x52: {  	_ =	shalt  }
0x53: {  	_ =	shalt  }
0x54: {  	_ =	shalt  }
0x55: {  	_ =	shalt  }
0x56: {  	_ =	shalt  }
0x57: {  	_ =	shalt  }
0x58: {  	_ =	shalt  }
0x59: {  	_ =	shalt  }
0x5a: {  	_ =	shalt  }
0x5b: {  	_ =	shalt  }
0x5c: {  	_ =	shalt  }
0x5d: {  	_ =	shalt  }
0x5e: {  	_ =	shalt  }
0x5f: {  	_ =	shalt  }
0x60: {  	_ =	shalt  }
0x61: {  	_ =	shalt  }
0x62: {  	_ =	shalt  }
0x63: {  	_ =	shalt  }
0x64: {  	_ =	shalt  }
0x65: {  	_ =	shalt  }
0x66: {  	_ =	shalt  }
0x67: {  	_ =	shalt  }
0x68: {  	_ =	shalt  }
0x69: {  	_ =	shalt  }
0x6a: {  	_ =	shalt  }
0x6b: {  	_ =	shalt  }
0x6c: {  	_ =	shalt  }
0x6d: {  	_ =	shalt  }
0x6e: {  	_ =	shalt  }
0x6f: {  	_ =	shalt  }
0x70: {  	_ =	shalt  }
0x71: {  	_ =	shalt  }
0x72: {  	_ =	shalt  }
0x73: {  	_ =	shalt  }
0x74: {  	_ =	shalt  }
0x75: {  	_ =	shalt  }
0x76: {  	_ =	shalt  }
0x77: {  	_ =	shalt  }
0x78: {  	_ =	shalt  }
0x79: {  	_ =	shalt  }
0x7a: {  	_ =	shalt  }
0x7b: {  	_ =	shalt  }
0x7c: {  	_ =	shalt  }
0x7d: {  	_ =	shalt  }
0x7e: {  	_ =	shalt  }
0x7f: {  	_ =	shalt  }
0x80: {  	_ =	shalt  }
0x81: {  	_ =	shalt  }
0x82: {  	_ =	shalt  }
0x83: {  	_ =	shalt  }
0x84: {  	_ =	shalt  }
0x85: {  	_ =	shalt  }
0x86: {  	_ =	shalt  }
0x87: {  	_ =	shalt  }
.Lfunc_end0:
.L_simem_size_0:
called_computation_lowered:
.L_overlay_start_0:
0x88: {  	s2 =	sld [smem:$0x3FD9]  }
0x89: {  	s3 =	sld [smem:$0x3FFE];
	_ =	sdelay $0x1  }
0x8a: {  	s1 =	srdreg.scid  }
0x8b: {  	s0 =	sand.u32 $0x1, s1  }
0x8c: {  	s14 =	sshll.u32 s0, $0xA;
	s2 =	sadd.s32 s3, s2  }
0x8d: {  	s2 =	sadd.s32 s2, s14  }
0x8e: {  	[smem:$0x3FC4] =	sst s2  }
0x8f: {  	_ = 	snop  }
0x90: {  	s2 =	sld [smem:$0x3FD0]  }
0x91: {  	s15 =	sld [smem:$0x3FC9]  }
0x92: {  	s4 =	sld [smem:$0x3FC8]  }
0x93: {  	s6 =	simm.s32 $0xA;
	s7 =	simm.s32 $0x10;
	s5 =	sld [smem:$0x3FC7]  }
0x94: {  	[smem:s7], [sflag:s6] =	dma.local [hbm:s2], $0x1  }
0x95: {  	_ =	swait.eq [sflag:s6], $0x1  }
0x96: {  	[sflag:s6] =	ssyncset.done $0x0  }
0x97: {  	s16 =	sld [smem:$0x11];
	[sflag:s6] =	ssyncadd.s32 $0xFFFFFFFF  }
0x98: {  	s17 =	sld [smem:$0x12];
	(tm) =	ssettm $0x1  }
0x99: {  	s18 =	sld [smem:$0x3FFB];
	_ =	sdelay $0x3  }
0x9a: {  	_ =	strace s18  }
0x9b: {  	s7 =	sld [smem:$0x3FFC];
	_ =	sdelay $0x3  }
0x9c: {  	_ =	strace s7  }
0x9d: {  	s7 =	sld [smem:$0x3FFD];
	_ =	sdelay $0x3  }
0x9e: {  	_ =	strace s7  }
0x9f: {  	_ =	strace $0x8FFFFFFF  }
0xa0: {  	s19 =	sld [smem:$0x3FDB];
	_ =	sdelay $0x1  }
0xa1: {  	s8 =	simm.s32 $_scs_section_size  }
0xa2: {  	s9 =	simm.s32 $_size__tile_overlayer_lowered;
	s10 =	simm.s32 $_tile_overlayer_lowered  }
0xa3: {  	s22 =	simm.s32 $0x1BFF;
	s21 =	sshll.u32 s10, $0x1;
	s7 =	sadd.s32 s8, s19  }
0xa4: {  	s11 =	simm.s32 $0x0;
	s20 =	sshll.u32 s9, $0x1;
	s9 =	sadd.s32 s21, s7  }
0xa5: {  	[timem:s11], [sflag:s22] =	dma.local [hbm:s9], s20  }
0xa6: {  	_ =	swait.ge [sflag:s22], s20  }
0xa7: {  	s8 =	ssub.s32 $0x0, s20;
	[sflag:s22] =	ssyncset.done $0x0  }
0xa8: {  	[sflag:s22] =	ssyncadd.s32 s8;
	_ =	sdelay $0x1  }
0xa9: {  	s23 =	simm.s32 $0x1B8B  }
0xaa: {  	_ =	swait.ge [sflag:s23], $0x1  }
0xab: {  	[sflag:s23] =	ssyncset.done $0x0  }
0xac: {  	s25 =	simm.s32 $0x1B8E;
	s24 =	sld [smem:$0x3FFE];
	[sflag:s23] =	ssyncadd.s32 $0xFFFFFFFF  }
0xad: {  	s26 =	simm.s32 $execute0_lowered;
	[smem:$0x3FD2] =	sst s25  }
0xae: {  	s9 =	sshll.u32 s26, $0x1;
	_ =	strace $0x80000046;
	[dreg:$0x1] =	wrdreg $0xFFFFFFFF  }
0xaf: {  	s28 =	simm.s32 $_size_execute0_lowered;
	s7 =	sadd.s32 s7, s9;
	[dreg:$0x0] =	wrdreg $0x0  }
0xb0: {  	s9 =	sshll.u32 s28, $0x1;
	[dreg:$0x2] =	wrdreg s7  }
0xb1: {  	[dreg:$0x3] =	wrdreg s9  }
0xb2: {  	[dreg:$0x4] =	wrdreg $0xC0  }
0xb3: {  	_ =	task [dreg:s11], $0x5FFFF  }
0xb4: {  	[dreg:$0x1] =	wrdreg $0xFFFFFFFF  }
0xb5: {  	[dreg:$0x0] =	wrdreg $0x60  }
0xb6: {  	[dreg:$0x2] =	wrdreg s15  }
0xb7: {  	[dreg:$0x3] =	wrdreg s4  }
0xb8: {  	[dreg:$0x4] =	wrdreg s5  }
0xb9: {  	[dreg:$0x5] =	wrdreg s24  }
0xba: {  	[dreg:$0x6] =	wrdreg s17  }
0xbb: {  	[dreg:$0x7] =	wrdreg s16  }
0xbc: {  	[dreg:$0x8] =	wrdreg $0x9  }
0xbd: {  	_ =	task.clear_ibuf [dreg:s11], $0x9FFFF;
	_ =	strace $0x90000046  }
0xbe: {  	s29 =	simm.s32 $0x9;
	_ =	strace $0x80000048  }
0xbf: {  	_ =	swait.ge [sflag:s29], $0x1  }
0xc0: {  	[sflag:s29] =	ssyncadd.s32 $0xFFFFFFFF  }
0xc1: {  	_ =	strace $0x90000048  }
0xc2: {  	_ =	sfence  }
0xc3: {  	s30 =	sld [smem:$0x0];
	_ =	sdelay $0x2  }
0xc4: {  	s31 =	sshll.u32 s1, $0xD;
	s1 =	sshrl.u32 s1, $0x2  }
0xc5: {  	s3 =	sand.u32 $0x4000, s31;
	s1 =	sadd.s32 s1, s30  }
0xc6: {  	s0 =	sor.u32 s3, s0;
	s1 =	sshll.u32 s1, $0x11  }
0xc7: {  	s0 =	sor.u32 s1, s0  }
0xc8: {  	s0 =	sadd.s32 $0x8F2B, s0  }
0xc9: {  	[sflag:s0] =	ssyncadd.remote.s32 $0x1  }
0xca: {  	_ =	sfence.sel $0xFFFF  }
0xcb: {  	[dreg:$0x0] =	wrdreg $0xFFFFFFFF;
	(pc) =	sbr.abs _section_cstart, $3  }
0xcc: {  	[dreg:$0x1] =	wrdreg $0xFFFFFFFF  }
0xcd: {  	_ =	task.clear_ibuf [dreg:s11], $0x2FFFF;
	_ =	strace $0x9FFFFFFF  }
0xce: {  	(tm) =	ssettm $0x7FFFFFFF  }
0xcf: {  	_ =	shalt  }
tec
execute0_lowered:
.L_overlay_start_1:
0x0: {  	(tag) =	ssettag $0x1  }
0x1: {  	s5 =	rddreg [dreg:$0x0]  }
0x2: {  	s6 =	rddreg [dreg:$0x1];
	s2 =	srdreg.scid  }
0x3: {  	s7 =	rddreg [dreg:$0x2];
	s8 =	stileid.u32;
	s4 =	sand.u32 $0x1, s2  }
0x4: {  	s0 =	rddreg [dreg:$0x3];
	s8 =	sshll.u32 s8, $0xA;
	s9 =	sshll.u32 s4, $0x9  }
0x5: {  	s1 =	rddreg [dreg:$0x4];
	s8 =	sor.u32 s9, s8  }
0x6: {  	s3 =	rddreg [dreg:$0x5];
	s2 =	simm.s32 $0x0;
	s9 =	sshrl.u32 s8, $0x3  }
0x7: {  	[smem:$0x7FF] =	sst s2;
	s5 =	sadd.s32 s5, s9  }
0x8: {  	_ =	strace $0x80000047;
	s14 =	sadd.s32 s6, s9;
	[dreg:$0x7] =	wrdreg s5  }
0x9: {  	s15 =	sadd.s32 s7, s9;
	s6 =	sshll.u32 s8, $0x3;
	[dreg:$0x8] =	wrdreg s14  }
0xa: {  	[dreg:$0x9] =	wrdreg s15;
	s16 =	sadd.s32 s1, s6  }
0xb: {  	s7 =	sadd.s32 $0xC00, s0;
	s17 =	sadd.s32 s3, s6;
	[dreg:$0xa] =	wrdreg s16  }
0xc: {  	s18 =	sadd.s32 s7, s6;
	s8 =	sor.u32 $0x200, s6;
	[dreg:$0xb] =	wrdreg s17  }
0xd: {  	[dreg:$0xc] =	wrdreg s18;
	s19 =	sadd.s32 s1, s8  }
0xe: {  	s20 =	sadd.s32 s3, s8;
	[dreg:$0xd] =	wrdreg s19  }
0xf: {  	s22 =	sor.u32 $0x400, s6;
	s21 =	sadd.s32 s7, s8;
	[dreg:$0xe] =	wrdreg s20  }
0x10: {  	s23 =	sadd.s32 s1, s22;
	[dreg:$0xf] =	wrdreg s21  }
0x11: {  	s24 =	sadd.s32 s3, s22;
	[dreg:$0x10] =	wrdreg s23  }
0x12: {  	s26 =	sor.u32 $0x600, s6;
	s25 =	sadd.s32 s7, s22;
	[dreg:$0x11] =	wrdreg s24  }
0x13: {  	s9 =	sadd.s32 s1, s26;
	[dreg:$0x12] =	wrdreg s25  }
0x14: {  	s10 =	sadd.s32 s3, s26;
	[dreg:$0x13] =	wrdreg s9  }
0x15: {  	s12 =	sor.u32 $0x800, s6;
	s11 =	sadd.s32 s7, s26;
	[dreg:$0x14] =	wrdreg s10  }
0x16: {  	s13 =	sadd.s32 s1, s12;
	[dreg:$0x15] =	wrdreg s11  }
0x17: {  	s14 =	sadd.s32 s3, s12;
	[dreg:$0x16] =	wrdreg s13  }
0x18: {  	s15 =	sadd.s32 s7, s12;
	[dreg:$0x17] =	wrdreg s14  }
0x19: {  	s8 =	simm.s32 $0x440;
	[dreg:$0x18] =	wrdreg s15  }
0x1a: {  	s16 =	sor.u32 $0xA00, s6;
	s12 =	simm.s32 $0xC0;
	[smem:$0x7EB] =	sst s8  }
0x1b: {  	s17 =	sadd.s32 s1, s16;
	[smem:$0x7EF] =	sst s12  }
0x1c: {  	s28 =	simm.s32 $0x3600;
	s18 =	sadd.s32 s3, s16;
	[dreg:$0x19] =	wrdreg s17  }
0x1d: {  	s29 =	simm.s32 $0xB600;
	s19 =	sadd.s32 s7, s16;
	[dreg:$0x1a] =	wrdreg s18  }
0x1e: {  	s30 =	simm.s32 $0x13600;
	s9 =	simm.s32 $0x80;
	[dreg:$0x1b] =	wrdreg s19  }
0x1f: {  	s31 =	simm.s32 $0x4600;
	s10 =	simm.s32 $0x280;
	[smem:$0x7EC] =	sst s9  }
0x20: {  	s4 =	ssub.s32 $0x2, s4;
	s11 =	simm.s32 $0x480;
	[smem:$0x7ED] =	sst s10  }
0x21: {  	s5 =	simm.s32 $0x5600;
	s13 =	simm.s32 $0x2C0;
	[smem:$0x7EE] =	sst s11  }
0x22: {  	s20 =	sor.u32 $0xC00, s6;
	s14 =	simm.s32 $0x4C0;
	[smem:$0x7F0] =	sst s13  }
0x23: {  	s6 =	sor.u32 $0xE00, s6;
	s15 =	simm.s32 $0x100;
	[smem:$0x7F1] =	sst s14  }
0x24: {  	s25 =	sshrl.u32 s4, $0x1;
	s16 =	simm.s32 $0x300;
	[smem:$0x7F2] =	sst s15  }
0x25: {  	s8 =	simm.s32 $0x40;
	s21 =	sadd.s32 s1, s20;
	[smem:$0x7F3] =	sst s16  }
0x26: {  	s12 =	simm.s32 $0x7600;
	s22 =	sadd.s32 s3, s20;
	[dreg:$0x1c] =	wrdreg s21  }
0x27: {  	s23 =	sadd.s32 s7, s20;
	s1 =	sadd.s32 s1, s6;
	[dreg:$0x1d] =	wrdreg s22  }
0x28: {  	s24 =	sadd.s32 s3, s6;
	s26 =	sadd.s32 s7, s6;
	[dreg:$0x1e] =	wrdreg s23  }
0x29: {  	s3 =	sadd.s32 $0xF43000, s0;
	s6 =	ssub.s32 s4, s25;
	[dreg:$0x1f] =	wrdreg s1  }
0x2a: {  	s7 =	simm.s32 $0x240;
	s17 =	simm.s32 $0x500;
	[smem:$0x7E8] =	sst s24  }
0x2b: {  	s18 =	simm.s32 $0x140;
	s19 =	simm.s32 $0x340;
	[smem:$0x7E9] =	sst s26  }
0x2c: {  	s20 =	simm.s32 $0x540;
	s25 =	simm.s32 $0x3C0;
	[smem:$0x7EA] =	sst s7  }
0x2d: {  	s15 =	simm.s32 $0x9;
	s9 =	simm.s32 $0x6600;
	[smem:$0x7F4] =	sst s17  }
0x2e: {  	s10 =	simm.s32 $0xE600;
	s11 =	simm.s32 $0x16600;
	[smem:$0x7F5] =	sst s18  }
0x2f: {  	s13 =	simm.s32 $0xF600;
	s14 =	simm.s32 $0x17600;
	[smem:$0x7F6] =	sst s19  }
0x30: {  	s4 =	smax.u32 s6, $0x1;
	[smem:$0x7F7] =	sst s20;
	s21 =	simm.s32 $0x180  }
0x31: {  	s22 =	simm.s32 $0x380;
	s23 =	simm.s32 $0x580;
	[smem:$0x7FC] =	sst s25  }
0x32: {  	s24 =	simm.s32 $0x1C0;
	s26 =	simm.s32 $0x5C0;
	[smem:$0x7F8] =	sst s21  }
0x33: {  	s19 =	simm.s32 $0x600;
	s20 =	simm.s32 $0x8600;
	[smem:$0x7F9] =	sst s22  }
0x34: {  	s25 =	simm.s32 $0xA600;
	s1 =	simm.s32 $0xC600;
	[smem:$0x7FA] =	sst s23  }
0x35: {  	s6 =	simm.s32 $0xD600;
	s7 =	simm.s32 $0x15600;
	[smem:$0x7FB] =	sst s24  }
0x36: {  	[smem:$0x7FD] =	sst s26;
	s21 =	simm.s32 $0x10600;
	s22 =	simm.s32 $0x9600  }
0x37: {  	s23 =	simm.s32 $0x11600;
	s24 =	simm.s32 $0x2600;
	s26 =	simm.s32 $0x12600  }
.LBB2_1:
0x38: {  	s16 =	rddreg [dreg:$0x7];
	s0 =	simm.s32 $0xA  }
0x39: {  	[tilespmem:s2], [sflag:$0xA] =	stream.linear.gather [hbm4b:s16+s2], $0x200, $0x38;
	[tilespmem:$0x18600] =	vst v63  }
0x3a: {  	_ =	swait.ge [sflag:s0], $0x200  }
0x3b: {  	[sflag:s0] =	ssyncset.done $0x0  }
0x3c: {  	s17 =	simm.s32 $0x200;
	s18 =	rddreg [dreg:$0x8];
	[sflag:s0] =	ssyncadd.s32 $0xFFFFFE00  }
0x3d: {  	[tilespmem:s17], [sflag:$0xA] =	stream.linear.gather [hbm4b:s18+s2], $0x200, $0x38;
	[tilespmem:$0x18600] =	vst v63  }
0x3e: {  	_ =	swait.ge [sflag:s0], $0x200  }
0x3f: {  	[sflag:s0] =	ssyncset.done $0x0  }
0x40: {  	s18 =	simm.s32 $0x400;
	s16 =	rddreg [dreg:$0x9];
	[sflag:s0] =	ssyncadd.s32 $0xFFFFFE00  }
0x41: {  	[tilespmem:s18], [sflag:$0xA] =	stream.linear.gather [hbm4b:s16+s2], $0x200, $0x38;
	[tilespmem:$0x18600] =	vst v63  }
0x42: {  	_ =	swait.ge [sflag:s0], $0x200  }
0x43: {  	[sflag:s0] =	ssyncset.done $0x0  }
0x44: {  	[sflag:s0] =	ssyncadd.s32 $0xFFFFFE00  }
0x45: {  	v0 =	vld [tilespmem:$0x200]  }
0x46: {  	v1 =	vld [tilespmem:$0x400]  }
0x47: {  	v2 =	vld [tilespmem:$0x210]  }
0x48: {  	v3 =	vld [tilespmem:$0x410]  }
0x49: {  	v4 =	vld [tilespmem:$0x220]  }
0x4a: {  	v5 =	vld [tilespmem:$0x420];
	v0 =	vadd.s32 $0x7A120, v0  }
0x4b: {  	v57 =	vld [tilespmem:$0x230];
	v56 =	vadd.s32 $0x7A120, v1;
	[tilespmem:$0x200] =	vst v0  }
0x4c: {  	v59 =	vld [tilespmem:$0x430];
	v58 =	vadd.s32 $0x7A120, v2;
	[tilespmem:$0x400] =	vst v56  }
0x4d: {  	v61 =	vld [tilespmem:$0x240];
	v60 =	vadd.s32 $0x7A120, v3;
	[tilespmem:$0x210] =	vst v58  }
0x4e: {  	v63 =	vld [tilespmem:$0x440];
	v62 =	vadd.s32 $0x7A120, v4;
	[tilespmem:$0x410] =	vst v60  }
0x4f: {  	v9 =	vld [tilespmem:$0x250];
	v8 =	vadd.s32 $0x7A120, v5;
	[tilespmem:$0x220] =	vst v62  }
0x50: {  	v11 =	vld [tilespmem:$0x450];
	v10 =	vadd.s32 $0x7A120, v57;
	[tilespmem:$0x420] =	vst v8  }
0x51: {  	v13 =	vld [tilespmem:$0x260];
	v12 =	vadd.s32 $0x7A120, v59;
	[tilespmem:$0x230] =	vst v10  }
0x52: {  	v15 =	vld [tilespmem:$0x460];
	v14 =	vadd.s32 $0x7A120, v61;
	[tilespmem:$0x430] =	vst v12  }
0x53: {  	v17 =	vld [tilespmem:$0x270];
	v16 =	vadd.s32 $0x7A120, v63;
	[tilespmem:$0x240] =	vst v14  }
0x54: {  	v19 =	vld [tilespmem:$0x470];
	v18 =	vadd.s32 $0x7A120, v9;
	[tilespmem:$0x440] =	vst v16  }
0x55: {  	v21 =	vld [tilespmem:$0x280];
	v20 =	vadd.s32 $0x7A120, v11;
	[tilespmem:$0x250] =	vst v18  }
0x56: {  	v23 =	vld [tilespmem:$0x480];
	v22 =	vadd.s32 $0x7A120, v13;
	[tilespmem:$0x450] =	vst v20  }
0x57: {  	v25 =	vld [tilespmem:$0x290];
	v24 =	vadd.s32 $0x7A120, v15;
	[tilespmem:$0x260] =	vst v22  }
0x58: {  	v27 =	vld [tilespmem:$0x490];
	v26 =	vadd.s32 $0x7A120, v17;
	[tilespmem:$0x460] =	vst v24  }
0x59: {  	v29 =	vld [tilespmem:$0x2A0];
	v28 =	vadd.s32 $0x7A120, v19;
	[tilespmem:$0x270] =	vst v26  }
0x5a: {  	v31 =	vld [tilespmem:$0x4A0];
	v30 =	vadd.s32 $0x7A120, v21;
	[tilespmem:$0x470] =	vst v28  }
0x5b: {  	v33 =	vld [tilespmem:$0x2B0];
	v32 =	vadd.s32 $0x7A120, v23;
	[tilespmem:$0x280] =	vst v30  }
0x5c: {  	v35 =	vld [tilespmem:$0x4B0];
	v34 =	vadd.s32 $0x7A120, v25;
	[tilespmem:$0x480] =	vst v32  }
0x5d: {  	v37 =	vld [tilespmem:$0x2C0];
	v36 =	vadd.s32 $0x7A120, v27;
	[tilespmem:$0x290] =	vst v34  }
0x5e: {  	v39 =	vld [tilespmem:$0x4C0];
	v38 =	vadd.s32 $0x7A120, v29;
	[tilespmem:$0x490] =	vst v36  }
0x5f: {  	v41 =	vld [tilespmem:$0x2D0];
	v40 =	vadd.s32 $0x7A120, v31;
	[tilespmem:$0x2A0] =	vst v38  }
0x60: {  	v43 =	vld [tilespmem:$0x4D0];
	v42 =	vadd.s32 $0x7A120, v33;
	[tilespmem:$0x4A0] =	vst v40  }
0x61: {  	v45 =	vld [tilespmem:$0x2E0];
	v44 =	vadd.s32 $0x7A120, v35;
	[tilespmem:$0x2B0] =	vst v42  }
0x62: {  	v55 =	vld [tilespmem:$0x500];
	v46 =	vadd.s32 $0x7A120, v37;
	[tilespmem:$0x4B0] =	vst v44  }
0x63: {  	v47 =	vld [tilespmem:$0x4E0];
	v48 =	vadd.s32 $0x7A120, v39;
	[tilespmem:$0x2C0] =	vst v46  }
0x64: {  	v49 =	vld [tilespmem:$0x2F0];
	v50 =	vadd.s32 $0x7A120, v41;
	[tilespmem:$0x4C0] =	vst v48  }
0x65: {  	v51 =	vld [tilespmem:$0x4F0];
	v52 =	vadd.s32 $0x7A120, v43;
	[tilespmem:$0x2D0] =	vst v50  }
0x66: {  	v53 =	vld [tilespmem:$0x300];
	v54 =	vadd.s32 $0x7A120, v45;
	[tilespmem:$0x4D0] =	vst v52  }
0x67: {  	v57 =	vld [tilespmem:$0x310];
	v7 =	vadd.s32 $0x7A120, v55;
	[tilespmem:$0x2E0] =	vst v54  }
0x68: {  	v59 =	vld [tilespmem:$0x510];
	v56 =	vadd.s32 $0x7A120, v47;
	[tilespmem:$0x500] =	vst v7  }
0x69: {  	v61 =	vld [tilespmem:$0x320];
	v58 =	vadd.s32 $0x7A120, v49;
	[tilespmem:$0x4E0] =	vst v56  }
0x6a: {  	v63 =	vld [tilespmem:$0x520];
	v60 =	vadd.s32 $0x7A120, v51;
	[tilespmem:$0x2F0] =	vst v58  }
0x6b: {  	v62 =	vadd.s32 $0x7A120, v53;
	v8 =	vld [tilespmem:$0x330];
	[tilespmem:$0x4F0] =	vst v60  }
0x6c: {  	v10 =	vld [tilespmem:$0x530];
	[tilespmem:$0x300] =	vst v62;
	v9 =	vadd.s32 $0x7A120, v57  }
0x6d: {  	v12 =	vld [tilespmem:$0x340];
	v11 =	vadd.s32 $0x7A120, v59;
	[tilespmem:$0x310] =	vst v9  }
0x6e: {  	v14 =	vld [tilespmem:$0x540];
	v13 =	vadd.s32 $0x7A120, v61;
	[tilespmem:$0x510] =	vst v11  }
0x6f: {  	v16 =	vld [tilespmem:$0x350];
	v15 =	vadd.s32 $0x7A120, v63;
	[tilespmem:$0x320] =	vst v13  }
0x70: {  	v18 =	vld [tilespmem:$0x550];
	[tilespmem:$0x520] =	vst v15;
	v17 =	vadd.s32 $0x7A120, v8  }
0x71: {  	v20 =	vld [tilespmem:$0x360];
	v19 =	vadd.s32 $0x7A120, v10;
	[tilespmem:$0x330] =	vst v17  }
0x72: {  	v22 =	vld [tilespmem:$0x560];
	v21 =	vadd.s32 $0x7A120, v12;
	[tilespmem:$0x530] =	vst v19  }
0x73: {  	v24 =	vld [tilespmem:$0x370];
	v23 =	vadd.s32 $0x7A120, v14;
	[tilespmem:$0x340] =	vst v21  }
0x74: {  	v26 =	vld [tilespmem:$0x570];
	v25 =	vadd.s32 $0x7A120, v16;
	[tilespmem:$0x540] =	vst v23  }
0x75: {  	v28 =	vld [tilespmem:$0x380];
	v27 =	vadd.s32 $0x7A120, v18;
	[tilespmem:$0x350] =	vst v25  }
0x76: {  	v30 =	vld [tilespmem:$0x580];
	v29 =	vadd.s32 $0x7A120, v20;
	[tilespmem:$0x550] =	vst v27  }
0x77: {  	v32 =	vld [tilespmem:$0x390];
	v31 =	vadd.s32 $0x7A120, v22;
	[tilespmem:$0x360] =	vst v29  }
0x78: {  	v34 =	vld [tilespmem:$0x590];
	v33 =	vadd.s32 $0x7A120, v24;
	[tilespmem:$0x560] =	vst v31  }
0x79: {  	v36 =	vld [tilespmem:$0x3A0];
	v35 =	vadd.s32 $0x7A120, v26;
	[tilespmem:$0x370] =	vst v33  }
0x7a: {  	v38 =	vld [tilespmem:$0x5A0];
	v37 =	vadd.s32 $0x7A120, v28;
	[tilespmem:$0x570] =	vst v35  }
0x7b: {  	v40 =	vld [tilespmem:$0x3B0];
	v39 =	vadd.s32 $0x7A120, v30;
	[tilespmem:$0x380] =	vst v37  }
0x7c: {  	v42 =	vld [tilespmem:$0x5B0];
	v41 =	vadd.s32 $0x7A120, v32;
	[tilespmem:$0x580] =	vst v39  }
0x7d: {  	v44 =	vld [tilespmem:$0x3C0];
	v43 =	vadd.s32 $0x7A120, v34;
	[tilespmem:$0x390] =	vst v41  }
0x7e: {  	v46 =	vld [tilespmem:$0x5C0];
	v45 =	vadd.s32 $0x7A120, v36;
	[tilespmem:$0x590] =	vst v43  }
0x7f: {  	v48 =	vld [tilespmem:$0x3D0];
	v47 =	vadd.s32 $0x7A120, v38;
	[tilespmem:$0x3A0] =	vst v45  }
0x80: {  	v50 =	vld [tilespmem:$0x5D0];
	v49 =	vadd.s32 $0x7A120, v40;
	[tilespmem:$0x5A0] =	vst v47  }
0x81: {  	v52 =	vld [tilespmem:$0x3E0];
	v51 =	vadd.s32 $0x7A120, v42;
	[tilespmem:$0x3B0] =	vst v49  }
0x82: {  	v54 =	vld [tilespmem:$0x5E0];
	v53 =	vadd.s32 $0x7A120, v44;
	[tilespmem:$0x5B0] =	vst v51  }
0x83: {  	v56 =	vld [tilespmem:$0x3F0];
	v55 =	vadd.s32 $0x7A120, v46;
	[tilespmem:$0x3C0] =	vst v53  }
0x84: {  	v58 =	vld [tilespmem:$0x5F0];
	v57 =	vadd.s32 $0x7A120, v48;
	[tilespmem:$0x5C0] =	vst v55  }
0x85: {  	v59 =	vadd.s32 $0x7A120, v50;
	[tilespmem:$0x3D0] =	vst v57  }
0x86: {  	v60 =	vadd.s32 $0x7A120, v52;
	[tilespmem:$0x5D0] =	vst v59  }
0x87: {  	v61 =	vadd.s32 $0x7A120, v54;
	[tilespmem:$0x3E0] =	vst v60  }
0x88: {  	[tilespmem:$0x5E0] =	vst v61;
	v62 =	vadd.s32 $0x7A120, v56  }
0x89: {  	v63 =	vadd.s32 $0x7A120, v58;
	[tilespmem:$0x3F0] =	vst v62  }
0x8a: {  	[tilespmem:$0x5F0] =	vst v63  }
0x8b: {  	[tilespmem:s19], [sflag:$0x1] =	stream.indirect.gather [hbm4b:s3+s8], $0x40, s2, s8, $0xb8;
	[tilespmem:$0x18600] =	vst v63  }
0x8c: {  	_ = 	snop  }
0x8d: {  	[tilespmem:s20], [sflag:$0x1] =	stream.indirect.gather [hbm4b:s3+s8], $0x40, s17, s8, $0xb8;
	[tilespmem:$0x18600] =	vst v63  }
0x8e: {  	_ = 	snop  }
0x8f: {  	[tilespmem:s21], [sflag:$0x1] =	stream.indirect.gather [hbm4b:s3+s8], $0x40, s18, s8, $0xb8;
	[tilespmem:$0x18600] =	vst v63  }
0x90: {  	s17 =	sld [smem:$0x7EA];
	s18 =	simm.s32 $0x1600  }
0x91: {  	[tilespmem:s18], [sflag:$0x2] =	stream.indirect.gather [hbm4b:s3+s8], $0x40, s8, s8, $0xb8;
	[tilespmem:$0x18600] =	vst v63  }
0x92: {  	s0 =	sld [smem:$0x7EB]  }
0x93: {  	[tilespmem:s22], [sflag:$0x2] =	stream.indirect.gather [hbm4b:s3+s8], $0x40, s17, s8, $0xb8;
	[tilespmem:$0x18600] =	vst v63  }
0x94: {  	s16 =	sld [smem:$0x7EC]  }
0x95: {  	[tilespmem:s23], [sflag:$0x2] =	stream.indirect.gather [hbm4b:s3+s8], $0x40, s0, s8, $0xb8;
	[tilespmem:$0x18600] =	vst v63  }
0x96: {  	s0 =	sld [smem:$0x7ED]  }
0x97: {  	[tilespmem:s24], [sflag:$0x3] =	stream.indirect.gather [hbm4b:s3+s8], $0x40, s16, s8, $0xb8;
	[tilespmem:$0x18600] =	vst v63  }
0x98: {  	s16 =	sld [smem:$0x7EE]  }
0x99: {  	[tilespmem:s25], [sflag:$0x3] =	stream.indirect.gather [hbm4b:s3+s8], $0x40, s0, s8, $0xb8;
	[tilespmem:$0x18600] =	vst v63  }
0x9a: {  	s0 =	sld [smem:$0x7EF]  }
0x9b: {  	[tilespmem:s26], [sflag:$0x3] =	stream.indirect.gather [hbm4b:s3+s8], $0x40, s16, s8, $0xb8;
	[tilespmem:$0x18600] =	vst v63  }
0x9c: {  	s16 =	sld [smem:$0x7F0]  }
0x9d: {  	[tilespmem:s28], [sflag:$0x4] =	stream.indirect.gather [hbm4b:s3+s8], $0x40, s0, s8, $0xb8;
	[tilespmem:$0x18600] =	vst v63  }
0x9e: {  	s0 =	sld [smem:$0x7F1]  }
0x9f: {  	[tilespmem:s29], [sflag:$0x4] =	stream.indirect.gather [hbm4b:s3+s8], $0x40, s16, s8, $0xb8;
	[tilespmem:$0x18600] =	vst v63  }
0xa0: {  	s16 =	sld [smem:$0x7F2]  }
0xa1: {  	[tilespmem:s30], [sflag:$0x4] =	stream.indirect.gather [hbm4b:s3+s8], $0x40, s0, s8, $0xb8;
	[tilespmem:$0x18600] =	vst v63  }
0xa2: {  	s0 =	sld [smem:$0x7F3]  }
0xa3: {  	[tilespmem:s31], [sflag:$0x5] =	stream.indirect.gather [hbm4b:s3+s8], $0x40, s16, s8, $0xb8;
	[tilespmem:$0x18600] =	vst v63  }
0xa4: {  	s16 =	sld [smem:$0x7F4]  }
0xa5: {  	[tilespmem:s1], [sflag:$0x5] =	stream.indirect.gather [hbm4b:s3+s8], $0x40, s0, s8, $0xb8;
	[tilespmem:$0x18600] =	vst v63  }
0xa6: {  	s17 =	sld [smem:$0x7F5];
	s0 =	simm.s32 $0x14600  }
0xa7: {  	[tilespmem:s0], [sflag:$0x5] =	stream.indirect.gather [hbm4b:s3+s8], $0x40, s16, s8, $0xb8;
	[tilespmem:$0x18600] =	vst v63  }
0xa8: {  	s16 =	sld [smem:$0x7F6]  }
0xa9: {  	[tilespmem:s5], [sflag:$0x6] =	stream.indirect.gather [hbm4b:s3+s8], $0x40, s17, s8, $0xb8;
	[tilespmem:$0x18600] =	vst v63  }
0xaa: {  	s17 =	sld [smem:$0x7F7]  }
0xab: {  	[tilespmem:s6], [sflag:$0x6] =	stream.indirect.gather [hbm4b:s3+s8], $0x40, s16, s8, $0xb8;
	[tilespmem:$0x18600] =	vst v63  }
0xac: {  	s16 =	sld [smem:$0x7F8]  }
0xad: {  	[tilespmem:s7], [sflag:$0x6] =	stream.indirect.gather [hbm4b:s3+s8], $0x40, s17, s8, $0xb8;
	[tilespmem:$0x18600] =	vst v63  }
0xae: {  	s17 =	sld [smem:$0x7F9]  }
0xaf: {  	[tilespmem:s9], [sflag:$0x7] =	stream.indirect.gather [hbm4b:s3+s8], $0x40, s16, s8, $0xb8;
	[tilespmem:$0x18600] =	vst v63  }
0xb0: {  	s16 =	sld [smem:$0x7FA]  }
0xb1: {  	[tilespmem:s10], [sflag:$0x7] =	stream.indirect.gather [hbm4b:s3+s8], $0x40, s17, s8, $0xb8;
	[tilespmem:$0x18600] =	vst v63  }
0xb2: {  	s17 =	sld [smem:$0x7FB]  }
0xb3: {  	[tilespmem:s11], [sflag:$0x7] =	stream.indirect.gather [hbm4b:s3+s8], $0x40, s16, s8, $0xb8;
	[tilespmem:$0x18600] =	vst v63  }
0xb4: {  	s16 =	sld [smem:$0x7FC]  }
0xb5: {  	[tilespmem:s12], [sflag:$0x8] =	stream.indirect.gather [hbm4b:s3+s8], $0x40, s17, s8, $0xb8;
	[tilespmem:$0x18600] =	vst v63  }
0xb6: {  	s17 =	sld [smem:$0x7FD]  }
0xb7: {  	[tilespmem:s13], [sflag:$0x8] =	stream.indirect.gather [hbm4b:s3+s8], $0x40, s16, s8, $0xb8;
	[tilespmem:$0x18600] =	vst v63  }
0xb8: {  	_ = 	snop  }
0xb9: {  	[tilespmem:s14], [sflag:$0x8] =	stream.indirect.gather [hbm4b:s3+s8], $0x40, s17, s8, $0xb8;
	[tilespmem:$0x18600] =	vst v63  }
0xba: {  	s17 =	simm.s32 $0x1  }
0xbb: {  	_ =	swait.ge [sflag:s17], $0x1000  }
0xbc: {  	[sflag:s17] =	ssyncset.done $0x0  }
0xbd: {  	[sflag:s17] =	ssyncadd.s32 $0xFFFFF000  }
0xbe: {  	_ =	swait.ge [sflag:s17], $0x1000  }
0xbf: {  	[sflag:s17] =	ssyncset.done $0x0  }
0xc0: {  	[sflag:s17] =	ssyncadd.s32 $0xFFFFF000  }
0xc1: {  	_ =	swait.ge [sflag:s17], $0x1000  }
0xc2: {  	[sflag:s17] =	ssyncset.done $0x0  }
0xc3: {  	s16 =	rddreg [dreg:$0xa];
	[sflag:s17] =	ssyncadd.s32 $0xFFFFF000  }
0xc4: {  	[hbm4b:s16+s2] =	stream.linear.scatter [tilespmem:s19], [sflag:$0x9], $0x1000, $0x38;
	[tilespmem:$0x18600] =	vst v63  }
0xc5: {  	s17 =	rddreg [dreg:$0xb]  }
0xc6: {  	[hbm4b:s17+s2] =	stream.linear.scatter [tilespmem:s20], [sflag:$0x9], $0x1000, $0x38;
	[tilespmem:$0x18600] =	vst v63  }
0xc7: {  	s16 =	rddreg [dreg:$0xc];
	s17 =	simm.s32 $0x2  }
0xc8: {  	[hbm4b:s16+s2] =	stream.linear.scatter [tilespmem:s21], [sflag:$0x9], $0x1000, $0x38;
	[tilespmem:$0x18600] =	vst v63  }
0xc9: {  	_ =	swait.ge [sflag:s17], $0x1000  }
0xca: {  	[sflag:s17] =	ssyncset.done $0x0  }
0xcb: {  	[sflag:s17] =	ssyncadd.s32 $0xFFFFF000  }
0xcc: {  	_ =	swait.ge [sflag:s17], $0x1000  }
0xcd: {  	[sflag:s17] =	ssyncset.done $0x0  }
0xce: {  	[sflag:s17] =	ssyncadd.s32 $0xFFFFF000  }
0xcf: {  	_ =	swait.ge [sflag:s17], $0x1000  }
0xd0: {  	[sflag:s17] =	ssyncset.done $0x0  }
0xd1: {  	s16 =	rddreg [dreg:$0xd];
	[sflag:s17] =	ssyncadd.s32 $0xFFFFF000  }
0xd2: {  	[hbm4b:s16+s2] =	stream.linear.scatter [tilespmem:s18], [sflag:$0x9], $0x1000, $0x38;
	[tilespmem:$0x18600] =	vst v63  }
0xd3: {  	s17 =	rddreg [dreg:$0xe]  }
0xd4: {  	[hbm4b:s17+s2] =	stream.linear.scatter [tilespmem:s22], [sflag:$0x9], $0x1000, $0x38;
	[tilespmem:$0x18600] =	vst v63  }
0xd5: {  	s18 =	rddreg [dreg:$0xf];
	s16 =	simm.s32 $0x3  }
0xd6: {  	[hbm4b:s18+s2] =	stream.linear.scatter [tilespmem:s23], [sflag:$0x9], $0x1000, $0x38;
	[tilespmem:$0x18600] =	vst v63  }
0xd7: {  	_ =	swait.ge [sflag:s16], $0x1000  }
0xd8: {  	[sflag:s16] =	ssyncset.done $0x0  }
0xd9: {  	[sflag:s16] =	ssyncadd.s32 $0xFFFFF000  }
0xda: {  	_ =	swait.ge [sflag:s16], $0x1000  }
0xdb: {  	[sflag:s16] =	ssyncset.done $0x0  }
0xdc: {  	[sflag:s16] =	ssyncadd.s32 $0xFFFFF000  }
0xdd: {  	_ =	swait.ge [sflag:s16], $0x1000  }
0xde: {  	[sflag:s16] =	ssyncset.done $0x0  }
0xdf: {  	s18 =	rddreg [dreg:$0x10];
	[sflag:s16] =	ssyncadd.s32 $0xFFFFF000  }
0xe0: {  	[hbm4b:s18+s2] =	stream.linear.scatter [tilespmem:s24], [sflag:$0x9], $0x1000, $0x38;
	[tilespmem:$0x18600] =	vst v63  }
0xe1: {  	s17 =	rddreg [dreg:$0x11]  }
0xe2: {  	[hbm4b:s17+s2] =	stream.linear.scatter [tilespmem:s25], [sflag:$0x9], $0x1000, $0x38;
	[tilespmem:$0x18600] =	vst v63  }
0xe3: {  	s16 =	simm.s32 $0x4;
	s18 =	rddreg [dreg:$0x12]  }
0xe4: {  	[hbm4b:s18+s2] =	stream.linear.scatter [tilespmem:s26], [sflag:$0x9], $0x1000, $0x38;
	[tilespmem:$0x18600] =	vst v63  }
0xe5: {  	_ =	swait.ge [sflag:s16], $0x1000  }
0xe6: {  	[sflag:s16] =	ssyncset.done $0x0  }
0xe7: {  	[sflag:s16] =	ssyncadd.s32 $0xFFFFF000  }
0xe8: {  	_ =	swait.ge [sflag:s16], $0x1000  }
0xe9: {  	[sflag:s16] =	ssyncset.done $0x0  }
0xea: {  	[sflag:s16] =	ssyncadd.s32 $0xFFFFF000  }
0xeb: {  	_ =	swait.ge [sflag:s16], $0x1000  }
0xec: {  	[sflag:s16] =	ssyncset.done $0x0  }
0xed: {  	s18 =	rddreg [dreg:$0x13];
	[sflag:s16] =	ssyncadd.s32 $0xFFFFF000  }
0xee: {  	[hbm4b:s18+s2] =	stream.linear.scatter [tilespmem:s28], [sflag:$0x9], $0x1000, $0x38;
	[tilespmem:$0x18600] =	vst v63  }
0xef: {  	s17 =	rddreg [dreg:$0x14]  }
0xf0: {  	[hbm4b:s17+s2] =	stream.linear.scatter [tilespmem:s29], [sflag:$0x9], $0x1000, $0x38;
	[tilespmem:$0x18600] =	vst v63  }
0xf1: {  	s16 =	simm.s32 $0x5;
	s18 =	rddreg [dreg:$0x15]  }
0xf2: {  	[hbm4b:s18+s2] =	stream.linear.scatter [tilespmem:s30], [sflag:$0x9], $0x1000, $0x38;
	[tilespmem:$0x18600] =	vst v63  }
0xf3: {  	_ =	swait.ge [sflag:s16], $0x1000  }
0xf4: {  	[sflag:s16] =	ssyncset.done $0x0  }
0xf5: {  	[sflag:s16] =	ssyncadd.s32 $0xFFFFF000  }
0xf6: {  	_ =	swait.ge [sflag:s16], $0x1000  }
0xf7: {  	[sflag:s16] =	ssyncset.done $0x0  }
0xf8: {  	[sflag:s16] =	ssyncadd.s32 $0xFFFFF000  }
0xf9: {  	_ =	swait.ge [sflag:s16], $0x1000  }
0xfa: {  	[sflag:s16] =	ssyncset.done $0x0  }
0xfb: {  	s18 =	rddreg [dreg:$0x16];
	[sflag:s16] =	ssyncadd.s32 $0xFFFFF000  }
0xfc: {  	[hbm4b:s18+s2] =	stream.linear.scatter [tilespmem:s31], [sflag:$0x9], $0x1000, $0x38;
	[tilespmem:$0x18600] =	vst v63  }
0xfd: {  	s17 =	rddreg [dreg:$0x17]  }
0xfe: {  	[hbm4b:s17+s2] =	stream.linear.scatter [tilespmem:s1], [sflag:$0x9], $0x1000, $0x38;
	[tilespmem:$0x18600] =	vst v63  }
0xff: {  	s16 =	simm.s32 $0x6;
	s18 =	rddreg [dreg:$0x18]  }
0x100: {  	[hbm4b:s18+s2] =	stream.linear.scatter [tilespmem:s0], [sflag:$0x9], $0x1000, $0x38;
	[tilespmem:$0x18600] =	vst v63  }
0x101: {  	_ =	swait.ge [sflag:s16], $0x1000  }
0x102: {  	[sflag:s16] =	ssyncset.done $0x0  }
0x103: {  	[sflag:s16] =	ssyncadd.s32 $0xFFFFF000  }
0x104: {  	_ =	swait.ge [sflag:s16], $0x1000  }
0x105: {  	[sflag:s16] =	ssyncset.done $0x0  }
0x106: {  	[sflag:s16] =	ssyncadd.s32 $0xFFFFF000  }
0x107: {  	_ =	swait.ge [sflag:s16], $0x1000  }
0x108: {  	[sflag:s16] =	ssyncset.done $0x0  }
0x109: {  	s17 =	rddreg [dreg:$0x19];
	[sflag:s16] =	ssyncadd.s32 $0xFFFFF000  }
0x10a: {  	[hbm4b:s17+s2] =	stream.linear.scatter [tilespmem:s5], [sflag:$0x9], $0x1000, $0x38;
	[tilespmem:$0x18600] =	vst v63  }
0x10b: {  	s18 =	rddreg [dreg:$0x1a]  }
0x10c: {  	[hbm4b:s18+s2] =	stream.linear.scatter [tilespmem:s6], [sflag:$0x9], $0x1000, $0x38;
	[tilespmem:$0x18600] =	vst v63  }
0x10d: {  	s0 =	rddreg [dreg:$0x1b];
	s16 =	simm.s32 $0x7  }
0x10e: {  	[hbm4b:s0+s2] =	stream.linear.scatter [tilespmem:s7], [sflag:$0x9], $0x1000, $0x38;
	[tilespmem:$0x18600] =	vst v63  }
0x10f: {  	_ =	swait.ge [sflag:s16], $0x1000  }
0x110: {  	[sflag:s16] =	ssyncset.done $0x0  }
0x111: {  	[sflag:s16] =	ssyncadd.s32 $0xFFFFF000  }
0x112: {  	_ =	swait.ge [sflag:s16], $0x1000  }
0x113: {  	[sflag:s16] =	ssyncset.done $0x0  }
0x114: {  	[sflag:s16] =	ssyncadd.s32 $0xFFFFF000  }
0x115: {  	_ =	swait.ge [sflag:s16], $0x1000  }
0x116: {  	[sflag:s16] =	ssyncset.done $0x0  }
0x117: {  	s17 =	rddreg [dreg:$0x1c];
	[sflag:s16] =	ssyncadd.s32 $0xFFFFF000  }
0x118: {  	[hbm4b:s17+s2] =	stream.linear.scatter [tilespmem:s9], [sflag:$0x9], $0x1000, $0x38;
	[tilespmem:$0x18600] =	vst v63  }
0x119: {  	s18 =	rddreg [dreg:$0x1d]  }
0x11a: {  	[hbm4b:s18+s2] =	stream.linear.scatter [tilespmem:s10], [sflag:$0x9], $0x1000, $0x38;
	[tilespmem:$0x18600] =	vst v63  }
0x11b: {  	s0 =	rddreg [dreg:$0x1e];
	s17 =	simm.s32 $0x8  }
0x11c: {  	[hbm4b:s0+s2] =	stream.linear.scatter [tilespmem:s11], [sflag:$0x9], $0x1000, $0x38;
	[tilespmem:$0x18600] =	vst v63  }
0x11d: {  	_ =	swait.ge [sflag:s17], $0x1000  }
0x11e: {  	[sflag:s17] =	ssyncset.done $0x0  }
0x11f: {  	[sflag:s17] =	ssyncadd.s32 $0xFFFFF000  }
0x120: {  	_ =	swait.ge [sflag:s17], $0x1000  }
0x121: {  	[sflag:s17] =	ssyncset.done $0x0  }
0x122: {  	[sflag:s17] =	ssyncadd.s32 $0xFFFFF000  }
0x123: {  	_ =	swait.ge [sflag:s17], $0x1000  }
0x124: {  	s18 =	rddreg [dreg:$0x1f];
	[sflag:s17] =	ssyncset.done $0x0  }
0x125: {  	s0 =	sld [smem:$0x7E8];
	[sflag:s17] =	ssyncadd.s32 $0xFFFFF000  }
0x126: {  	[hbm4b:s18+s2] =	stream.linear.scatter [tilespmem:s12], [sflag:$0x9], $0x1000, $0x38;
	[tilespmem:$0x18600] =	vst v63  }
0x127: {  	s18 =	sld [smem:$0x7E9]  }
0x128: {  	[hbm4b:s0+s2] =	stream.linear.scatter [tilespmem:s13], [sflag:$0x9], $0x1000, $0x38;
	[tilespmem:$0x18600] =	vst v63  }
0x129: {  	_ = 	snop  }
0x12a: {  	[hbm4b:s18+s2] =	stream.linear.scatter [tilespmem:s14], [sflag:$0x9], $0x1000, $0x38;
	[tilespmem:$0x18600] =	vst v63  }
0x12b: {  	_ =	swait.ge [sflag:s15], $0x1000  }
0x12c: {  	[sflag:s15] =	ssyncset.done $0x0  }
0x12d: {  	[sflag:s15] =	ssyncadd.s32 $0xFFFFF000  }
0x12e: {  	_ =	swait.ge [sflag:s15], $0x1000  }
0x12f: {  	[sflag:s15] =	ssyncset.done $0x0  }
0x130: {  	[sflag:s15] =	ssyncadd.s32 $0xFFFFF000  }
0x131: {  	_ =	swait.ge [sflag:s15], $0x1000  }
0x132: {  	[sflag:s15] =	ssyncset.done $0x0  }
0x133: {  	[sflag:s15] =	ssyncadd.s32 $0xFFFFF000  }
0x134: {  	_ =	swait.ge [sflag:s15], $0x1000  }
0x135: {  	[sflag:s15] =	ssyncset.done $0x0  }
0x136: {  	[sflag:s15] =	ssyncadd.s32 $0xFFFFF000  }
0x137: {  	_ =	swait.ge [sflag:s15], $0x1000  }
0x138: {  	[sflag:s15] =	ssyncset.done $0x0  }
0x139: {  	[sflag:s15] =	ssyncadd.s32 $0xFFFFF000  }
0x13a: {  	_ =	swait.ge [sflag:s15], $0x1000  }
0x13b: {  	[sflag:s15] =	ssyncset.done $0x0  }
0x13c: {  	[sflag:s15] =	ssyncadd.s32 $0xFFFFF000  }
0x13d: {  	_ =	swait.ge [sflag:s15], $0x1000  }
0x13e: {  	[sflag:s15] =	ssyncset.done $0x0  }
0x13f: {  	[sflag:s15] =	ssyncadd.s32 $0xFFFFF000  }
0x140: {  	_ =	swait.ge [sflag:s15], $0x1000  }
0x141: {  	[sflag:s15] =	ssyncset.done $0x0  }
0x142: {  	[sflag:s15] =	ssyncadd.s32 $0xFFFFF000  }
0x143: {  	_ =	swait.ge [sflag:s15], $0x1000  }
0x144: {  	[sflag:s15] =	ssyncset.done $0x0  }
0x145: {  	[sflag:s15] =	ssyncadd.s32 $0xFFFFF000  }
0x146: {  	_ =	swait.ge [sflag:s15], $0x1000  }
0x147: {  	[sflag:s15] =	ssyncset.done $0x0  }
0x148: {  	[sflag:s15] =	ssyncadd.s32 $0xFFFFF000  }
0x149: {  	_ =	swait.ge [sflag:s15], $0x1000  }
0x14a: {  	[sflag:s15] =	ssyncset.done $0x0  }
0x14b: {  	[sflag:s15] =	ssyncadd.s32 $0xFFFFF000  }
0x14c: {  	_ =	swait.ge [sflag:s15], $0x1000  }
0x14d: {  	[sflag:s15] =	ssyncset.done $0x0  }
0x14e: {  	[sflag:s15] =	ssyncadd.s32 $0xFFFFF000  }
0x14f: {  	_ =	swait.ge [sflag:s15], $0x1000  }
0x150: {  	[sflag:s15] =	ssyncset.done $0x0  }
0x151: {  	[sflag:s15] =	ssyncadd.s32 $0xFFFFF000  }
0x152: {  	_ =	swait.ge [sflag:s15], $0x1000  }
0x153: {  	[sflag:s15] =	ssyncset.done $0x0  }
0x154: {  	[sflag:s15] =	ssyncadd.s32 $0xFFFFF000  }
0x155: {  	_ =	swait.ge [sflag:s15], $0x1000  }
0x156: {  	[sflag:s15] =	ssyncset.done $0x0  }
0x157: {  	[sflag:s15] =	ssyncadd.s32 $0xFFFFF000  }
0x158: {  	_ =	swait.ge [sflag:s15], $0x1000  }
0x159: {  	[sflag:s15] =	ssyncset.done $0x0  }
0x15a: {  	[sflag:s15] =	ssyncadd.s32 $0xFFFFF000  }
0x15b: {  	_ =	swait.ge [sflag:s15], $0x1000  }
0x15c: {  	[sflag:s15] =	ssyncset.done $0x0  }
0x15d: {  	[sflag:s15] =	ssyncadd.s32 $0xFFFFF000  }
0x15e: {  	_ =	swait.ge [sflag:s15], $0x1000  }
0x15f: {  	[sflag:s15] =	ssyncset.done $0x0  }
0x160: {  	[sflag:s15] =	ssyncadd.s32 $0xFFFFF000  }
0x161: {  	_ =	swait.ge [sflag:s15], $0x1000  }
0x162: {  	[sflag:s15] =	ssyncset.done $0x0  }
0x163: {  	[sflag:s15] =	ssyncadd.s32 $0xFFFFF000  }
0x164: {  	_ =	swait.ge [sflag:s15], $0x1000  }
0x165: {  	[sflag:s15] =	ssyncset.done $0x0  }
0x166: {  	[sflag:s15] =	ssyncadd.s32 $0xFFFFF000  }
0x167: {  	_ =	swait.ge [sflag:s15], $0x1000  }
0x168: {  	[sflag:s15] =	ssyncset.done $0x0  }
0x169: {  	[sflag:s15] =	ssyncadd.s32 $0xFFFFF000  }
0x16a: {  	_ =	swait.ge [sflag:s15], $0x1000  }
0x16b: {  	[sflag:s15] =	ssyncset.done $0x0  }
0x16c: {  	[sflag:s15] =	ssyncadd.s32 $0xFFFFF000  }
0x16d: {  	p0 =	sne.s32 s4, $0x1;
	_ =	swait.ge [sflag:s15], $0x1000  }
.Ltmp0:
0x16e: {  	[sflag:s15] =	ssyncset.done $0x0;
	(pc) =	sbr.rel @p0 .LBB2_1-.Ltmp0, $4  }
0x16f: {  	[sflag:s15] =	ssyncadd.s32 $0xFFFFF000  }
0x170: {  	_ =	swait.ge [sflag:s15], $0x1000  }
0x171: {  	[sflag:s15] =	ssyncset.done $0x0  }
0x172: {  	s4 =	sadd.s32 $0xFFFFFFFF, s4;
	[sflag:s15] =	ssyncadd.s32 $0xFFFFF000  }
0x173: {  	_ =	sfence.sel $0x180000  }
0x174: {  	[bflag:$0x0] =	sbarrier.arrive $0xFFFF  }
0x175: {  	_ =	strace $0x90000047  }
0x176: {  	s0 =	stileid.u32;
	[bflag:$0x2] =	sbarrier.arrive $0xFFFF  }
0x177: {  	p0 =	sne.s32 s0, $0x0;
	s0 =	rddreg [dreg:$0x6]  }
0x178: {  	s0 =	sadd.s32 @!p0 $0x100000, s0  }
0x179: {  	[sflag:s0] =	ssyncadd.tile.s32 @!p0 $0x1;
	_ =	shalt  }
.Lfunc_end2:
_tile_overlayer_lowered:
.L_overlay_start_2:
0x17a: {  	(tag) =	ssettag $0x2  }
0x17b: {  	s0 =	rddreg [dreg:$0x0];
	s2 =	stileid.u32  }
0x17c: {  	s1 =	rddreg [dreg:$0x1];
	p0 =	sne.s32 s2, $0x0  }
0x17d: {  	s3 =	rddreg [dreg:$0x2];
	[bflag:$0x3] =	sbarrier.arrive $0xFFFF;
	s2 =	simm.s32 @!p0 $0x1C0A  }
0x17e: {  	[timem:s3], [sflag:s2] =	dma.local @!p0 [hbm:s0], s1  }
0x17f: {  	s0 =	simm.s32 @!p0 $0xA  }
0x180: {  	_ =	swait.ge @!p0 [sflag:s0], s1  }
0x181: {  	s1 =	ssub.s32 @!p0 $0x0, s1;
	[sflag:s0] =	ssyncset.done @!p0 $0x0  }
0x182: {  	[sflag:s0] =	ssyncadd.s32 @!p0 s1  }
0x183: {  	[bflag:$0x3] =	sbarrier.arrive $0xFFFF  }
0x184: {  	_ =	shalt  }

</sc_bundles>
